<compile_context>
chip_gen: v7x
topology: tpu7x:2x2x1
jax: 0.10.2.dev20260603
libtpu: 0.0.44.dev20260713+nightly
codegen_flags: <defaults>
</compile_context>

<pallas_src>
import functools

import jax
import jax.numpy as jnp
from jax.experimental import pallas as pl
from jax.experimental.pallas import tpu as pltpu
from jax.experimental.pallas import tpu_sc as plsc

DIM = 1024
E = 16
H = 8
HD = DIM // H
SCALE = HD ** -0.5
SWITCHLOSS = 0.1
ZLOSS = 0.001
B = 2
N = 2048
T = B * N

BT = 1024
BQ = 512
NW = 32
TOKW = T // NW


def _logits_kv_kernel(x_ref, wg_ref, wkv_ref, bkv_ref,
                      logits_ref, k_ref, v_ref, zstat_ref):
    i = pl.program_id(0)
    xb = x_ref[...]

    logits = jnp.dot(xb, wg_ref[...], preferred_element_type=jnp.float32)
    logits_ref[...] = logits
    m = jnp.max(logits, axis=1, keepdims=True)
    se = jnp.sum(jnp.exp(logits - m), axis=1, keepdims=True)
    lse = jnp.log(se) + m
    zacc = jnp.sum(lse * lse)
    zrow = jnp.full((8, E), zacc, dtype=jnp.float32)

    kv = jnp.dot(xb.astype(jnp.bfloat16), wkv_ref[...],
                 preferred_element_type=jnp.float32)
    kv = kv + bkv_ref[...]
    k_ref[...] = kv[:, :HD].astype(jnp.bfloat16)
    v_ref[...] = jnp.concatenate(
        [kv[:, HD:].astype(jnp.bfloat16),
         jnp.ones((BT, HD), jnp.bfloat16)], axis=1)

    @pl.when(i == 0)
    def _init():
        zstat_ref[...] = zrow

    @pl.when(i > 0)
    def _acc():
        zstat_ref[...] = zstat_ref[...] + zrow


def _router_kernel(logits_hbm, g_hbm, idx_hbm, freq_hbm, psum_hbm,
                   lvm, gvm, ivm, fvm, pvm):
    c = jax.lax.axis_index("c")
    s_ = jax.lax.axis_index("s")
    wid = s_ * 2 + c
    base = wid * TOKW
    pltpu.sync_copy(logits_hbm.at[pl.ds(base, TOKW)], lvm)

    iota16 = jax.lax.iota(jnp.int32, 16)
    mask8 = iota16 < H
    fvm[...] = jnp.zeros((E,), jnp.float32)
    ones16 = jnp.ones((E,), jnp.float32)

    def body(i, psacc):
        row = lvm[i]
        mx = jnp.max(row)
        ex = jnp.exp(row - mx)
        probs = ex / jnp.sum(ex)
        sp, si = plsc.sort_key_val(probs, iota16, descending=True)
        topg = jnp.where(mask8, sp, 0.0)
        gn = topg / (jnp.sum(topg) + 1e-6)
        gvm[i] = gn
        ivm[i] = si
        plsc.addupdate_scatter(fvm, [si], ones16, mask=mask8)
        return psacc + probs

    ps = jax.lax.fori_loop(0, TOKW, body, jnp.zeros((E,), jnp.float32))
    pvm[...] = ps
    pltpu.sync_copy(gvm, g_hbm.at[pl.ds(base, TOKW)])
    pltpu.sync_copy(ivm, idx_hbm.at[pl.ds(base, TOKW)])
    pltpu.sync_copy(fvm, freq_hbm.at[wid])
    pltpu.sync_copy(pvm, psum_hbm.at[wid])


def _qsel_kernel(x_ref, wqt_ref, idx_ref, q_ref):
    xb16 = x_ref[...].astype(jnp.bfloat16)
    allq = jnp.dot(xb16, wqt_ref[...], preferred_element_type=jnp.float32)
    allq16 = (allq * (SCALE * 1.4426950408889634)).astype(jnp.bfloat16)
    slots = [allq16[:, e * HD:(e + 1) * HD] for e in range(E)]
    idx = idx_ref[...]
    for k in range(H):
        idxk = idx[:, k:k + 1]
        lvl = slots
        for bit in range(4):
            m_ = ((idxk >> bit) & 1) == 1
            lvl = [jnp.where(m_, lvl[2 * j + 1], lvl[2 * j])
                   for j in range(len(lvl) // 2)]
        q_ref[k, :, :] = lvl[0]


def _attn_combine_kernel(q_ref, k_ref, v_ref, g_ref, idx_ref, wout_ref,
                         zstat_ref, freq_ref, psum_ref, y_ref, aux_ref):
    b = pl.program_id(0)
    i = pl.program_id(1)

    kk = k_ref[...]
    vv = v_ref[...]
    g = g_ref[...]
    idx = idx_ref[...]
    zero = jnp.zeros((BQ, HD), jnp.bfloat16)
    xe = [zero] * E
    for h in range(H):
        s = jax.lax.dot_general(q_ref[h], kk, (((1,), (1,)), ((), ())),
                                preferred_element_type=jnp.float32)
        p = jnp.exp2(s.astype(jnp.bfloat16))
        oe = jnp.dot(p, vv, preferred_element_type=jnp.float32)
        o = oe[:, :HD] / oe[:, HD:]
        go = (g[:, h:h + 1] * o).astype(jnp.bfloat16)
        idxh = idx[:, h:h + 1]
        for e in range(E):
            xe[e] = xe[e] + jnp.where(idxh == e, go, zero)

    xef = jnp.concatenate(xe, axis=1)
    y_ref[...] = jnp.dot(xef, wout_ref[...],
                         preferred_element_type=jnp.float32)

    @pl.when((b == 0) & (i == 0))
    def _aux():
        freqs = jnp.sum(freq_ref[...], axis=0, keepdims=True)
        p_sum = jnp.sum(psum_ref[...], axis=0, keepdims=True)
        zacc = jnp.sum(zstat_ref[0:1, 0:1])
        norm_p = p_sum / (jnp.sum(jnp.abs(p_sum)) + 1e-12)
        norm_f = freqs / (jnp.sum(jnp.abs(freqs)) + 1e-12)
        switch = E * jnp.sum(norm_p * norm_f)
        zl = zacc / T
        aux_ref[...] = jnp.full((1, 1), SWITCHLOSS * switch + ZLOSS * zl,
                                dtype=jnp.float32)


@jax.jit
def kernel(x, Wg, Wq, Wout, Wkv, bkv):
    xf = x.reshape(T, DIM)
    wqt = Wq.transpose(1, 0, 2).reshape(DIM, E * HD).astype(jnp.bfloat16)
    wkv16 = Wkv.astype(jnp.bfloat16)
    wout_f = Wout.reshape(E * HD, DIM).astype(jnp.bfloat16)
    bkv2 = bkv.reshape(1, 2 * HD)

    nt = T // BT
    logits, k, v, zstat = pl.pallas_call(
        _logits_kv_kernel,
        grid=(nt,),
        in_specs=[
            pl.BlockSpec((BT, DIM), lambda i: (i, 0)),
            pl.BlockSpec((DIM, E), lambda i: (0, 0)),
            pl.BlockSpec((DIM, 2 * HD), lambda i: (0, 0)),
            pl.BlockSpec((1, 2 * HD), lambda i: (0, 0)),
        ],
        out_specs=[
            pl.BlockSpec((BT, E), lambda i: (i, 0)),
            pl.BlockSpec((BT, HD), lambda i: (i, 0)),
            pl.BlockSpec((BT, 2 * HD), lambda i: (i, 0)),
            pl.BlockSpec((8, E), lambda i: (0, 0)),
        ],
        out_shape=[
            jax.ShapeDtypeStruct((T, E), jnp.float32),
            jax.ShapeDtypeStruct((T, HD), jnp.bfloat16),
            jax.ShapeDtypeStruct((T, 2 * HD), jnp.bfloat16),
            jax.ShapeDtypeStruct((8, E), jnp.float32),
        ],
    )(xf, Wg, wkv16, bkv2)

    router = functools.partial(
        pl.kernel,
        mesh=plsc.VectorSubcoreMesh(core_axis_name="c", subcore_axis_name="s"),
        compiler_params=pltpu.CompilerParams(needs_layout_passes=False),
        out_type=[
            jax.ShapeDtypeStruct((T, E), jnp.float32),
            jax.ShapeDtypeStruct((T, E), jnp.int32),
            jax.ShapeDtypeStruct((NW, E), jnp.float32),
            jax.ShapeDtypeStruct((NW, E), jnp.float32),
        ],
        scratch_types=[
            pltpu.VMEM((TOKW, E), jnp.float32),
            pltpu.VMEM((TOKW, E), jnp.float32),
            pltpu.VMEM((TOKW, E), jnp.int32),
            pltpu.VMEM((E,), jnp.float32),
            pltpu.VMEM((E,), jnp.float32),
        ],
    )(_router_kernel)
    g16, idx16, freqp, psump = router(logits)

    q = pl.pallas_call(
        _qsel_kernel,
        grid=(nt,),
        in_specs=[
            pl.BlockSpec((BT, DIM), lambda i: (i, 0)),
            pl.BlockSpec((DIM, E * HD), lambda i: (0, 0)),
            pl.BlockSpec((BT, E), lambda i: (i, 0)),
        ],
        out_specs=pl.BlockSpec((H, BT, HD), lambda i: (0, i, 0)),
        out_shape=jax.ShapeDtypeStruct((H, T, HD), jnp.bfloat16),
    )(xf, wqt, idx16)

    nb = N // BQ
    y, aux = pl.pallas_call(
        _attn_combine_kernel,
        grid=(B, nb),
        in_specs=[
            pl.BlockSpec((H, BQ, HD), lambda b, i: (0, b * nb + i, 0)),
            pl.BlockSpec((N, HD), lambda b, i: (b, 0)),
            pl.BlockSpec((N, 2 * HD), lambda b, i: (b, 0)),
            pl.BlockSpec((BQ, E), lambda b, i: (b * nb + i, 0)),
            pl.BlockSpec((BQ, E), lambda b, i: (b * nb + i, 0)),
            pl.BlockSpec((E * HD, DIM), lambda b, i: (0, 0)),
            pl.BlockSpec((8, E), lambda b, i: (0, 0)),
            pl.BlockSpec((NW, E), lambda b, i: (0, 0)),
            pl.BlockSpec((NW, E), lambda b, i: (0, 0)),
        ],
        out_specs=[
            pl.BlockSpec((BQ, DIM), lambda b, i: (b * nb + i, 0)),
            pl.BlockSpec((1, 1), lambda b, i: (0, 0)),
        ],
        out_shape=[
            jax.ShapeDtypeStruct((T, DIM), jnp.float32),
            jax.ShapeDtypeStruct((1, 1), jnp.float32),
        ],
    )(q, k, v, g16, idx16, wout_f, zstat, freqp, psump)

    return y.reshape(B, N, DIM), aux[0, 0]

# --- scband reference (transcript-rebuilt; emitter-appended) ---
"""Pipeline reference for scband-mo-eattention-10952166605243 (READ-ONLY COPY).

The authoritative reference and input builder live on the scoring server;
editing this copy changes nothing except your own understanding.
"""

import jax, jax.numpy as jnp
import numpy as np

DIM = 1024
E = 16
H = 8
HD = DIM // H
SCALE = HD ** -0.5
SWITCHLOSS = 0.1
ZLOSS = 0.001
B = 2
N = 2048


def setup_inputs(seed: int = 0):
    key = jax.random.key(seed)
    ks = jax.random.split(key, 6)
    x = jax.random.normal(ks[0], (B, N, DIM), dtype=jnp.float32)
    Wg = jax.random.normal(ks[1], (DIM, E), dtype=jnp.float32) * 0.02
    Wq = jax.random.normal(ks[2], (E, DIM, HD), dtype=jnp.float32) * 0.02
    Wout = jax.random.normal(ks[3], (E, HD, DIM), dtype=jnp.float32) * 0.02
    Wkv = jax.random.normal(ks[4], (DIM, 2 * HD), dtype=jnp.float32) * 0.02
    bkv = jnp.zeros((2 * HD,), dtype=jnp.float32)
    return {"x": x, "Wg": Wg, "Wq": Wq, "Wout": Wout, "Wkv": Wkv, "bkv": bkv}


def _moe_attention(x, Wg, Wq, Wout, Wkv, bkv):
    Bb, Nn, C = x.shape
    T = Bb * Nn
    xf = x.reshape(T, C)
    # --- MoE.map: noisy-top-k gating (eval mode: clean logits) ---
    logits = xf @ Wg                                  # [T, E]
    probs = jax.nn.softmax(logits, axis=-1)
    g, idx = jax.lax.top_k(probs, H)                  # k = num_heads experts per token
    g = g / (jnp.sum(g, axis=-1, keepdims=True) + 1e-6)
    # dense-but-equivalent expert projection + gather of selected experts
    all_q = jnp.einsum('td,edh->teh', xf, Wq)         # [T, E, HD]
    q = jnp.take_along_axis(all_q, idx[:, :, None], axis=1)  # [T, H, HD]
    # --- aux losses (cvloss=0, switchloss, zloss) ---
    onehot = jax.nn.one_hot(idx, E, dtype=jnp.float32)  # [T, H, E]
    freqs = jnp.sum(onehot, axis=(0, 1))                # expert_size counts
    p_sum = jnp.sum(probs, axis=0)
    norm_p = p_sum / (jnp.sum(jnp.abs(p_sum)) + 1e-12)
    norm_f = freqs / (jnp.sum(jnp.abs(freqs)) + 1e-12)
    switch = E * jnp.sum(norm_p * norm_f)
    lse = jax.scipy.special.logsumexp(logits, axis=1)
    zl = jnp.mean(lse ** 2)
    aux_loss = SWITCHLOSS * switch + ZLOSS * zl
    # --- shared kv projection ---
    kv = xf @ Wkv + bkv
    k_ = kv[:, :HD].reshape(Bb, Nn, HD)
    v_ = kv[:, HD:].reshape(Bb, Nn, HD)
    q4 = q.reshape(Bb, Nn, H, HD)
    attn = jnp.einsum('bihd,bjd->bhij', q4, k_) * SCALE
    clamp_value = jnp.finfo(attn.dtype).max - 1000
    attn = jnp.clip(attn, -clamp_value, clamp_value)
    attn = jax.nn.softmax(attn, axis=-1)
    o = jnp.einsum('bhij,bjd->bihd', attn, v_)        # [B, N, H, HD]
    # --- MoE.reduce: gated combine through per-expert output projections ---
    of = o.reshape(T, H, HD)
    Xe = jnp.einsum('tke,tkh->teh', onehot * g[:, :, None], of)  # [T, E, HD]
    y = jnp.einsum('teh,ehd->td', Xe, Wout).reshape(Bb, Nn, C)
    return y, aux_loss


def reference(x, Wg, Wq, Wout, Wkv, bkv):
    return _moe_attention(x, Wg, Wq, Wout, Wkv, bkv)

if __name__ == "__main__":
    import jax
    _d = setup_inputs()
    print(jax.jit(kernel)(*tuple(_d.values())))

</pallas_src>

<mosaic_0001>
#map = affine_map<(d0, d1) -> (0, 0)>
module attributes {stable_mosaic.version = 14 : i64} {
  func.func @_router_kernel(%arg0: i32, %arg1: i32, %arg2: memref<4096x16xf32, #tpu.memory_space<hbm>>, %arg3: memref<4096x16xf32, #tpu.memory_space<hbm>>, %arg4: memref<4096x16xi32, #tpu.memory_space<hbm>>, %arg5: memref<32x16xf32, #tpu.memory_space<hbm>>, %arg6: memref<32x16xf32, #tpu.memory_space<hbm>>, %arg7: memref<128x16xf32, #tpu.memory_space<vmem>>, %arg8: memref<128x16xf32, #tpu.memory_space<vmem>>, %arg9: memref<128x16xi32, #tpu.memory_space<vmem>>, %arg10: memref<16xf32, #tpu.memory_space<vmem>>, %arg11: memref<16xf32, #tpu.memory_space<vmem>>) attributes {dimension_semantics = [#tpu.dimension_semantics<core_parallel>, #tpu.dimension_semantics<subcore_parallel>], iteration_bounds = array<i64: 2, 16>, scalar_prefetch = 0 : i64, scratch_operands = 5 : i64, tpu.core_type = #tpu.core_type<sc_vector_subcore>, window_params = [{transform_indices = #map}, {transform_indices = #map}, {transform_indices = #map}, {transform_indices = #map}, {transform_indices = #map}]} {
    %mul3A = arith.constant 2 : i32
    %mul3A_0 = arith.muli %arg1, %mul3A : i32
    %add3A = arith.addi %mul3A_0, %arg0 : i32
    %mul3A_1 = arith.constant 128 : i32
    %mul3A_2 = arith.muli %add3A, %mul3A_1 : i32
    "tpu.region"() ({
      %run_scoped3A = tpu.sem_alloc : memref<!tpu.dma_semaphore, #tpu.memory_space<semaphore_mem>>
      %dma_start3A = arith.constant 0 : i32
      %dma_start3A_18 = tpu.memref_slice %arg2[%mul3A_2, %dma_start3A] : memref<4096x16xf32, #tpu.memory_space<hbm>> -> memref<128x16xf32, #tpu.memory_space<hbm>>
      %dma_start3A_19 = arith.constant 0 : i32
      %dma_start3A_20 = tpu.memref_slice %arg2[%mul3A_2, %dma_start3A_19] : memref<4096x16xf32, #tpu.memory_space<hbm>> -> memref<128x16xf32, #tpu.memory_space<hbm>>
      tpu.enqueue_dma source(%dma_start3A_20 : memref<128x16xf32, #tpu.memory_space<hbm>>) target(%arg7 : memref<128x16xf32, #tpu.memory_space<vmem>>) target_semaphore(%run_scoped3A : memref<!tpu.dma_semaphore, #tpu.memory_space<semaphore_mem>>)
      %dma_wait3A = arith.constant 0 : i32
      %dma_wait3A_21 = tpu.memref_slice %arg2[%mul3A_2, %dma_wait3A] : memref<4096x16xf32, #tpu.memory_space<hbm>> -> memref<128x16xf32, #tpu.memory_space<hbm>>
      %dma_wait3A_22 = arith.constant 0 : i32
      %dma_wait3A_23 = tpu.memref_slice %arg2[%mul3A_2, %dma_wait3A_22] : memref<4096x16xf32, #tpu.memory_space<hbm>> -> memref<128x16xf32, #tpu.memory_space<hbm>>
      tpu.wait_dma2 semaphore(%run_scoped3A : memref<!tpu.dma_semaphore, #tpu.memory_space<semaphore_mem>>) src(%dma_wait3A_23 : memref<128x16xf32, #tpu.memory_space<hbm>>) dst(%arg7 : memref<128x16xf32, #tpu.memory_space<vmem>>)
      tpu.yield
    }) : () -> ()
    %iota3A = tpu.iota {dimensions = array<i32: 0>} : vector<16xi32>
    %lt3A = arith.constant 8 : i32
    %lt3A_3 = vector.broadcast %lt3A : i32 to vector<16xi32>
    %lt3A_4 = arith.cmpi slt, %iota3A, %lt3A_3 : vector<16xi32>
    %broadcast_in_dim3A = arith.constant 0.000000e+00 : f32
    %broadcast_in_dim3A_5 = vector.broadcast %broadcast_in_dim3A : f32 to vector<16xf32>
    %swap3A = arith.constant 0 : index
    %swap3A_6 = tpu.vector_load %arg10[%swap3A] {strides = array<i32>} : memref<16xf32, #tpu.memory_space<vmem>>, vector<16xf32>,
    tpu.vector_store %arg10[%swap3A], %broadcast_in_dim3A_5 {strides = array<i32>} : memref<16xf32, #tpu.memory_space<vmem>>, vector<16xf32>,
    %broadcast_in_dim3A_7 = arith.constant 1.000000e+00 : f32
    %broadcast_in_dim3A_8 = vector.broadcast %broadcast_in_dim3A_7 : f32 to vector<16xf32>
    %broadcast_in_dim3A_9 = arith.constant 0.000000e+00 : f32
    %broadcast_in_dim3A_10 = vector.broadcast %broadcast_in_dim3A_9 : f32 to vector<16xf32>
    %scan3A = arith.constant 0 : i32
    %scan3A_11 = arith.constant 128 : i32
    %scan3A_12 = arith.addi %scan3A, %scan3A_11 : i32
    %scan3A_13 = arith.constant 1 : i32
    %scan3A_14 = scf.for %scan3A_18 = %scan3A to %scan3A_12 step %scan3A_13 iter_args(%scan3A_19 = %broadcast_in_dim3A_10) -> (vector<16xf32>)  : i32 {
      %get3A = arith.index_cast %scan3A_18 : i32 to index
      %get3A_20 = arith.constant 0 : index
      %get3A_21 = tpu.vector_load %arg7[%get3A, %get3A_20] {strides = array<i32>} : memref<128x16xf32, #tpu.memory_space<vmem>>, vector<16xf32>,
      %reduce_max3A = arith.constant true
      %reduce_max3A_22 = vector.broadcast %reduce_max3A : i1 to vector<16xi1>
      %reduce_max3A_23 = tpu.scan <max>, %get3A_21 masked %reduce_max3A_22 : vector<16xf32>, vector<16xi1> -> vector<16xf32>
      %reduce_max3A_24 = vector.extract %reduce_max3A_23[15] : f32 from vector<16xf32>
      %sub3A = vector.broadcast %reduce_max3A_24 : f32 to vector<16xf32>
      %sub3A_25 = arith.subf %get3A_21, %sub3A : vector<16xf32>
      %exp3A = math.exp %sub3A_25 : vector<16xf32>
      %reduce_sum3A = arith.constant true
      %reduce_sum3A_26 = vector.broadcast %reduce_sum3A : i1 to vector<16xi1>
      %reduce_sum3A_27 = tpu.scan <sum>, %exp3A masked %reduce_sum3A_26 : vector<16xf32>, vector<16xi1> -> vector<16xf32>
      %reduce_sum3A_28 = vector.extract %reduce_sum3A_27[15] : f32 from vector<16xf32>
      %div3A = vector.broadcast %reduce_sum3A_28 : f32 to vector<16xf32>
      %div3A_29 = arith.divf %exp3A, %div3A : vector<16xf32>
      %masked_sort3A = arith.constant dense<true> : vector<16xi1>
      %masked_sort3A_30, %masked_sort3A_31, %masked_sort3A_32 = tpu.sort %div3A_29, %iota3A masked %masked_sort3A {descending = true} : (vector<16xf32>, vector<16xi32>, vector<16xi1>) -> (vector<16xi1>, vector<16xf32>, vector<16xi32>)
      %jit3A = arith.constant 0.000000e+00 : f32
      %broadcast_in_dim3A_33 = vector.broadcast %jit3A : f32 to vector<16xf32>
      %select_n3A = arith.select %lt3A_4, %masked_sort3A_31, %broadcast_in_dim3A_33 : vector<16xi1>, vector<16xf32>
      %reduce_sum3A_34 = arith.constant true
      %reduce_sum3A_35 = vector.broadcast %reduce_sum3A_34 : i1 to vector<16xi1>
      %reduce_sum3A_36 = tpu.scan <sum>, %select_n3A masked %reduce_sum3A_35 : vector<16xf32>, vector<16xi1> -> vector<16xf32>
      %reduce_sum3A_37 = vector.extract %reduce_sum3A_36[15] : f32 from vector<16xf32>
      %add3A_38 = arith.constant 9.99999997E-7 : f32
      %add3A_39 = arith.addf %reduce_sum3A_37, %add3A_38 : f32
      %div3A_40 = vector.broadcast %add3A_39 : f32 to vector<16xf32>
      %div3A_41 = arith.divf %select_n3A, %div3A_40 : vector<16xf32>
      %swap3A_42 = arith.index_cast %scan3A_18 : i32 to index
      %swap3A_43 = arith.constant 0 : index
      %swap3A_44 = tpu.vector_load %arg8[%swap3A_42, %swap3A_43] {strides = array<i32>} : memref<128x16xf32, #tpu.memory_space<vmem>>, vector<16xf32>,
      tpu.vector_store %arg8[%swap3A_42, %swap3A_43], %div3A_41 {strides = array<i32>} : memref<128x16xf32, #tpu.memory_space<vmem>>, vector<16xf32>,
      %swap3A_45 = arith.index_cast %scan3A_18 : i32 to index
      %swap3A_46 = arith.constant 0 : index
      %swap3A_47 = tpu.vector_load %arg9[%swap3A_45, %swap3A_46] {strides = array<i32>} : memref<128x16xi32, #tpu.memory_space<vmem>>, vector<16xi32>,
      tpu.vector_store %arg9[%swap3A_45, %swap3A_46], %masked_sort3A_32 {strides = array<i32>} : memref<128x16xi32, #tpu.memory_space<vmem>>, vector<16xi32>,
      tpu.vector_store_idx %arg10[%masked_sort3A_32], %broadcast_in_dim3A_8 masked %lt3A_4 {add = true} : memref<16xf32, #tpu.memory_space<vmem>>[vector<16xi32>], vector<16xf32>, vector<16xi1>
      %add3A_48 = arith.addf %scan3A_19, %div3A_29 : vector<16xf32>
      scf.yield %add3A_48 : vector<16xf32>
    }
    %scan3A_15 = arith.constant 128 : i32
    %swap3A_16 = arith.constant 0 : index
    %swap3A_17 = tpu.vector_load %arg11[%swap3A_16] {strides = array<i32>} : memref<16xf32, #tpu.memory_space<vmem>>, vector<16xf32>,
    tpu.vector_store %arg11[%swap3A_16], %scan3A_14 {strides = array<i32>} : memref<16xf32, #tpu.memory_space<vmem>>, vector<16xf32>,
    "tpu.region"() ({
      %run_scoped3A = tpu.sem_alloc : memref<!tpu.dma_semaphore, #tpu.memory_space<semaphore_mem>>
      %dma_start3A = arith.constant 0 : i32
      %dma_start3A_18 = tpu.memref_slice %arg3[%mul3A_2, %dma_start3A] : memref<4096x16xf32, #tpu.memory_space<hbm>> -> memref<128x16xf32, #tpu.memory_space<hbm>>
      %dma_start3A_19 = arith.constant 0 : i32
      %dma_start3A_20 = tpu.memref_slice %arg3[%mul3A_2, %dma_start3A_19] : memref<4096x16xf32, #tpu.memory_space<hbm>> -> memref<128x16xf32, #tpu.memory_space<hbm>>
      tpu.enqueue_dma source(%arg8 : memref<128x16xf32, #tpu.memory_space<vmem>>) target(%dma_start3A_20 : memref<128x16xf32, #tpu.memory_space<hbm>>) target_semaphore(%run_scoped3A : memref<!tpu.dma_semaphore, #tpu.memory_space<semaphore_mem>>)
      %dma_wait3A = arith.constant 0 : i32
      %dma_wait3A_21 = tpu.memref_slice %arg3[%mul3A_2, %dma_wait3A] : memref<4096x16xf32, #tpu.memory_space<hbm>> -> memref<128x16xf32, #tpu.memory_space<hbm>>
      %dma_wait3A_22 = arith.constant 0 : i32
      %dma_wait3A_23 = tpu.memref_slice %arg3[%mul3A_2, %dma_wait3A_22] : memref<4096x16xf32, #tpu.memory_space<hbm>> -> memref<128x16xf32, #tpu.memory_space<hbm>>
      tpu.wait_dma2 semaphore(%run_scoped3A : memref<!tpu.dma_semaphore, #tpu.memory_space<semaphore_mem>>) src(%arg8 : memref<128x16xf32, #tpu.memory_space<vmem>>) dst(%dma_wait3A_23 : memref<128x16xf32, #tpu.memory_space<hbm>>)
      tpu.yield
    }) : () -> ()
    "tpu.region"() ({
      %run_scoped3A = tpu.sem_alloc : memref<!tpu.dma_semaphore, #tpu.memory_space<semaphore_mem>>
      %dma_start3A = arith.constant 0 : i32
      %dma_start3A_18 = tpu.memref_slice %arg4[%mul3A_2, %dma_start3A] : memref<4096x16xi32, #tpu.memory_space<hbm>> -> memref<128x16xi32, #tpu.memory_space<hbm>>
      %dma_start3A_19 = arith.constant 0 : i32
      %dma_start3A_20 = tpu.memref_slice %arg4[%mul3A_2, %dma_start3A_19] : memref<4096x16xi32, #tpu.memory_space<hbm>> -> memref<128x16xi32, #tpu.memory_space<hbm>>
      tpu.enqueue_dma source(%arg9 : memref<128x16xi32, #tpu.memory_space<vmem>>) target(%dma_start3A_20 : memref<128x16xi32, #tpu.memory_space<hbm>>) target_semaphore(%run_scoped3A : memref<!tpu.dma_semaphore, #tpu.memory_space<semaphore_mem>>)
      %dma_wait3A = arith.constant 0 : i32
      %dma_wait3A_21 = tpu.memref_slice %arg4[%mul3A_2, %dma_wait3A] : memref<4096x16xi32, #tpu.memory_space<hbm>> -> memref<128x16xi32, #tpu.memory_space<hbm>>
      %dma_wait3A_22 = arith.constant 0 : i32
      %dma_wait3A_23 = tpu.memref_slice %arg4[%mul3A_2, %dma_wait3A_22] : memref<4096x16xi32, #tpu.memory_space<hbm>> -> memref<128x16xi32, #tpu.memory_space<hbm>>
      tpu.wait_dma2 semaphore(%run_scoped3A : memref<!tpu.dma_semaphore, #tpu.memory_space<semaphore_mem>>) src(%arg9 : memref<128x16xi32, #tpu.memory_space<vmem>>) dst(%dma_wait3A_23 : memref<128x16xi32, #tpu.memory_space<hbm>>)
      tpu.yield
    }) : () -> ()
    "tpu.region"() ({
      %run_scoped3A = tpu.sem_alloc : memref<!tpu.dma_semaphore, #tpu.memory_space<semaphore_mem>>
      %dma_start3A = arith.constant 0 : i32
      %dma_start3A_18 = tpu.memref_slice %arg5[%add3A, %dma_start3A] : memref<32x16xf32, #tpu.memory_space<hbm>> -> memref<1x16xf32, #tpu.memory_space<hbm>>
      %dma_start3A_19 = tpu.memref_squeeze %dma_start3A_18 : memref<1x16xf32, #tpu.memory_space<hbm>> -> memref<16xf32, #tpu.memory_space<hbm>>
      %dma_start3A_20 = arith.constant 0 : i32
      %dma_start3A_21 = tpu.memref_slice %arg5[%add3A, %dma_start3A_20] : memref<32x16xf32, #tpu.memory_space<hbm>> -> memref<1x16xf32, #tpu.memory_space<hbm>>
      %dma_start3A_22 = tpu.memref_squeeze %dma_start3A_21 : memref<1x16xf32, #tpu.memory_space<hbm>> -> memref<16xf32, #tpu.memory_space<hbm>>
      tpu.enqueue_dma source(%arg10 : memref<16xf32, #tpu.memory_space<vmem>>) target(%dma_start3A_22 : memref<16xf32, #tpu.memory_space<hbm>>) target_semaphore(%run_scoped3A : memref<!tpu.dma_semaphore, #tpu.memory_space<semaphore_mem>>)
      %dma_wait3A = arith.constant 0 : i32
      %dma_wait3A_23 = tpu.memref_slice %arg5[%add3A, %dma_wait3A] : memref<32x16xf32, #tpu.memory_space<hbm>> -> memref<1x16xf32, #tpu.memory_space<hbm>>
      %dma_wait3A_24 = tpu.memref_squeeze %dma_wait3A_23 : memref<1x16xf32, #tpu.memory_space<hbm>> -> memref<16xf32, #tpu.memory_space<hbm>>
      %dma_wait3A_25 = arith.constant 0 : i32
      %dma_wait3A_26 = tpu.memref_slice %arg5[%add3A, %dma_wait3A_25] : memref<32x16xf32, #tpu.memory_space<hbm>> -> memref<1x16xf32, #tpu.memory_space<hbm>>
      %dma_wait3A_27 = tpu.memref_squeeze %dma_wait3A_26 : memref<1x16xf32, #tpu.memory_space<hbm>> -> memref<16xf32, #tpu.memory_space<hbm>>
      tpu.wait_dma2 semaphore(%run_scoped3A : memref<!tpu.dma_semaphore, #tpu.memory_space<semaphore_mem>>) src(%arg10 : memref<16xf32, #tpu.memory_space<vmem>>) dst(%dma_wait3A_27 : memref<16xf32, #tpu.memory_space<hbm>>)
      tpu.yield
    }) : () -> ()
    "tpu.region"() ({
      %run_scoped3A = tpu.sem_alloc : memref<!tpu.dma_semaphore, #tpu.memory_space<semaphore_mem>>
      %dma_start3A = arith.constant 0 : i32
      %dma_start3A_18 = tpu.memref_slice %arg6[%add3A, %dma_start3A] : memref<32x16xf32, #tpu.memory_space<hbm>> -> memref<1x16xf32, #tpu.memory_space<hbm>>
      %dma_start3A_19 = tpu.memref_squeeze %dma_start3A_18 : memref<1x16xf32, #tpu.memory_space<hbm>> -> memref<16xf32, #tpu.memory_space<hbm>>
      %dma_start3A_20 = arith.constant 0 : i32
      %dma_start3A_21 = tpu.memref_slice %arg6[%add3A, %dma_start3A_20] : memref<32x16xf32, #tpu.memory_space<hbm>> -> memref<1x16xf32, #tpu.memory_space<hbm>>
      %dma_start3A_22 = tpu.memref_squeeze %dma_start3A_21 : memref<1x16xf32, #tpu.memory_space<hbm>> -> memref<16xf32, #tpu.memory_space<hbm>>
      tpu.enqueue_dma source(%arg11 : memref<16xf32, #tpu.memory_space<vmem>>) target(%dma_start3A_22 : memref<16xf32, #tpu.memory_space<hbm>>) target_semaphore(%run_scoped3A : memref<!tpu.dma_semaphore, #tpu.memory_space<semaphore_mem>>)
      %dma_wait3A = arith.constant 0 : i32
      %dma_wait3A_23 = tpu.memref_slice %arg6[%add3A, %dma_wait3A] : memref<32x16xf32, #tpu.memory_space<hbm>> -> memref<1x16xf32, #tpu.memory_space<hbm>>
      %dma_wait3A_24 = tpu.memref_squeeze %dma_wait3A_23 : memref<1x16xf32, #tpu.memory_space<hbm>> -> memref<16xf32, #tpu.memory_space<hbm>>
      %dma_wait3A_25 = arith.constant 0 : i32
      %dma_wait3A_26 = tpu.memref_slice %arg6[%add3A, %dma_wait3A_25] : memref<32x16xf32, #tpu.memory_space<hbm>> -> memref<1x16xf32, #tpu.memory_space<hbm>>
      %dma_wait3A_27 = tpu.memref_squeeze %dma_wait3A_26 : memref<1x16xf32, #tpu.memory_space<hbm>> -> memref<16xf32, #tpu.memory_space<hbm>>
      tpu.wait_dma2 semaphore(%run_scoped3A : memref<!tpu.dma_semaphore, #tpu.memory_space<semaphore_mem>>) src(%arg11 : memref<16xf32, #tpu.memory_space<vmem>>) dst(%dma_wait3A_27 : memref<16xf32, #tpu.memory_space<hbm>>)
      tpu.yield
    }) : () -> ()
    return
  }
}

module attributes {stable_mosaic.version = 14 : i64} {
  func.func @_logits_kv_kernel(%arg0: i32, %arg1: memref<1024x1024xf32, #tpu.memory_space<vmem>>, %arg2: memref<1024x16xf32, #tpu.memory_space<vmem>>, %arg3: memref<1024x256xbf16, #tpu.memory_space<vmem>>, %arg4: memref<1x256xf32, #tpu.memory_space<vmem>>, %arg5: memref<1024x16xf32, #tpu.memory_space<vmem>>, %arg6: memref<1024x128xbf16, #tpu.memory_space<vmem>>, %arg7: memref<1024x256xbf16, #tpu.memory_space<vmem>>, %arg8: memref<8x16xf32, #tpu.memory_space<vmem>>) attributes {dimension_semantics = [#tpu.dimension_semantics<arbitrary>], iteration_bounds = array<i64: 4>, scalar_prefetch = 0 : i64, scratch_operands = 0 : i64, tpu.core_type = #tpu.core_type<tc>, window_params = [{transform_indices = @transform_0, window_bounds = array<i64: 1024, 1024>}, {pipeline_mode = #tpu.pipeline_mode<synchronous>, transform_indices = @transform_1, window_bounds = array<i64: 1024, 16>}, {pipeline_mode = #tpu.pipeline_mode<synchronous>, transform_indices = @transform_2, window_bounds = array<i64: 1024, 256>}, {pipeline_mode = #tpu.pipeline_mode<synchronous>, transform_indices = @transform_3, window_bounds = array<i64: 1, 256>}, {transform_indices = @transform_4, window_bounds = array<i64: 1024, 16>}, {transform_indices = @transform_5, window_bounds = array<i64: 1024, 128>}, {transform_indices = @transform_6, window_bounds = array<i64: 1024, 256>}, {pipeline_mode = #tpu.pipeline_mode<synchronous>, transform_indices = @transform_7, window_bounds = array<i64: 8, 16>}]} {
    %get3A = arith.constant 0 : index
    %get3A_0 = arith.constant 0 : index
    %get3A_1 = vector.load %arg1[%get3A, %get3A_0] : memref<1024x1024xf32, #tpu.memory_space<vmem>>, vector<1024x1024xf32>
    %get3A_2 = arith.constant 0 : index
    %get3A_3 = arith.constant 0 : index
    %get3A_4 = vector.load %arg2[%get3A_2, %get3A_3] : memref<1024x16xf32, #tpu.memory_space<vmem>>, vector<1024x16xf32>
    %dot_general3A = arith.constant dense<0.000000e+00> : vector<1024x16xf32>
    %dot_general3A_5 = tpu.matmul %get3A_1, %get3A_4, %dot_general3A {dimension_numbers = #tpu.dot_dimension_numbers<[1], [0], [0], [1], [0, 0, 1, 1], [], []>, transpose_lhs_hint = false} : vector<1024x1024xf32>, vector<1024x16xf32>, vector<1024x16xf32> -> vector<1024x16xf32>
    %swap3A = arith.constant 0 : index
    %swap3A_6 = arith.constant 0 : index
    %swap3A_7 = vector.load %arg5[%swap3A, %swap3A_6] : memref<1024x16xf32, #tpu.memory_space<vmem>>, vector<1024x16xf32>
    tpu.vector_store %arg5[%swap3A, %swap3A_6], %dot_general3A_5 {strides = array<i32>} : memref<1024x16xf32, #tpu.memory_space<vmem>>, vector<1024x16xf32>,
    %reduce_max3A = arith.constant dense<0xFF800000> : vector<1024xf32>
    %reduce_max3A_8 = vector.multi_reduction <maximumf>, %dot_general3A_5, %reduce_max3A [1] : vector<1024x16xf32> to vector<1024xf32>
    %broadcast_in_dim3A = vector.shape_cast %reduce_max3A_8 : vector<1024xf32> to vector<1024x1xf32>
    %sub3A = vector.broadcast %broadcast_in_dim3A : vector<1024x1xf32> to vector<1024x16xf32>
    %sub3A_9 = arith.subf %dot_general3A_5, %sub3A : vector<1024x16xf32>
    %exp3A = math.exp %sub3A_9 : vector<1024x16xf32>
    %reduce_sum3A = arith.constant dense<0.000000e+00> : vector<1024xf32>
    %reduce_sum3A_10 = vector.multi_reduction <add>, %exp3A, %reduce_sum3A [1] : vector<1024x16xf32> to vector<1024xf32>
    %broadcast_in_dim3A_11 = vector.shape_cast %reduce_sum3A_10 : vector<1024xf32> to vector<1024x1xf32>
    %log3A = math.log %broadcast_in_dim3A_11 : vector<1024x1xf32>
    %add3A = arith.addf %log3A, %broadcast_in_dim3A : vector<1024x1xf32>
    %mul3A = arith.mulf %add3A, %add3A : vector<1024x1xf32>
    %reduce_sum3A_12 = vector.shape_cast %mul3A : vector<1024x1xf32> to vector<1x1024x1xf32>
    %reduce_sum3A_13 = arith.constant dense<0.000000e+00> : vector<1xf32>
    %reduce_sum3A_14 = vector.multi_reduction <add>, %reduce_sum3A_12, %reduce_sum3A_13 [1, 2] : vector<1x1024x1xf32> to vector<1xf32>
    %reduce_sum3A_15 = vector.shape_cast %reduce_sum3A_14 : vector<1xf32> to vector<1x1x1xf32>
    %reduce_sum3A_16 = vector.extract %reduce_sum3A_15[0, 0, 0] : f32 from vector<1x1x1xf32>
    %broadcast_in_dim3A_17 = vector.broadcast %reduce_sum3A_16 : f32 to vector<8x16xf32>
    %convert_element_type3A = arith.truncf %get3A_1 : vector<1024x1024xf32> to vector<1024x1024xbf16>
    %get3A_18 = arith.constant 0 : index
    %get3A_19 = arith.constant 0 : index
    %get3A_20 = vector.load %arg3[%get3A_18, %get3A_19] : memref<1024x256xbf16, #tpu.memory_space<vmem>>, vector<1024x256xbf16>
    %dot_general3A_21 = arith.constant dense<0.000000e+00> : vector<1024x256xf32>
    %dot_general3A_22 = tpu.matmul %convert_element_type3A, %get3A_20, %dot_general3A_21 {dimension_numbers = #tpu.dot_dimension_numbers<[1], [0], [0], [1], [0, 0, 1, 1], [], []>, transpose_lhs_hint = false} : vector<1024x1024xbf16>, vector<1024x256xbf16>, vector<1024x256xf32> -> vector<1024x256xf32>
    %get3A_23 = arith.constant 0 : index
    %get3A_24 = arith.constant 0 : index
    %get3A_25 = vector.load %arg4[%get3A_23, %get3A_24] : memref<1x256xf32, #tpu.memory_space<vmem>>, vector<1x256xf32>
    %add3A_26 = vector.broadcast %get3A_25 : vector<1x256xf32> to vector<1024x256xf32>
    %add3A_27 = arith.addf %dot_general3A_22, %add3A_26 : vector<1024x256xf32>
    %slice3A = vector.extract_strided_slice %add3A_27 {offsets = [0, 0], sizes = [1024, 128], strides = [1, 1]} : vector<1024x256xf32> to vector<1024x128xf32>
    %convert_element_type3A_28 = arith.truncf %slice3A : vector<1024x128xf32> to vector<1024x128xbf16>
    %swap3A_29 = arith.constant 0 : index
    %swap3A_30 = arith.constant 0 : index
    %swap3A_31 = vector.load %arg6[%swap3A_29, %swap3A_30] : memref<1024x128xbf16, #tpu.memory_space<vmem>>, vector<1024x128xbf16>
    tpu.vector_store %arg6[%swap3A_29, %swap3A_30], %convert_element_type3A_28 {strides = array<i32>} : memref<1024x128xbf16, #tpu.memory_space<vmem>>, vector<1024x128xbf16>,
    %slice3A_32 = vector.extract_strided_slice %add3A_27 {offsets = [0, 128], sizes = [1024, 128], strides = [1, 1]} : vector<1024x256xf32> to vector<1024x128xf32>
    %convert_element_type3A_33 = arith.truncf %slice3A_32 : vector<1024x128xf32> to vector<1024x128xbf16>
    %broadcast_in_dim3A_34 = arith.constant 1.000000e+00 : bf16
    %broadcast_in_dim3A_35 = vector.broadcast %broadcast_in_dim3A_34 : bf16 to vector<1024x128xbf16>
    %concatenate3A = tpu.concatenate %convert_element_type3A_33, %broadcast_in_dim3A_35 in 1 : vector<1024x128xbf16>, vector<1024x128xbf16> -> vector<1024x256xbf16>
    %swap3A_36 = arith.constant 0 : index
    %swap3A_37 = arith.constant 0 : index
    %swap3A_38 = vector.load %arg7[%swap3A_36, %swap3A_37] : memref<1024x256xbf16, #tpu.memory_space<vmem>>, vector<1024x256xbf16>
    tpu.vector_store %arg7[%swap3A_36, %swap3A_37], %concatenate3A {strides = array<i32>} : memref<1024x256xbf16, #tpu.memory_space<vmem>>, vector<1024x256xbf16>,
    %eq3A = arith.constant 0 : i32
    %eq3A_39 = arith.cmpi eq, %arg0, %eq3A : i32
    %convert_element_type3A_40 = arith.extui %eq3A_39 : i1 to i32
    %cond3A = arith.constant 0 : i32
    %cond3A_41 = arith.cmpi ne, %convert_element_type3A_40, %cond3A : i32
    scf.if %cond3A_41 {
      %swap3A_46 = arith.constant 0 : index
      %swap3A_47 = arith.constant 0 : index
      %swap3A_48 = vector.load %arg8[%swap3A_46, %swap3A_47] : memref<8x16xf32, #tpu.memory_space<vmem>>, vector<8x16xf32>
      tpu.vector_store %arg8[%swap3A_46, %swap3A_47], %broadcast_in_dim3A_17 {strides = array<i32>} : memref<8x16xf32, #tpu.memory_space<vmem>>, vector<8x16xf32>,
    } else {
    }
    %gt3A = arith.constant 0 : i32
    %gt3A_42 = arith.cmpi sgt, %arg0, %gt3A : i32
    %convert_element_type3A_43 = arith.extui %gt3A_42 : i1 to i32
    %cond3A_44 = arith.constant 0 : i32
    %cond3A_45 = arith.cmpi ne, %convert_element_type3A_43, %cond3A_44 : i32
    scf.if %cond3A_45 {
      %get3A_46 = arith.constant 0 : index
      %get3A_47 = arith.constant 0 : index
      %get3A_48 = vector.load %arg8[%get3A_46, %get3A_47] : memref<8x16xf32, #tpu.memory_space<vmem>>, vector<8x16xf32>
      %add3A_49 = arith.addf %get3A_48, %broadcast_in_dim3A_17 : vector<8x16xf32>
      %swap3A_50 = arith.constant 0 : index
      %swap3A_51 = arith.constant 0 : index
      %swap3A_52 = vector.load %arg8[%swap3A_50, %swap3A_51] : memref<8x16xf32, #tpu.memory_space<vmem>>, vector<8x16xf32>
      tpu.vector_store %arg8[%swap3A_50, %swap3A_51], %add3A_49 {strides = array<i32>} : memref<8x16xf32, #tpu.memory_space<vmem>>, vector<8x16xf32>,
    } else {
    }
    return
  }
  func.func @transform_0(%arg0: i32) -> (i32, i32) {
    %c0_i32 = arith.constant 0 : i32
    %c0_i32_0 = arith.constant 0 : i32
    return %arg0, %c0_i32 : i32, i32
  }
  func.func @transform_1(%arg0: i32) -> (i32, i32) {
    %c0_i32 = arith.constant 0 : i32
    %c0_i32_0 = arith.constant 0 : i32
    %c0_i32_1 = arith.constant 0 : i32
    return %c0_i32, %c0_i32_0 : i32, i32
  }
  func.func @transform_2(%arg0: i32) -> (i32, i32) {
    %c0_i32 = arith.constant 0 : i32
    %c0_i32_0 = arith.constant 0 : i32
    %c0_i32_1 = arith.constant 0 : i32
    return %c0_i32, %c0_i32_0 : i32, i32
  }
  func.func @transform_3(%arg0: i32) -> (i32, i32) {
    %c0_i32 = arith.constant 0 : i32
    %c0_i32_0 = arith.constant 0 : i32
    %c0_i32_1 = arith.constant 0 : i32
    return %c0_i32, %c0_i32_0 : i32, i32
  }
  func.func @transform_4(%arg0: i32) -> (i32, i32) {
    %c0_i32 = arith.constant 0 : i32
    %c0_i32_0 = arith.constant 0 : i32
    return %arg0, %c0_i32 : i32, i32
  }
  func.func @transform_5(%arg0: i32) -> (i32, i32) {
    %c0_i32 = arith.constant 0 : i32
    %c0_i32_0 = arith.constant 0 : i32
    return %arg0, %c0_i32 : i32, i32
  }
  func.func @transform_6(%arg0: i32) -> (i32, i32) {
    %c0_i32 = arith.constant 0 : i32
    %c0_i32_0 = arith.constant 0 : i32
    return %arg0, %c0_i32 : i32, i32
  }
  func.func @transform_7(%arg0: i32) -> (i32, i32) {
    %c0_i32 = arith.constant 0 : i32
    %c0_i32_0 = arith.constant 0 : i32
    %c0_i32_1 = arith.constant 0 : i32
    return %c0_i32, %c0_i32_0 : i32, i32
  }
}

module attributes {stable_mosaic.version = 14 : i64} {
  func.func @_qsel_kernel(%arg0: i32, %arg1: memref<1024x1024xf32, #tpu.memory_space<vmem>>, %arg2: memref<1024x2048xbf16, #tpu.memory_space<vmem>>, %arg3: memref<1024x16xi32, #tpu.memory_space<vmem>>, %arg4: memref<8x1024x128xbf16, #tpu.memory_space<vmem>>) attributes {dimension_semantics = [#tpu.dimension_semantics<arbitrary>], iteration_bounds = array<i64: 4>, scalar_prefetch = 0 : i64, scratch_operands = 0 : i64, tpu.core_type = #tpu.core_type<tc>, window_params = [{transform_indices = @transform_0, window_bounds = array<i64: 1024, 1024>}, {pipeline_mode = #tpu.pipeline_mode<synchronous>, transform_indices = @transform_1, window_bounds = array<i64: 1024, 2048>}, {transform_indices = @transform_2, window_bounds = array<i64: 1024, 16>}, {transform_indices = @transform_3, window_bounds = array<i64: 8, 1024, 128>}]} {
    %get3A = arith.constant 0 : index
    %get3A_0 = arith.constant 0 : index
    %get3A_1 = vector.load %arg1[%get3A, %get3A_0] : memref<1024x1024xf32, #tpu.memory_space<vmem>>, vector<1024x1024xf32>
    %convert_element_type3A = arith.truncf %get3A_1 : vector<1024x1024xf32> to vector<1024x1024xbf16>
    %get3A_2 = arith.constant 0 : index
    %get3A_3 = arith.constant 0 : index
    %get3A_4 = vector.load %arg2[%get3A_2, %get3A_3] : memref<1024x2048xbf16, #tpu.memory_space<vmem>>, vector<1024x2048xbf16>
    %dot_general3A = arith.constant dense<0.000000e+00> : vector<1024x2048xf32>
    %dot_general3A_5 = tpu.matmul %convert_element_type3A, %get3A_4, %dot_general3A {dimension_numbers = #tpu.dot_dimension_numbers<[1], [0], [0], [1], [0, 0, 1, 1], [], []>, transpose_lhs_hint = false} : vector<1024x1024xbf16>, vector<1024x2048xbf16>, vector<1024x2048xf32> -> vector<1024x2048xf32>
    %mul3A = arith.constant 0.127517432 : f32
    %mul3A_6 = vector.broadcast %mul3A : f32 to vector<1024x2048xf32>
    %mul3A_7 = arith.mulf %dot_general3A_5, %mul3A_6 : vector<1024x2048xf32>
    %convert_element_type3A_8 = arith.truncf %mul3A_7 : vector<1024x2048xf32> to vector<1024x2048xbf16>
    %slice3A = vector.extract_strided_slice %convert_element_type3A_8 {offsets = [0, 0], sizes = [1024, 128], strides = [1, 1]} : vector<1024x2048xbf16> to vector<1024x128xbf16>
    %slice3A_9 = vector.extract_strided_slice %convert_element_type3A_8 {offsets = [0, 128], sizes = [1024, 128], strides = [1, 1]} : vector<1024x2048xbf16> to vector<1024x128xbf16>
    %slice3A_10 = vector.extract_strided_slice %convert_element_type3A_8 {offsets = [0, 256], sizes = [1024, 128], strides = [1, 1]} : vector<1024x2048xbf16> to vector<1024x128xbf16>
    %slice3A_11 = vector.extract_strided_slice %convert_element_type3A_8 {offsets = [0, 384], sizes = [1024, 128], strides = [1, 1]} : vector<1024x2048xbf16> to vector<1024x128xbf16>
    %slice3A_12 = vector.extract_strided_slice %convert_element_type3A_8 {offsets = [0, 512], sizes = [1024, 128], strides = [1, 1]} : vector<1024x2048xbf16> to vector<1024x128xbf16>
    %slice3A_13 = vector.extract_strided_slice %convert_element_type3A_8 {offsets = [0, 640], sizes = [1024, 128], strides = [1, 1]} : vector<1024x2048xbf16> to vector<1024x128xbf16>
    %slice3A_14 = vector.extract_strided_slice %convert_element_type3A_8 {offsets = [0, 768], sizes = [1024, 128], strides = [1, 1]} : vector<1024x2048xbf16> to vector<1024x128xbf16>
    %slice3A_15 = vector.extract_strided_slice %convert_element_type3A_8 {offsets = [0, 896], sizes = [1024, 128], strides = [1, 1]} : vector<1024x2048xbf16> to vector<1024x128xbf16>
    %slice3A_16 = vector.extract_strided_slice %convert_element_type3A_8 {offsets = [0, 1024], sizes = [1024, 128], strides = [1, 1]} : vector<1024x2048xbf16> to vector<1024x128xbf16>
    %slice3A_17 = vector.extract_strided_slice %convert_element_type3A_8 {offsets = [0, 1152], sizes = [1024, 128], strides = [1, 1]} : vector<1024x2048xbf16> to vector<1024x128xbf16>
    %slice3A_18 = vector.extract_strided_slice %convert_element_type3A_8 {offsets = [0, 1280], sizes = [1024, 128], strides = [1, 1]} : vector<1024x2048xbf16> to vector<1024x128xbf16>
    %slice3A_19 = vector.extract_strided_slice %convert_element_type3A_8 {offsets = [0, 1408], sizes = [1024, 128], strides = [1, 1]} : vector<1024x2048xbf16> to vector<1024x128xbf16>
    %slice3A_20 = vector.extract_strided_slice %convert_element_type3A_8 {offsets = [0, 1536], sizes = [1024, 128], strides = [1, 1]} : vector<1024x2048xbf16> to vector<1024x128xbf16>
    %slice3A_21 = vector.extract_strided_slice %convert_element_type3A_8 {offsets = [0, 1664], sizes = [1024, 128], strides = [1, 1]} : vector<1024x2048xbf16> to vector<1024x128xbf16>
    %slice3A_22 = vector.extract_strided_slice %convert_element_type3A_8 {offsets = [0, 1792], sizes = [1024, 128], strides = [1, 1]} : vector<1024x2048xbf16> to vector<1024x128xbf16>
    %slice3A_23 = vector.extract_strided_slice %convert_element_type3A_8 {offsets = [0, 1920], sizes = [1024, 128], strides = [1, 1]} : vector<1024x2048xbf16> to vector<1024x128xbf16>
    %get3A_24 = arith.constant 0 : index
    %get3A_25 = arith.constant 0 : index
    %get3A_26 = vector.load %arg3[%get3A_24, %get3A_25] : memref<1024x16xi32, #tpu.memory_space<vmem>>, vector<1024x16xi32>
    %slice3A_27 = vector.extract_strided_slice %get3A_26 {offsets = [0, 0], sizes = [1024, 1], strides = [1, 1]} : vector<1024x16xi32> to vector<1024x1xi32>
    %shift_right_arithmetic3A = arith.constant 0 : i32
    %shift_right_arithmetic3A_28 = vector.broadcast %shift_right_arithmetic3A : i32 to vector<1024x1xi32>
    %shift_right_arithmetic3A_29 = arith.shrsi %slice3A_27, %shift_right_arithmetic3A_28 : vector<1024x1xi32>
    %and3A = arith.constant 1 : i32
    %and3A_30 = vector.broadcast %and3A : i32 to vector<1024x1xi32>
    %and3A_31 = arith.andi %shift_right_arithmetic3A_29, %and3A_30 : vector<1024x1xi32>
    %eq3A = arith.constant 1 : i32
    %eq3A_32 = vector.broadcast %eq3A : i32 to vector<1024x1xi32>
    %eq3A_33 = arith.cmpi eq, %and3A_31, %eq3A_32 : vector<1024x1xi32>
    %broadcast_in_dim3A = vector.shape_cast %eq3A_33 : vector<1024x1xi1> to vector<1024x1xi1>
    %broadcast_in_dim3A_34 = vector.broadcast %broadcast_in_dim3A : vector<1024x1xi1> to vector<1024x128xi1>
    %select_n3A = arith.select %broadcast_in_dim3A_34, %slice3A_9, %slice3A : vector<1024x128xi1>, vector<1024x128xbf16>
    %broadcast_in_dim3A_35 = vector.shape_cast %eq3A_33 : vector<1024x1xi1> to vector<1024x1xi1>
    %broadcast_in_dim3A_36 = vector.broadcast %broadcast_in_dim3A_35 : vector<1024x1xi1> to vector<1024x128xi1>
    %select_n3A_37 = arith.select %broadcast_in_dim3A_36, %slice3A_11, %slice3A_10 : vector<1024x128xi1>, vector<1024x128xbf16>
    %broadcast_in_dim3A_38 = vector.shape_cast %eq3A_33 : vector<1024x1xi1> to vector<1024x1xi1>
    %broadcast_in_dim3A_39 = vector.broadcast %broadcast_in_dim3A_38 : vector<1024x1xi1> to vector<1024x128xi1>
    %select_n3A_40 = arith.select %broadcast_in_dim3A_39, %slice3A_13, %slice3A_12 : vector<1024x128xi1>, vector<1024x128xbf16>
    %broadcast_in_dim3A_41 = vector.shape_cast %eq3A_33 : vector<1024x1xi1> to vector<1024x1xi1>
    %broadcast_in_dim3A_42 = vector.broadcast %broadcast_in_dim3A_41 : vector<1024x1xi1> to vector<1024x128xi1>
    %select_n3A_43 = arith.select %broadcast_in_dim3A_42, %slice3A_15, %slice3A_14 : vector<1024x128xi1>, vector<1024x128xbf16>
    %broadcast_in_dim3A_44 = vector.shape_cast %eq3A_33 : vector<1024x1xi1> to vector<1024x1xi1>
    %broadcast_in_dim3A_45 = vector.broadcast %broadcast_in_dim3A_44 : vector<1024x1xi1> to vector<1024x128xi1>
    %select_n3A_46 = arith.select %broadcast_in_dim3A_45, %slice3A_17, %slice3A_16 : vector<1024x128xi1>, vector<1024x128xbf16>
    %broadcast_in_dim3A_47 = vector.shape_cast %eq3A_33 : vector<1024x1xi1> to vector<1024x1xi1>
    %broadcast_in_dim3A_48 = vector.broadcast %broadcast_in_dim3A_47 : vector<1024x1xi1> to vector<1024x128xi1>
    %select_n3A_49 = arith.select %broadcast_in_dim3A_48, %slice3A_19, %slice3A_18 : vector<1024x128xi1>, vector<1024x128xbf16>
    %broadcast_in_dim3A_50 = vector.shape_cast %eq3A_33 : vector<1024x1xi1> to vector<1024x1xi1>
    %broadcast_in_dim3A_51 = vector.broadcast %broadcast_in_dim3A_50 : vector<1024x1xi1> to vector<1024x128xi1>
    %select_n3A_52 = arith.select %broadcast_in_dim3A_51, %slice3A_21, %slice3A_20 : vector<1024x128xi1>, vector<1024x128xbf16>
    %broadcast_in_dim3A_53 = vector.shape_cast %eq3A_33 : vector<1024x1xi1> to vector<1024x1xi1>
    %broadcast_in_dim3A_54 = vector.broadcast %broadcast_in_dim3A_53 : vector<1024x1xi1> to vector<1024x128xi1>
    %select_n3A_55 = arith.select %broadcast_in_dim3A_54, %slice3A_23, %slice3A_22 : vector<1024x128xi1>, vector<1024x128xbf16>
    %shift_right_arithmetic3A_56 = arith.constant 1 : i32
    %shift_right_arithmetic3A_57 = vector.broadcast %shift_right_arithmetic3A_56 : i32 to vector<1024x1xi32>
    %shift_right_arithmetic3A_58 = arith.shrsi %slice3A_27, %shift_right_arithmetic3A_57 : vector<1024x1xi32>
    %and3A_59 = arith.constant 1 : i32
    %and3A_60 = vector.broadcast %and3A_59 : i32 to vector<1024x1xi32>
    %and3A_61 = arith.andi %shift_right_arithmetic3A_58, %and3A_60 : vector<1024x1xi32>
    %eq3A_62 = arith.constant 1 : i32
    %eq3A_63 = vector.broadcast %eq3A_62 : i32 to vector<1024x1xi32>
    %eq3A_64 = arith.cmpi eq, %and3A_61, %eq3A_63 : vector<1024x1xi32>
    %broadcast_in_dim3A_65 = vector.shape_cast %eq3A_64 : vector<1024x1xi1> to vector<1024x1xi1>
    %broadcast_in_dim3A_66 = vector.broadcast %broadcast_in_dim3A_65 : vector<1024x1xi1> to vector<1024x128xi1>
    %select_n3A_67 = arith.select %broadcast_in_dim3A_66, %select_n3A_37, %select_n3A : vector<1024x128xi1>, vector<1024x128xbf16>
    %broadcast_in_dim3A_68 = vector.shape_cast %eq3A_64 : vector<1024x1xi1> to vector<1024x1xi1>
    %broadcast_in_dim3A_69 = vector.broadcast %broadcast_in_dim3A_68 : vector<1024x1xi1> to vector<1024x128xi1>
    %select_n3A_70 = arith.select %broadcast_in_dim3A_69, %select_n3A_43, %select_n3A_40 : vector<1024x128xi1>, vector<1024x128xbf16>
    %broadcast_in_dim3A_71 = vector.shape_cast %eq3A_64 : vector<1024x1xi1> to vector<1024x1xi1>
    %broadcast_in_dim3A_72 = vector.broadcast %broadcast_in_dim3A_71 : vector<1024x1xi1> to vector<1024x128xi1>
    %select_n3A_73 = arith.select %broadcast_in_dim3A_72, %select_n3A_49, %select_n3A_46 : vector<1024x128xi1>, vector<1024x128xbf16>
    %broadcast_in_dim3A_74 = vector.shape_cast %eq3A_64 : vector<1024x1xi1> to vector<1024x1xi1>
    %broadcast_in_dim3A_75 = vector.broadcast %broadcast_in_dim3A_74 : vector<1024x1xi1> to vector<1024x128xi1>
    %select_n3A_76 = arith.select %broadcast_in_dim3A_75, %select_n3A_55, %select_n3A_52 : vector<1024x128xi1>, vector<1024x128xbf16>
    %shift_right_arithmetic3A_77 = arith.constant 2 : i32
    %shift_right_arithmetic3A_78 = vector.broadcast %shift_right_arithmetic3A_77 : i32 to vector<1024x1xi32>
    %shift_right_arithmetic3A_79 = arith.shrsi %slice3A_27, %shift_right_arithmetic3A_78 : vector<1024x1xi32>
    %and3A_80 = arith.constant 1 : i32
    %and3A_81 = vector.broadcast %and3A_80 : i32 to vector<1024x1xi32>
    %and3A_82 = arith.andi %shift_right_arithmetic3A_79, %and3A_81 : vector<1024x1xi32>
    %eq3A_83 = arith.constant 1 : i32
    %eq3A_84 = vector.broadcast %eq3A_83 : i32 to vector<1024x1xi32>
    %eq3A_85 = arith.cmpi eq, %and3A_82, %eq3A_84 : vector<1024x1xi32>
    %broadcast_in_dim3A_86 = vector.shape_cast %eq3A_85 : vector<1024x1xi1> to vector<1024x1xi1>
    %broadcast_in_dim3A_87 = vector.broadcast %broadcast_in_dim3A_86 : vector<1024x1xi1> to vector<1024x128xi1>
    %select_n3A_88 = arith.select %broadcast_in_dim3A_87, %select_n3A_70, %select_n3A_67 : vector<1024x128xi1>, vector<1024x128xbf16>
    %broadcast_in_dim3A_89 = vector.shape_cast %eq3A_85 : vector<1024x1xi1> to vector<1024x1xi1>
    %broadcast_in_dim3A_90 = vector.broadcast %broadcast_in_dim3A_89 : vector<1024x1xi1> to vector<1024x128xi1>
    %select_n3A_91 = arith.select %broadcast_in_dim3A_90, %select_n3A_76, %select_n3A_73 : vector<1024x128xi1>, vector<1024x128xbf16>
    %shift_right_arithmetic3A_92 = arith.constant 3 : i32
    %shift_right_arithmetic3A_93 = vector.broadcast %shift_right_arithmetic3A_92 : i32 to vector<1024x1xi32>
    %shift_right_arithmetic3A_94 = arith.shrsi %slice3A_27, %shift_right_arithmetic3A_93 : vector<1024x1xi32>
    %and3A_95 = arith.constant 1 : i32
    %and3A_96 = vector.broadcast %and3A_95 : i32 to vector<1024x1xi32>
    %and3A_97 = arith.andi %shift_right_arithmetic3A_94, %and3A_96 : vector<1024x1xi32>
    %eq3A_98 = arith.constant 1 : i32
    %eq3A_99 = vector.broadcast %eq3A_98 : i32 to vector<1024x1xi32>
    %eq3A_100 = arith.cmpi eq, %and3A_97, %eq3A_99 : vector<1024x1xi32>
    %broadcast_in_dim3A_101 = vector.shape_cast %eq3A_100 : vector<1024x1xi1> to vector<1024x1xi1>
    %broadcast_in_dim3A_102 = vector.broadcast %broadcast_in_dim3A_101 : vector<1024x1xi1> to vector<1024x128xi1>
    %select_n3A_103 = arith.select %broadcast_in_dim3A_102, %select_n3A_91, %select_n3A_88 : vector<1024x128xi1>, vector<1024x128xbf16>
    %swap3A = arith.constant 0 : index
    %swap3A_104 = arith.constant 0 : index
    %swap3A_105 = arith.constant 0 : index
    %swap3A_106 = vector.load %arg4[%swap3A, %swap3A_104, %swap3A_105] : memref<8x1024x128xbf16, #tpu.memory_space<vmem>>, vector<1x1024x128xbf16>
    %swap3A_107 = vector.shape_cast %swap3A_106 : vector<1x1024x128xbf16> to vector<1024x128xbf16>
    %swap3A_108 = vector.shape_cast %select_n3A_103 : vector<1024x128xbf16> to vector<1x1024x128xbf16>
    tpu.vector_store %arg4[%swap3A, %swap3A_104, %swap3A_105], %swap3A_108 {strides = array<i32>} : memref<8x1024x128xbf16, #tpu.memory_space<vmem>>, vector<1x1024x128xbf16>,
    %slice3A_109 = vector.extract_strided_slice %get3A_26 {offsets = [0, 1], sizes = [1024, 1], strides = [1, 1]} : vector<1024x16xi32> to vector<1024x1xi32>
    %shift_right_arithmetic3A_110 = arith.constant 0 : i32
    %shift_right_arithmetic3A_111 = vector.broadcast %shift_right_arithmetic3A_110 : i32 to vector<1024x1xi32>
    %shift_right_arithmetic3A_112 = arith.shrsi %slice3A_109, %shift_right_arithmetic3A_111 : vector<1024x1xi32>
    %and3A_113 = arith.constant 1 : i32
    %and3A_114 = vector.broadcast %and3A_113 : i32 to vector<1024x1xi32>
    %and3A_115 = arith.andi %shift_right_arithmetic3A_112, %and3A_114 : vector<1024x1xi32>
    %eq3A_116 = arith.constant 1 : i32
    %eq3A_117 = vector.broadcast %eq3A_116 : i32 to vector<1024x1xi32>
    %eq3A_118 = arith.cmpi eq, %and3A_115, %eq3A_117 : vector<1024x1xi32>
    %broadcast_in_dim3A_119 = vector.shape_cast %eq3A_118 : vector<1024x1xi1> to vector<1024x1xi1>
    %broadcast_in_dim3A_120 = vector.broadcast %broadcast_in_dim3A_119 : vector<1024x1xi1> to vector<1024x128xi1>
    %select_n3A_121 = arith.select %broadcast_in_dim3A_120, %slice3A_9, %slice3A : vector<1024x128xi1>, vector<1024x128xbf16>
    %broadcast_in_dim3A_122 = vector.shape_cast %eq3A_118 : vector<1024x1xi1> to vector<1024x1xi1>
    %broadcast_in_dim3A_123 = vector.broadcast %broadcast_in_dim3A_122 : vector<1024x1xi1> to vector<1024x128xi1>
    %select_n3A_124 = arith.select %broadcast_in_dim3A_123, %slice3A_11, %slice3A_10 : vector<1024x128xi1>, vector<1024x128xbf16>
    %broadcast_in_dim3A_125 = vector.shape_cast %eq3A_118 : vector<1024x1xi1> to vector<1024x1xi1>
    %broadcast_in_dim3A_126 = vector.broadcast %broadcast_in_dim3A_125 : vector<1024x1xi1> to vector<1024x128xi1>
    %select_n3A_127 = arith.select %broadcast_in_dim3A_126, %slice3A_13, %slice3A_12 : vector<1024x128xi1>, vector<1024x128xbf16>
    %broadcast_in_dim3A_128 = vector.shape_cast %eq3A_118 : vector<1024x1xi1> to vector<1024x1xi1>
    %broadcast_in_dim3A_129 = vector.broadcast %broadcast_in_dim3A_128 : vector<1024x1xi1> to vector<1024x128xi1>
    %select_n3A_130 = arith.select %broadcast_in_dim3A_129, %slice3A_15, %slice3A_14 : vector<1024x128xi1>, vector<1024x128xbf16>
    %broadcast_in_dim3A_131 = vector.shape_cast %eq3A_118 : vector<1024x1xi1> to vector<1024x1xi1>
    %broadcast_in_dim3A_132 = vector.broadcast %broadcast_in_dim3A_131 : vector<1024x1xi1> to vector<1024x128xi1>
    %select_n3A_133 = arith.select %broadcast_in_dim3A_132, %slice3A_17, %slice3A_16 : vector<1024x128xi1>, vector<1024x128xbf16>
    %broadcast_in_dim3A_134 = vector.shape_cast %eq3A_118 : vector<1024x1xi1> to vector<1024x1xi1>
    %broadcast_in_dim3A_135 = vector.broadcast %broadcast_in_dim3A_134 : vector<1024x1xi1> to vector<1024x128xi1>
    %select_n3A_136 = arith.select %broadcast_in_dim3A_135, %slice3A_19, %slice3A_18 : vector<1024x128xi1>, vector<1024x128xbf16>
    %broadcast_in_dim3A_137 = vector.shape_cast %eq3A_118 : vector<1024x1xi1> to vector<1024x1xi1>
    %broadcast_in_dim3A_138 = vector.broadcast %broadcast_in_dim3A_137 : vector<1024x1xi1> to vector<1024x128xi1>
    %select_n3A_139 = arith.select %broadcast_in_dim3A_138, %slice3A_21, %slice3A_20 : vector<1024x128xi1>, vector<1024x128xbf16>
    %broadcast_in_dim3A_140 = vector.shape_cast %eq3A_118 : vector<1024x1xi1> to vector<1024x1xi1>
    %broadcast_in_dim3A_141 = vector.broadcast %broadcast_in_dim3A_140 : vector<1024x1xi1> to vector<1024x128xi1>
    %select_n3A_142 = arith.select %broadcast_in_dim3A_141, %slice3A_23, %slice3A_22 : vector<1024x128xi1>, vector<1024x128xbf16>
    %shift_right_arithmetic3A_143 = arith.constant 1 : i32
    %shift_right_arithmetic3A_144 = vector.broadcast %shift_right_arithmetic3A_143 : i32 to vector<1024x1xi32>
    %shift_right_arithmetic3A_145 = arith.shrsi %slice3A_109, %shift_right_arithmetic3A_144 : vector<1024x1xi32>
    %and3A_146 = arith.constant 1 : i32
    %and3A_147 = vector.broadcast %and3A_146 : i32 to vector<1024x1xi32>
    %and3A_148 = arith.andi %shift_right_arithmetic3A_145, %and3A_147 : vector<1024x1xi32>
    %eq3A_149 = arith.constant 1 : i32
    %eq3A_150 = vector.broadcast %eq3A_149 : i32 to vector<1024x1xi32>
    %eq3A_151 = arith.cmpi eq, %and3A_148, %eq3A_150 : vector<1024x1xi32>
    %broadcast_in_dim3A_152 = vector.shape_cast %eq3A_151 : vector<1024x1xi1> to vector<1024x1xi1>
    %broadcast_in_dim3A_153 = vector.broadcast %broadcast_in_dim3A_152 : vector<1024x1xi1> to vector<1024x128xi1>
    %select_n3A_154 = arith.select %broadcast_in_dim3A_153, %select_n3A_124, %select_n3A_121 : vector<1024x128xi1>, vector<1024x128xbf16>
    %broadcast_in_dim3A_155 = vector.shape_cast %eq3A_151 : vector<1024x1xi1> to vector<1024x1xi1>
    %broadcast_in_dim3A_156 = vector.broadcast %broadcast_in_dim3A_155 : vector<1024x1xi1> to vector<1024x128xi1>
    %select_n3A_157 = arith.select %broadcast_in_dim3A_156, %select_n3A_130, %select_n3A_127 : vector<1024x128xi1>, vector<1024x128xbf16>
    %broadcast_in_dim3A_158 = vector.shape_cast %eq3A_151 : vector<1024x1xi1> to vector<1024x1xi1>
    %broadcast_in_dim3A_159 = vector.broadcast %broadcast_in_dim3A_158 : vector<1024x1xi1> to vector<1024x128xi1>
    %select_n3A_160 = arith.select %broadcast_in_dim3A_159, %select_n3A_136, %select_n3A_133 : vector<1024x128xi1>, vector<1024x128xbf16>
    %broadcast_in_dim3A_161 = vector.shape_cast %eq3A_151 : vector<1024x1xi1> to vector<1024x1xi1>
    %broadcast_in_dim3A_162 = vector.broadcast %broadcast_in_dim3A_161 : vector<1024x1xi1> to vector<1024x128xi1>
    %select_n3A_163 = arith.select %broadcast_in_dim3A_162, %select_n3A_142, %select_n3A_139 : vector<1024x128xi1>, vector<1024x128xbf16>
    %shift_right_arithmetic3A_164 = arith.constant 2 : i32
    %shift_right_arithmetic3A_165 = vector.broadcast %shift_right_arithmetic3A_164 : i32 to vector<1024x1xi32>
    %shift_right_arithmetic3A_166 = arith.shrsi %slice3A_109, %shift_right_arithmetic3A_165 : vector<1024x1xi32>
    %and3A_167 = arith.constant 1 : i32
    %and3A_168 = vector.broadcast %and3A_167 : i32 to vector<1024x1xi32>
    %and3A_169 = arith.andi %shift_right_arithmetic3A_166, %and3A_168 : vector<1024x1xi32>
    %eq3A_170 = arith.constant 1 : i32
    %eq3A_171 = vector.broadcast %eq3A_170 : i32 to vector<1024x1xi32>
    %eq3A_172 = arith.cmpi eq, %and3A_169, %eq3A_171 : vector<1024x1xi32>
    %broadcast_in_dim3A_173 = vector.shape_cast %eq3A_172 : vector<1024x1xi1> to vector<1024x1xi1>
    %broadcast_in_dim3A_174 = vector.broadcast %broadcast_in_dim3A_173 : vector<1024x1xi1> to vector<1024x128xi1>
    %select_n3A_175 = arith.select %broadcast_in_dim3A_174, %select_n3A_157, %select_n3A_154 : vector<1024x128xi1>, vector<1024x128xbf16>
    %broadcast_in_dim3A_176 = vector.shape_cast %eq3A_172 : vector<1024x1xi1> to vector<1024x1xi1>
    %broadcast_in_dim3A_177 = vector.broadcast %broadcast_in_dim3A_176 : vector<1024x1xi1> to vector<1024x128xi1>
    %select_n3A_178 = arith.select %broadcast_in_dim3A_177, %select_n3A_163, %select_n3A_160 : vector<1024x128xi1>, vector<1024x128xbf16>
    %shift_right_arithmetic3A_179 = arith.constant 3 : i32
    %shift_right_arithmetic3A_180 = vector.broadcast %shift_right_arithmetic3A_179 : i32 to vector<1024x1xi32>
    %shift_right_arithmetic3A_181 = arith.shrsi %slice3A_109, %shift_right_arithmetic3A_180 : vector<1024x1xi32>
    %and3A_182 = arith.constant 1 : i32
    %and3A_183 = vector.broadcast %and3A_182 : i32 to vector<1024x1xi32>
    %and3A_184 = arith.andi %shift_right_arithmetic3A_181, %and3A_183 : vector<1024x1xi32>
    %eq3A_185 = arith.constant 1 : i32
    %eq3A_186 = vector.broadcast %eq3A_185 : i32 to vector<1024x1xi32>
    %eq3A_187 = arith.cmpi eq, %and3A_184, %eq3A_186 : vector<1024x1xi32>
    %broadcast_in_dim3A_188 = vector.shape_cast %eq3A_187 : vector<1024x1xi1> to vector<1024x1xi1>
    %broadcast_in_dim3A_189 = vector.broadcast %broadcast_in_dim3A_188 : vector<1024x1xi1> to vector<1024x128xi1>
    %select_n3A_190 = arith.select %broadcast_in_dim3A_189, %select_n3A_178, %select_n3A_175 : vector<1024x128xi1>, vector<1024x128xbf16>
    %swap3A_191 = arith.constant 1 : index
    %swap3A_192 = arith.constant 0 : index
    %swap3A_193 = arith.constant 0 : index
    %swap3A_194 = vector.load %arg4[%swap3A_191, %swap3A_192, %swap3A_193] : memref<8x1024x128xbf16, #tpu.memory_space<vmem>>, vector<1x1024x128xbf16>
    %swap3A_195 = vector.shape_cast %swap3A_194 : vector<1x1024x128xbf16> to vector<1024x128xbf16>
    %swap3A_196 = vector.shape_cast %select_n3A_190 : vector<1024x128xbf16> to vector<1x1024x128xbf16>
    tpu.vector_store %arg4[%swap3A_191, %swap3A_192, %swap3A_193], %swap3A_196 {strides = array<i32>} : memref<8x1024x128xbf16, #tpu.memory_space<vmem>>, vector<1x1024x128xbf16>,
    %slice3A_197 = vector.extract_strided_slice %get3A_26 {offsets = [0, 2], sizes = [1024, 1], strides = [1, 1]} : vector<1024x16xi32> to vector<1024x1xi32>
    %shift_right_arithmetic3A_198 = arith.constant 0 : i32
    %shift_right_arithmetic3A_199 = vector.broadcast %shift_right_arithmetic3A_198 : i32 to vector<1024x1xi32>
    %shift_right_arithmetic3A_200 = arith.shrsi %slice3A_197, %shift_right_arithmetic3A_199 : vector<1024x1xi32>
    %and3A_201 = arith.constant 1 : i32
    %and3A_202 = vector.broadcast %and3A_201 : i32 to vector<1024x1xi32>
    %and3A_203 = arith.andi %shift_right_arithmetic3A_200, %and3A_202 : vector<1024x1xi32>
    %eq3A_204 = arith.constant 1 : i32
    %eq3A_205 = vector.broadcast %eq3A_204 : i32 to vector<1024x1xi32>
    %eq3A_206 = arith.cmpi eq, %and3A_203, %eq3A_205 : vector<1024x1xi32>
    %broadcast_in_dim3A_207 = vector.shape_cast %eq3A_206 : vector<1024x1xi1> to vector<1024x1xi1>
    %broadcast_in_dim3A_208 = vector.broadcast %broadcast_in_dim3A_207 : vector<1024x1xi1> to vector<1024x128xi1>
    %select_n3A_209 = arith.select %broadcast_in_dim3A_208, %slice3A_9, %slice3A : vector<1024x128xi1>, vector<1024x128xbf16>
    %broadcast_in_dim3A_210 = vector.shape_cast %eq3A_206 : vector<1024x1xi1> to vector<1024x1xi1>
    %broadcast_in_dim3A_211 = vector.broadcast %broadcast_in_dim3A_210 : vector<1024x1xi1> to vector<1024x128xi1>
    %select_n3A_212 = arith.select %broadcast_in_dim3A_211, %slice3A_11, %slice3A_10 : vector<1024x128xi1>, vector<1024x128xbf16>
    %broadcast_in_dim3A_213 = vector.shape_cast %eq3A_206 : vector<1024x1xi1> to vector<1024x1xi1>
    %broadcast_in_dim3A_214 = vector.broadcast %broadcast_in_dim3A_213 : vector<1024x1xi1> to vector<1024x128xi1>
    %select_n3A_215 = arith.select %broadcast_in_dim3A_214, %slice3A_13, %slice3A_12 : vector<1024x128xi1>, vector<1024x128xbf16>
    %broadcast_in_dim3A_216 = vector.shape_cast %eq3A_206 : vector<1024x1xi1> to vector<1024x1xi1>
    %broadcast_in_dim3A_217 = vector.broadcast %broadcast_in_dim3A_216 : vector<1024x1xi1> to vector<1024x128xi1>
    %select_n3A_218 = arith.select %broadcast_in_dim3A_217, %slice3A_15, %slice3A_14 : vector<1024x128xi1>, vector<1024x128xbf16>
    %broadcast_in_dim3A_219 = vector.shape_cast %eq3A_206 : vector<1024x1xi1> to vector<1024x1xi1>
    %broadcast_in_dim3A_220 = vector.broadcast %broadcast_in_dim3A_219 : vector<1024x1xi1> to vector<1024x128xi1>
    %select_n3A_221 = arith.select %broadcast_in_dim3A_220, %slice3A_17, %slice3A_16 : vector<1024x128xi1>, vector<1024x128xbf16>
    %broadcast_in_dim3A_222 = vector.shape_cast %eq3A_206 : vector<1024x1xi1> to vector<1024x1xi1>
    %broadcast_in_dim3A_223 = vector.broadcast %broadcast_in_dim3A_222 : vector<1024x1xi1> to vector<1024x128xi1>
    %select_n3A_224 = arith.select %broadcast_in_dim3A_223, %slice3A_19, %slice3A_18 : vector<1024x128xi1>, vector<1024x128xbf16>
    %broadcast_in_dim3A_225 = vector.shape_cast %eq3A_206 : vector<1024x1xi1> to vector<1024x1xi1>
    %broadcast_in_dim3A_226 = vector.broadcast %broadcast_in_dim3A_225 : vector<1024x1xi1> to vector<1024x128xi1>
    %select_n3A_227 = arith.select %broadcast_in_dim3A_226, %slice3A_21, %slice3A_20 : vector<1024x128xi1>, vector<1024x128xbf16>
    %broadcast_in_dim3A_228 = vector.shape_cast %eq3A_206 : vector<1024x1xi1> to vector<1024x1xi1>
    %broadcast_in_dim3A_229 = vector.broadcast %broadcast_in_dim3A_228 : vector<1024x1xi1> to vector<1024x128xi1>
    %select_n3A_230 = arith.select %broadcast_in_dim3A_229, %slice3A_23, %slice3A_22 : vector<1024x128xi1>, vector<1024x128xbf16>
    %shift_right_arithmetic3A_231 = arith.constant 1 : i32
    %shift_right_arithmetic3A_232 = vector.broadcast %shift_right_arithmetic3A_231 : i32 to vector<1024x1xi32>
    %shift_right_arithmetic3A_233 = arith.shrsi %slice3A_197, %shift_right_arithmetic3A_232 : vector<1024x1xi32>
    %and3A_234 = arith.constant 1 : i32
    %and3A_235 = vector.broadcast %and3A_234 : i32 to vector<1024x1xi32>
    %and3A_236 = arith.andi %shift_right_arithmetic3A_233, %and3A_235 : vector<1024x1xi32>
    %eq3A_237 = arith.constant 1 : i32
    %eq3A_238 = vector.broadcast %eq3A_237 : i32 to vector<1024x1xi32>
    %eq3A_239 = arith.cmpi eq, %and3A_236, %eq3A_238 : vector<1024x1xi32>
    %broadcast_in_dim3A_240 = vector.shape_cast %eq3A_239 : vector<1024x1xi1> to vector<1024x1xi1>
    %broadcast_in_dim3A_241 = vector.broadcast %broadcast_in_dim3A_240 : vector<1024x1xi1> to vector<1024x128xi1>
    %select_n3A_242 = arith.select %broadcast_in_dim3A_241, %select_n3A_212, %select_n3A_209 : vector<1024x128xi1>, vector<1024x128xbf16>
    %broadcast_in_dim3A_243 = vector.shape_cast %eq3A_239 : vector<1024x1xi1> to vector<1024x1xi1>
    %broadcast_in_dim3A_244 = vector.broadcast %broadcast_in_dim3A_243 : vector<1024x1xi1> to vector<1024x128xi1>
    %select_n3A_245 = arith.select %broadcast_in_dim3A_244, %select_n3A_218, %select_n3A_215 : vector<1024x128xi1>, vector<1024x128xbf16>
    %broadcast_in_dim3A_246 = vector.shape_cast %eq3A_239 : vector<1024x1xi1> to vector<1024x1xi1>
    %broadcast_in_dim3A_247 = vector.broadcast %broadcast_in_dim3A_246 : vector<1024x1xi1> to vector<1024x128xi1>
    %select_n3A_248 = arith.select %broadcast_in_dim3A_247, %select_n3A_224, %select_n3A_221 : vector<1024x128xi1>, vector<1024x128xbf16>
    %broadcast_in_dim3A_249 = vector.shape_cast %eq3A_239 : vector<1024x1xi1> to vector<1024x1xi1>
    %broadcast_in_dim3A_250 = vector.broadcast %broadcast_in_dim3A_249 : vector<1024x1xi1> to vector<1024x128xi1>
    %select_n3A_251 = arith.select %broadcast_in_dim3A_250, %select_n3A_230, %select_n3A_227 : vector<1024x128xi1>, vector<1024x128xbf16>
    %shift_right_arithmetic3A_252 = arith.constant 2 : i32
    %shift_right_arithmetic3A_253 = vector.broadcast %shift_right_arithmetic3A_252 : i32 to vector<1024x1xi32>
    %shift_right_arithmetic3A_254 = arith.shrsi %slice3A_197, %shift_right_arithmetic3A_253 : vector<1024x1xi32>
    %and3A_255 = arith.constant 1 : i32
    %and3A_256 = vector.broadcast %and3A_255 : i32 to vector<1024x1xi32>
    %and3A_257 = arith.andi %shift_right_arithmetic3A_254, %and3A_256 : vector<1024x1xi32>
    %eq3A_258 = arith.constant 1 : i32
    %eq3A_259 = vector.broadcast %eq3A_258 : i32 to vector<1024x1xi32>
    %eq3A_260 = arith.cmpi eq, %and3A_257, %eq3A_259 : vector<1024x1xi32>
    %broadcast_in_dim3A_261 = vector.shape_cast %eq3A_260 : vector<1024x1xi1> to vector<1024x1xi1>
    %broadcast_in_dim3A_262 = vector.broadcast %broadcast_in_dim3A_261 : vector<1024x1xi1> to vector<1024x128xi1>
    %select_n3A_263 = arith.select %broadcast_in_dim3A_262, %select_n3A_245, %select_n3A_242 : vector<1024x128xi1>, vector<1024x128xbf16>
    %broadcast_in_dim3A_264 = vector.shape_cast %eq3A_260 : vector<1024x1xi1> to vector<1024x1xi1>
    %broadcast_in_dim3A_265 = vector.broadcast %broadcast_in_dim3A_264 : vector<1024x1xi1> to vector<1024x128xi1>
    %select_n3A_266 = arith.select %broadcast_in_dim3A_265, %select_n3A_251, %select_n3A_248 : vector<1024x128xi1>, vector<1024x128xbf16>
    %shift_right_arithmetic3A_267 = arith.constant 3 : i32
    %shift_right_arithmetic3A_268 = vector.broadcast %shift_right_arithmetic3A_267 : i32 to vector<1024x1xi32>
    %shift_right_arithmetic3A_269 = arith.shrsi %slice3A_197, %shift_right_arithmetic3A_268 : vector<1024x1xi32>
    %and3A_270 = arith.constant 1 : i32
    %and3A_271 = vector.broadcast %and3A_270 : i32 to vector<1024x1xi32>
    %and3A_272 = arith.andi %shift_right_arithmetic3A_269, %and3A_271 : vector<1024x1xi32>
    %eq3A_273 = arith.constant 1 : i32
    %eq3A_274 = vector.broadcast %eq3A_273 : i32 to vector<1024x1xi32>
    %eq3A_275 = arith.cmpi eq, %and3A_272, %eq3A_274 : vector<1024x1xi32>
    %broadcast_in_dim3A_276 = vector.shape_cast %eq3A_275 : vector<1024x1xi1> to vector<1024x1xi1>
    %broadcast_in_dim3A_277 = vector.broadcast %broadcast_in_dim3A_276 : vector<1024x1xi1> to vector<1024x128xi1>
    %select_n3A_278 = arith.select %broadcast_in_dim3A_277, %select_n3A_266, %select_n3A_263 : vector<1024x128xi1>, vector<1024x128xbf16>
    %swap3A_279 = arith.constant 2 : index
    %swap3A_280 = arith.constant 0 : index
    %swap3A_281 = arith.constant 0 : index
    %swap3A_282 = vector.load %arg4[%swap3A_279, %swap3A_280, %swap3A_281] : memref<8x1024x128xbf16, #tpu.memory_space<vmem>>, vector<1x1024x128xbf16>
    %swap3A_283 = vector.shape_cast %swap3A_282 : vector<1x1024x128xbf16> to vector<1024x128xbf16>
    %swap3A_284 = vector.shape_cast %select_n3A_278 : vector<1024x128xbf16> to vector<1x1024x128xbf16>
    tpu.vector_store %arg4[%swap3A_279, %swap3A_280, %swap3A_281], %swap3A_284 {strides = array<i32>} : memref<8x1024x128xbf16, #tpu.memory_space<vmem>>, vector<1x1024x128xbf16>,
    %slice3A_285 = vector.extract_strided_slice %get3A_26 {offsets = [0, 3], sizes = [1024, 1], strides = [1, 1]} : vector<1024x16xi32> to vector<1024x1xi32>
    %shift_right_arithmetic3A_286 = arith.constant 0 : i32
    %shift_right_arithmetic3A_287 = vector.broadcast %shift_right_arithmetic3A_286 : i32 to vector<1024x1xi32>
    %shift_right_arithmetic3A_288 = arith.shrsi %slice3A_285, %shift_right_arithmetic3A_287 : vector<1024x1xi32>
    %and3A_289 = arith.constant 1 : i32
    %and3A_290 = vector.broadcast %and3A_289 : i32 to vector<1024x1xi32>
    %and3A_291 = arith.andi %shift_right_arithmetic3A_288, %and3A_290 : vector<1024x1xi32>
    %eq3A_292 = arith.constant 1 : i32
    %eq3A_293 = vector.broadcast %eq3A_292 : i32 to vector<1024x1xi32>
    %eq3A_294 = arith.cmpi eq, %and3A_291, %eq3A_293 : vector<1024x1xi32>
    %broadcast_in_dim3A_295 = vector.shape_cast %eq3A_294 : vector<1024x1xi1> to vector<1024x1xi1>
    %broadcast_in_dim3A_296 = vector.broadcast %broadcast_in_dim3A_295 : vector<1024x1xi1> to vector<1024x128xi1>
    %select_n3A_297 = arith.select %broadcast_in_dim3A_296, %slice3A_9, %slice3A : vector<1024x128xi1>, vector<1024x128xbf16>
    %broadcast_in_dim3A_298 = vector.shape_cast %eq3A_294 : vector<1024x1xi1> to vector<1024x1xi1>
    %broadcast_in_dim3A_299 = vector.broadcast %broadcast_in_dim3A_298 : vector<1024x1xi1> to vector<1024x128xi1>
    %select_n3A_300 = arith.select %broadcast_in_dim3A_299, %slice3A_11, %slice3A_10 : vector<1024x128xi1>, vector<1024x128xbf16>
    %broadcast_in_dim3A_301 = vector.shape_cast %eq3A_294 : vector<1024x1xi1> to vector<1024x1xi1>
    %broadcast_in_dim3A_302 = vector.broadcast %broadcast_in_dim3A_301 : vector<1024x1xi1> to vector<1024x128xi1>
    %select_n3A_303 = arith.select %broadcast_in_dim3A_302, %slice3A_13, %slice3A_12 : vector<1024x128xi1>, vector<1024x128xbf16>
    %broadcast_in_dim3A_304 = vector.shape_cast %eq3A_294 : vector<1024x1xi1> to vector<1024x1xi1>
    %broadcast_in_dim3A_305 = vector.broadcast %broadcast_in_dim3A_304 : vector<1024x1xi1> to vector<1024x128xi1>
    %select_n3A_306 = arith.select %broadcast_in_dim3A_305, %slice3A_15, %slice3A_14 : vector<1024x128xi1>, vector<1024x128xbf16>
    %broadcast_in_dim3A_307 = vector.shape_cast %eq3A_294 : vector<1024x1xi1> to vector<1024x1xi1>
    %broadcast_in_dim3A_308 = vector.broadcast %broadcast_in_dim3A_307 : vector<1024x1xi1> to vector<1024x128xi1>
    %select_n3A_309 = arith.select %broadcast_in_dim3A_308, %slice3A_17, %slice3A_16 : vector<1024x128xi1>, vector<1024x128xbf16>
    %broadcast_in_dim3A_310 = vector.shape_cast %eq3A_294 : vector<1024x1xi1> to vector<1024x1xi1>
    %broadcast_in_dim3A_311 = vector.broadcast %broadcast_in_dim3A_310 : vector<1024x1xi1> to vector<1024x128xi1>
    %select_n3A_312 = arith.select %broadcast_in_dim3A_311, %slice3A_19, %slice3A_18 : vector<1024x128xi1>, vector<1024x128xbf16>
    %broadcast_in_dim3A_313 = vector.shape_cast %eq3A_294 : vector<1024x1xi1> to vector<1024x1xi1>
    %broadcast_in_dim3A_314 = vector.broadcast %broadcast_in_dim3A_313 : vector<1024x1xi1> to vector<1024x128xi1>
    %select_n3A_315 = arith.select %broadcast_in_dim3A_314, %slice3A_21, %slice3A_20 : vector<1024x128xi1>, vector<1024x128xbf16>
    %broadcast_in_dim3A_316 = vector.shape_cast %eq3A_294 : vector<1024x1xi1> to vector<1024x1xi1>
    %broadcast_in_dim3A_317 = vector.broadcast %broadcast_in_dim3A_316 : vector<1024x1xi1> to vector<1024x128xi1>
    %select_n3A_318 = arith.select %broadcast_in_dim3A_317, %slice3A_23, %slice3A_22 : vector<1024x128xi1>, vector<1024x128xbf16>
    %shift_right_arithmetic3A_319 = arith.constant 1 : i32
    %shift_right_arithmetic3A_320 = vector.broadcast %shift_right_arithmetic3A_319 : i32 to vector<1024x1xi32>
    %shift_right_arithmetic3A_321 = arith.shrsi %slice3A_285, %shift_right_arithmetic3A_320 : vector<1024x1xi32>
    %and3A_322 = arith.constant 1 : i32
    %and3A_323 = vector.broadcast %and3A_322 : i32 to vector<1024x1xi32>
    %and3A_324 = arith.andi %shift_right_arithmetic3A_321, %and3A_323 : vector<1024x1xi32>
    %eq3A_325 = arith.constant 1 : i32
    %eq3A_326 = vector.broadcast %eq3A_325 : i32 to vector<1024x1xi32>
    %eq3A_327 = arith.cmpi eq, %and3A_324, %eq3A_326 : vector<1024x1xi32>
    %broadcast_in_dim3A_328 = vector.shape_cast %eq3A_327 : vector<1024x1xi1> to vector<1024x1xi1>
    %broadcast_in_dim3A_329 = vector.broadcast %broadcast_in_dim3A_328 : vector<1024x1xi1> to vector<1024x128xi1>
    %select_n3A_330 = arith.select %broadcast_in_dim3A_329, %select_n3A_300, %select_n3A_297 : vector<1024x128xi1>, vector<1024x128xbf16>
    %broadcast_in_dim3A_331 = vector.shape_cast %eq3A_327 : vector<1024x1xi1> to vector<1024x1xi1>
    %broadcast_in_dim3A_332 = vector.broadcast %broadcast_in_dim3A_331 : vector<1024x1xi1> to vector<1024x128xi1>
    %select_n3A_333 = arith.select %broadcast_in_dim3A_332, %select_n3A_306, %select_n3A_303 : vector<1024x128xi1>, vector<1024x128xbf16>
    %broadcast_in_dim3A_334 = vector.shape_cast %eq3A_327 : vector<1024x1xi1> to vector<1024x1xi1>
    %broadcast_in_dim3A_335 = vector.broadcast %broadcast_in_dim3A_334 : vector<1024x1xi1> to vector<1024x128xi1>
    %select_n3A_336 = arith.select %broadcast_in_dim3A_335, %select_n3A_312, %select_n3A_309 : vector<1024x128xi1>, vector<1024x128xbf16>
    %broadcast_in_dim3A_337 = vector.shape_cast %eq3A_327 : vector<1024x1xi1> to vector<1024x1xi1>
    %broadcast_in_dim3A_338 = vector.broadcast %broadcast_in_dim3A_337 : vector<1024x1xi1> to vector<1024x128xi1>
    %select_n3A_339 = arith.select %broadcast_in_dim3A_338, %select_n3A_318, %select_n3A_315 : vector<1024x128xi1>, vector<1024x128xbf16>
    %shift_right_arithmetic3A_340 = arith.constant 2 : i32
    %shift_right_arithmetic3A_341 = vector.broadcast %shift_right_arithmetic3A_340 : i32 to vector<1024x1xi32>
    %shift_right_arithmetic3A_342 = arith.shrsi %slice3A_285, %shift_right_arithmetic3A_341 : vector<1024x1xi32>
    %and3A_343 = arith.constant 1 : i32
    %and3A_344 = vector.broadcast %and3A_343 : i32 to vector<1024x1xi32>
    %and3A_345 = arith.andi %shift_right_arithmetic3A_342, %and3A_344 : vector<1024x1xi32>
    %eq3A_346 = arith.constant 1 : i32
    %eq3A_347 = vector.broadcast %eq3A_346 : i32 to vector<1024x1xi32>
    %eq3A_348 = arith.cmpi eq, %and3A_345, %eq3A_347 : vector<1024x1xi32>
    %broadcast_in_dim3A_349 = vector.shape_cast %eq3A_348 : vector<1024x1xi1> to vector<1024x1xi1>
    %broadcast_in_dim3A_350 = vector.broadcast %broadcast_in_dim3A_349 : vector<1024x1xi1> to vector<1024x128xi1>
    %select_n3A_351 = arith.select %broadcast_in_dim3A_350, %select_n3A_333, %select_n3A_330 : vector<1024x128xi1>, vector<1024x128xbf16>
    %broadcast_in_dim3A_352 = vector.shape_cast %eq3A_348 : vector<1024x1xi1> to vector<1024x1xi1>
    %broadcast_in_dim3A_353 = vector.broadcast %broadcast_in_dim3A_352 : vector<1024x1xi1> to vector<1024x128xi1>
    %select_n3A_354 = arith.select %broadcast_in_dim3A_353, %select_n3A_339, %select_n3A_336 : vector<1024x128xi1>, vector<1024x128xbf16>
    %shift_right_arithmetic3A_355 = arith.constant 3 : i32
    %shift_right_arithmetic3A_356 = vector.broadcast %shift_right_arithmetic3A_355 : i32 to vector<1024x1xi32>
    %shift_right_arithmetic3A_357 = arith.shrsi %slice3A_285, %shift_right_arithmetic3A_356 : vector<1024x1xi32>
    %and3A_358 = arith.constant 1 : i32
    %and3A_359 = vector.broadcast %and3A_358 : i32 to vector<1024x1xi32>
    %and3A_360 = arith.andi %shift_right_arithmetic3A_357, %and3A_359 : vector<1024x1xi32>
    %eq3A_361 = arith.constant 1 : i32
    %eq3A_362 = vector.broadcast %eq3A_361 : i32 to vector<1024x1xi32>
    %eq3A_363 = arith.cmpi eq, %and3A_360, %eq3A_362 : vector<1024x1xi32>
    %broadcast_in_dim3A_364 = vector.shape_cast %eq3A_363 : vector<1024x1xi1> to vector<1024x1xi1>
    %broadcast_in_dim3A_365 = vector.broadcast %broadcast_in_dim3A_364 : vector<1024x1xi1> to vector<1024x128xi1>
    %select_n3A_366 = arith.select %broadcast_in_dim3A_365, %select_n3A_354, %select_n3A_351 : vector<1024x128xi1>, vector<1024x128xbf16>
    %swap3A_367 = arith.constant 3 : index
    %swap3A_368 = arith.constant 0 : index
    %swap3A_369 = arith.constant 0 : index
    %swap3A_370 = vector.load %arg4[%swap3A_367, %swap3A_368, %swap3A_369] : memref<8x1024x128xbf16, #tpu.memory_space<vmem>>, vector<1x1024x128xbf16>
    %swap3A_371 = vector.shape_cast %swap3A_370 : vector<1x1024x128xbf16> to vector<1024x128xbf16>
    %swap3A_372 = vector.shape_cast %select_n3A_366 : vector<1024x128xbf16> to vector<1x1024x128xbf16>
    tpu.vector_store %arg4[%swap3A_367, %swap3A_368, %swap3A_369], %swap3A_372 {strides = array<i32>} : memref<8x1024x128xbf16, #tpu.memory_space<vmem>>, vector<1x1024x128xbf16>,
    %slice3A_373 = vector.extract_strided_slice %get3A_26 {offsets = [0, 4], sizes = [1024, 1], strides = [1, 1]} : vector<1024x16xi32> to vector<1024x1xi32>
    %shift_right_arithmetic3A_374 = arith.constant 0 : i32
    %shift_right_arithmetic3A_375 = vector.broadcast %shift_right_arithmetic3A_374 : i32 to vector<1024x1xi32>
    %shift_right_arithmetic3A_376 = arith.shrsi %slice3A_373, %shift_right_arithmetic3A_375 : vector<1024x1xi32>
    %and3A_377 = arith.constant 1 : i32
    %and3A_378 = vector.broadcast %and3A_377 : i32 to vector<1024x1xi32>
    %and3A_379 = arith.andi %shift_right_arithmetic3A_376, %and3A_378 : vector<1024x1xi32>
    %eq3A_380 = arith.constant 1 : i32
    %eq3A_381 = vector.broadcast %eq3A_380 : i32 to vector<1024x1xi32>
    %eq3A_382 = arith.cmpi eq, %and3A_379, %eq3A_381 : vector<1024x1xi32>
    %broadcast_in_dim3A_383 = vector.shape_cast %eq3A_382 : vector<1024x1xi1> to vector<1024x1xi1>
    %broadcast_in_dim3A_384 = vector.broadcast %broadcast_in_dim3A_383 : vector<1024x1xi1> to vector<1024x128xi1>
    %select_n3A_385 = arith.select %broadcast_in_dim3A_384, %slice3A_9, %slice3A : vector<1024x128xi1>, vector<1024x128xbf16>
    %broadcast_in_dim3A_386 = vector.shape_cast %eq3A_382 : vector<1024x1xi1> to vector<1024x1xi1>
    %broadcast_in_dim3A_387 = vector.broadcast %broadcast_in_dim3A_386 : vector<1024x1xi1> to vector<1024x128xi1>
    %select_n3A_388 = arith.select %broadcast_in_dim3A_387, %slice3A_11, %slice3A_10 : vector<1024x128xi1>, vector<1024x128xbf16>
    %broadcast_in_dim3A_389 = vector.shape_cast %eq3A_382 : vector<1024x1xi1> to vector<1024x1xi1>
    %broadcast_in_dim3A_390 = vector.broadcast %broadcast_in_dim3A_389 : vector<1024x1xi1> to vector<1024x128xi1>
    %select_n3A_391 = arith.select %broadcast_in_dim3A_390, %slice3A_13, %slice3A_12 : vector<1024x128xi1>, vector<1024x128xbf16>
    %broadcast_in_dim3A_392 = vector.shape_cast %eq3A_382 : vector<1024x1xi1> to vector<1024x1xi1>
    %broadcast_in_dim3A_393 = vector.broadcast %broadcast_in_dim3A_392 : vector<1024x1xi1> to vector<1024x128xi1>
    %select_n3A_394 = arith.select %broadcast_in_dim3A_393, %slice3A_15, %slice3A_14 : vector<1024x128xi1>, vector<1024x128xbf16>
    %broadcast_in_dim3A_395 = vector.shape_cast %eq3A_382 : vector<1024x1xi1> to vector<1024x1xi1>
    %broadcast_in_dim3A_396 = vector.broadcast %broadcast_in_dim3A_395 : vector<1024x1xi1> to vector<1024x128xi1>
    %select_n3A_397 = arith.select %broadcast_in_dim3A_396, %slice3A_17, %slice3A_16 : vector<1024x128xi1>, vector<1024x128xbf16>
    %broadcast_in_dim3A_398 = vector.shape_cast %eq3A_382 : vector<1024x1xi1> to vector<1024x1xi1>
    %broadcast_in_dim3A_399 = vector.broadcast %broadcast_in_dim3A_398 : vector<1024x1xi1> to vector<1024x128xi1>
    %select_n3A_400 = arith.select %broadcast_in_dim3A_399, %slice3A_19, %slice3A_18 : vector<1024x128xi1>, vector<1024x128xbf16>
    %broadcast_in_dim3A_401 = vector.shape_cast %eq3A_382 : vector<1024x1xi1> to vector<1024x1xi1>
    %broadcast_in_dim3A_402 = vector.broadcast %broadcast_in_dim3A_401 : vector<1024x1xi1> to vector<1024x128xi1>
    %select_n3A_403 = arith.select %broadcast_in_dim3A_402, %slice3A_21, %slice3A_20 : vector<1024x128xi1>, vector<1024x128xbf16>
    %broadcast_in_dim3A_404 = vector.shape_cast %eq3A_382 : vector<1024x1xi1> to vector<1024x1xi1>
    %broadcast_in_dim3A_405 = vector.broadcast %broadcast_in_dim3A_404 : vector<1024x1xi1> to vector<1024x128xi1>
    %select_n3A_406 = arith.select %broadcast_in_dim3A_405, %slice3A_23, %slice3A_22 : vector<1024x128xi1>, vector<1024x128xbf16>
    %shift_right_arithmetic3A_407 = arith.constant 1 : i32
    %shift_right_arithmetic3A_408 = vector.broadcast %shift_right_arithmetic3A_407 : i32 to vector<1024x1xi32>
    %shift_right_arithmetic3A_409 = arith.shrsi %slice3A_373, %shift_right_arithmetic3A_408 : vector<1024x1xi32>
    %and3A_410 = arith.constant 1 : i32
    %and3A_411 = vector.broadcast %and3A_410 : i32 to vector<1024x1xi32>
    %and3A_412 = arith.andi %shift_right_arithmetic3A_409, %and3A_411 : vector<1024x1xi32>
    %eq3A_413 = arith.constant 1 : i32
    %eq3A_414 = vector.broadcast %eq3A_413 : i32 to vector<1024x1xi32>
    %eq3A_415 = arith.cmpi eq, %and3A_412, %eq3A_414 : vector<1024x1xi32>
    %broadcast_in_dim3A_416 = vector.shape_cast %eq3A_415 : vector<1024x1xi1> to vector<1024x1xi1>
    %broadcast_in_dim3A_417 = vector.broadcast %broadcast_in_dim3A_416 : vector<1024x1xi1> to vector<1024x128xi1>
    %select_n3A_418 = arith.select %broadcast_in_dim3A_417, %select_n3A_388, %select_n3A_385 : vector<1024x128xi1>, vector<1024x128xbf16>
    %broadcast_in_dim3A_419 = vector.shape_cast %eq3A_415 : vector<1024x1xi1> to vector<1024x1xi1>
    %broadcast_in_dim3A_420 = vector.broadcast %broadcast_in_dim3A_419 : vector<1024x1xi1> to vector<1024x128xi1>
    %select_n3A_421 = arith.select %broadcast_in_dim3A_420, %select_n3A_394, %select_n3A_391 : vector<1024x128xi1>, vector<1024x128xbf16>
    %broadcast_in_dim3A_422 = vector.shape_cast %eq3A_415 : vector<1024x1xi1> to vector<1024x1xi1>
    %broadcast_in_dim3A_423 = vector.broadcast %broadcast_in_dim3A_422 : vector<1024x1xi1> to vector<1024x128xi1>
    %select_n3A_424 = arith.select %broadcast_in_dim3A_423, %select_n3A_400, %select_n3A_397 : vector<1024x128xi1>, vector<1024x128xbf16>
    %broadcast_in_dim3A_425 = vector.shape_cast %eq3A_415 : vector<1024x1xi1> to vector<1024x1xi1>
    %broadcast_in_dim3A_426 = vector.broadcast %broadcast_in_dim3A_425 : vector<1024x1xi1> to vector<1024x128xi1>
    %select_n3A_427 = arith.select %broadcast_in_dim3A_426, %select_n3A_406, %select_n3A_403 : vector<1024x128xi1>, vector<1024x128xbf16>
    %shift_right_arithmetic3A_428 = arith.constant 2 : i32
    %shift_right_arithmetic3A_429 = vector.broadcast %shift_right_arithmetic3A_428 : i32 to vector<1024x1xi32>
    %shift_right_arithmetic3A_430 = arith.shrsi %slice3A_373, %shift_right_arithmetic3A_429 : vector<1024x1xi32>
    %and3A_431 = arith.constant 1 : i32
    %and3A_432 = vector.broadcast %and3A_431 : i32 to vector<1024x1xi32>
    %and3A_433 = arith.andi %shift_right_arithmetic3A_430, %and3A_432 : vector<1024x1xi32>
    %eq3A_434 = arith.constant 1 : i32
    %eq3A_435 = vector.broadcast %eq3A_434 : i32 to vector<1024x1xi32>
    %eq3A_436 = arith.cmpi eq, %and3A_433, %eq3A_435 : vector<1024x1xi32>
    %broadcast_in_dim3A_437 = vector.shape_cast %eq3A_436 : vector<1024x1xi1> to vector<1024x1xi1>
    %broadcast_in_dim3A_438 = vector.broadcast %broadcast_in_dim3A_437 : vector<1024x1xi1> to vector<1024x128xi1>
    %select_n3A_439 = arith.select %broadcast_in_dim3A_438, %select_n3A_421, %select_n3A_418 : vector<1024x128xi1>, vector<1024x128xbf16>
    %broadcast_in_dim3A_440 = vector.shape_cast %eq3A_436 : vector<1024x1xi1> to vector<1024x1xi1>
    %broadcast_in_dim3A_441 = vector.broadcast %broadcast_in_dim3A_440 : vector<1024x1xi1> to vector<1024x128xi1>
    %select_n3A_442 = arith.select %broadcast_in_dim3A_441, %select_n3A_427, %select_n3A_424 : vector<1024x128xi1>, vector<1024x128xbf16>
    %shift_right_arithmetic3A_443 = arith.constant 3 : i32
    %shift_right_arithmetic3A_444 = vector.broadcast %shift_right_arithmetic3A_443 : i32 to vector<1024x1xi32>
    %shift_right_arithmetic3A_445 = arith.shrsi %slice3A_373, %shift_right_arithmetic3A_444 : vector<1024x1xi32>
    %and3A_446 = arith.constant 1 : i32
    %and3A_447 = vector.broadcast %and3A_446 : i32 to vector<1024x1xi32>
    %and3A_448 = arith.andi %shift_right_arithmetic3A_445, %and3A_447 : vector<1024x1xi32>
    %eq3A_449 = arith.constant 1 : i32
    %eq3A_450 = vector.broadcast %eq3A_449 : i32 to vector<1024x1xi32>
    %eq3A_451 = arith.cmpi eq, %and3A_448, %eq3A_450 : vector<1024x1xi32>
    %broadcast_in_dim3A_452 = vector.shape_cast %eq3A_451 : vector<1024x1xi1> to vector<1024x1xi1>
    %broadcast_in_dim3A_453 = vector.broadcast %broadcast_in_dim3A_452 : vector<1024x1xi1> to vector<1024x128xi1>
    %select_n3A_454 = arith.select %broadcast_in_dim3A_453, %select_n3A_442, %select_n3A_439 : vector<1024x128xi1>, vector<1024x128xbf16>
    %swap3A_455 = arith.constant 4 : index
    %swap3A_456 = arith.constant 0 : index
    %swap3A_457 = arith.constant 0 : index
    %swap3A_458 = vector.load %arg4[%swap3A_455, %swap3A_456, %swap3A_457] : memref<8x1024x128xbf16, #tpu.memory_space<vmem>>, vector<1x1024x128xbf16>
    %swap3A_459 = vector.shape_cast %swap3A_458 : vector<1x1024x128xbf16> to vector<1024x128xbf16>
    %swap3A_460 = vector.shape_cast %select_n3A_454 : vector<1024x128xbf16> to vector<1x1024x128xbf16>
    tpu.vector_store %arg4[%swap3A_455, %swap3A_456, %swap3A_457], %swap3A_460 {strides = array<i32>} : memref<8x1024x128xbf16, #tpu.memory_space<vmem>>, vector<1x1024x128xbf16>,
    %slice3A_461 = vector.extract_strided_slice %get3A_26 {offsets = [0, 5], sizes = [1024, 1], strides = [1, 1]} : vector<1024x16xi32> to vector<1024x1xi32>
    %shift_right_arithmetic3A_462 = arith.constant 0 : i32
    %shift_right_arithmetic3A_463 = vector.broadcast %shift_right_arithmetic3A_462 : i32 to vector<1024x1xi32>
    %shift_right_arithmetic3A_464 = arith.shrsi %slice3A_461, %shift_right_arithmetic3A_463 : vector<1024x1xi32>
    %and3A_465 = arith.constant 1 : i32
    %and3A_466 = vector.broadcast %and3A_465 : i32 to vector<1024x1xi32>
    %and3A_467 = arith.andi %shift_right_arithmetic3A_464, %and3A_466 : vector<1024x1xi32>
    %eq3A_468 = arith.constant 1 : i32
    %eq3A_469 = vector.broadcast %eq3A_468 : i32 to vector<1024x1xi32>
    %eq3A_470 = arith.cmpi eq, %and3A_467, %eq3A_469 : vector<1024x1xi32>
    %broadcast_in_dim3A_471 = vector.shape_cast %eq3A_470 : vector<1024x1xi1> to vector<1024x1xi1>
    %broadcast_in_dim3A_472 = vector.broadcast %broadcast_in_dim3A_471 : vector<1024x1xi1> to vector<1024x128xi1>
    %select_n3A_473 = arith.select %broadcast_in_dim3A_472, %slice3A_9, %slice3A : vector<1024x128xi1>, vector<1024x128xbf16>
    %broadcast_in_dim3A_474 = vector.shape_cast %eq3A_470 : vector<1024x1xi1> to vector<1024x1xi1>
    %broadcast_in_dim3A_475 = vector.broadcast %broadcast_in_dim3A_474 : vector<1024x1xi1> to vector<1024x128xi1>
    %select_n3A_476 = arith.select %broadcast_in_dim3A_475, %slice3A_11, %slice3A_10 : vector<1024x128xi1>, vector<1024x128xbf16>
    %broadcast_in_dim3A_477 = vector.shape_cast %eq3A_470 : vector<1024x1xi1> to vector<1024x1xi1>
    %broadcast_in_dim3A_478 = vector.broadcast %broadcast_in_dim3A_477 : vector<1024x1xi1> to vector<1024x128xi1>
    %select_n3A_479 = arith.select %broadcast_in_dim3A_478, %slice3A_13, %slice3A_12 : vector<1024x128xi1>, vector<1024x128xbf16>
    %broadcast_in_dim3A_480 = vector.shape_cast %eq3A_470 : vector<1024x1xi1> to vector<1024x1xi1>
    %broadcast_in_dim3A_481 = vector.broadcast %broadcast_in_dim3A_480 : vector<1024x1xi1> to vector<1024x128xi1>
    %select_n3A_482 = arith.select %broadcast_in_dim3A_481, %slice3A_15, %slice3A_14 : vector<1024x128xi1>, vector<1024x128xbf16>
    %broadcast_in_dim3A_483 = vector.shape_cast %eq3A_470 : vector<1024x1xi1> to vector<1024x1xi1>
    %broadcast_in_dim3A_484 = vector.broadcast %broadcast_in_dim3A_483 : vector<1024x1xi1> to vector<1024x128xi1>
    %select_n3A_485 = arith.select %broadcast_in_dim3A_484, %slice3A_17, %slice3A_16 : vector<1024x128xi1>, vector<1024x128xbf16>
    %broadcast_in_dim3A_486 = vector.shape_cast %eq3A_470 : vector<1024x1xi1> to vector<1024x1xi1>
    %broadcast_in_dim3A_487 = vector.broadcast %broadcast_in_dim3A_486 : vector<1024x1xi1> to vector<1024x128xi1>
    %select_n3A_488 = arith.select %broadcast_in_dim3A_487, %slice3A_19, %slice3A_18 : vector<1024x128xi1>, vector<1024x128xbf16>
    %broadcast_in_dim3A_489 = vector.shape_cast %eq3A_470 : vector<1024x1xi1> to vector<1024x1xi1>
    %broadcast_in_dim3A_490 = vector.broadcast %broadcast_in_dim3A_489 : vector<1024x1xi1> to vector<1024x128xi1>
    %select_n3A_491 = arith.select %broadcast_in_dim3A_490, %slice3A_21, %slice3A_20 : vector<1024x128xi1>, vector<1024x128xbf16>
    %broadcast_in_dim3A_492 = vector.shape_cast %eq3A_470 : vector<1024x1xi1> to vector<1024x1xi1>
    %broadcast_in_dim3A_493 = vector.broadcast %broadcast_in_dim3A_492 : vector<1024x1xi1> to vector<1024x128xi1>
    %select_n3A_494 = arith.select %broadcast_in_dim3A_493, %slice3A_23, %slice3A_22 : vector<1024x128xi1>, vector<1024x128xbf16>
    %shift_right_arithmetic3A_495 = arith.constant 1 : i32
    %shift_right_arithmetic3A_496 = vector.broadcast %shift_right_arithmetic3A_495 : i32 to vector<1024x1xi32>
    %shift_right_arithmetic3A_497 = arith.shrsi %slice3A_461, %shift_right_arithmetic3A_496 : vector<1024x1xi32>
    %and3A_498 = arith.constant 1 : i32
    %and3A_499 = vector.broadcast %and3A_498 : i32 to vector<1024x1xi32>
    %and3A_500 = arith.andi %shift_right_arithmetic3A_497, %and3A_499 : vector<1024x1xi32>
    %eq3A_501 = arith.constant 1 : i32
    %eq3A_502 = vector.broadcast %eq3A_501 : i32 to vector<1024x1xi32>
    %eq3A_503 = arith.cmpi eq, %and3A_500, %eq3A_502 : vector<1024x1xi32>
    %broadcast_in_dim3A_504 = vector.shape_cast %eq3A_503 : vector<1024x1xi1> to vector<1024x1xi1>
    %broadcast_in_dim3A_505 = vector.broadcast %broadcast_in_dim3A_504 : vector<1024x1xi1> to vector<1024x128xi1>
    %select_n3A_506 = arith.select %broadcast_in_dim3A_505, %select_n3A_476, %select_n3A_473 : vector<1024x128xi1>, vector<1024x128xbf16>
    %broadcast_in_dim3A_507 = vector.shape_cast %eq3A_503 : vector<1024x1xi1> to vector<1024x1xi1>
    %broadcast_in_dim3A_508 = vector.broadcast %broadcast_in_dim3A_507 : vector<1024x1xi1> to vector<1024x128xi1>
    %select_n3A_509 = arith.select %broadcast_in_dim3A_508, %select_n3A_482, %select_n3A_479 : vector<1024x128xi1>, vector<1024x128xbf16>
    %broadcast_in_dim3A_510 = vector.shape_cast %eq3A_503 : vector<1024x1xi1> to vector<1024x1xi1>
    %broadcast_in_dim3A_511 = vector.broadcast %broadcast_in_dim3A_510 : vector<1024x1xi1> to vector<1024x128xi1>
    %select_n3A_512 = arith.select %broadcast_in_dim3A_511, %select_n3A_488, %select_n3A_485 : vector<1024x128xi1>, vector<1024x128xbf16>
    %broadcast_in_dim3A_513 = vector.shape_cast %eq3A_503 : vector<1024x1xi1> to vector<1024x1xi1>
    %broadcast_in_dim3A_514 = vector.broadcast %broadcast_in_dim3A_513 : vector<1024x1xi1> to vector<1024x128xi1>
    %select_n3A_515 = arith.select %broadcast_in_dim3A_514, %select_n3A_494, %select_n3A_491 : vector<1024x128xi1>, vector<1024x128xbf16>
    %shift_right_arithmetic3A_516 = arith.constant 2 : i32
    %shift_right_arithmetic3A_517 = vector.broadcast %shift_right_arithmetic3A_516 : i32 to vector<1024x1xi32>
    %shift_right_arithmetic3A_518 = arith.shrsi %slice3A_461, %shift_right_arithmetic3A_517 : vector<1024x1xi32>
    %and3A_519 = arith.constant 1 : i32
    %and3A_520 = vector.broadcast %and3A_519 : i32 to vector<1024x1xi32>
    %and3A_521 = arith.andi %shift_right_arithmetic3A_518, %and3A_520 : vector<1024x1xi32>
    %eq3A_522 = arith.constant 1 : i32
    %eq3A_523 = vector.broadcast %eq3A_522 : i32 to vector<1024x1xi32>
    %eq3A_524 = arith.cmpi eq, %and3A_521, %eq3A_523 : vector<1024x1xi32>
    %broadcast_in_dim3A_525 = vector.shape_cast %eq3A_524 : vector<1024x1xi1> to vector<1024x1xi1>
    %broadcast_in_dim3A_526 = vector.broadcast %broadcast_in_dim3A_525 : vector<1024x1xi1> to vector<1024x128xi1>
    %select_n3A_527 = arith.select %broadcast_in_dim3A_526, %select_n3A_509, %select_n3A_506 : vector<1024x128xi1>, vector<1024x128xbf16>
    %broadcast_in_dim3A_528 = vector.shape_cast %eq3A_524 : vector<1024x1xi1> to vector<1024x1xi1>
    %broadcast_in_dim3A_529 = vector.broadcast %broadcast_in_dim3A_528 : vector<1024x1xi1> to vector<1024x128xi1>
    %select_n3A_530 = arith.select %broadcast_in_dim3A_529, %select_n3A_515, %select_n3A_512 : vector<1024x128xi1>, vector<1024x128xbf16>
    %shift_right_arithmetic3A_531 = arith.constant 3 : i32
    %shift_right_arithmetic3A_532 = vector.broadcast %shift_right_arithmetic3A_531 : i32 to vector<1024x1xi32>
    %shift_right_arithmetic3A_533 = arith.shrsi %slice3A_461, %shift_right_arithmetic3A_532 : vector<1024x1xi32>
    %and3A_534 = arith.constant 1 : i32
    %and3A_535 = vector.broadcast %and3A_534 : i32 to vector<1024x1xi32>
    %and3A_536 = arith.andi %shift_right_arithmetic3A_533, %and3A_535 : vector<1024x1xi32>
    %eq3A_537 = arith.constant 1 : i32
    %eq3A_538 = vector.broadcast %eq3A_537 : i32 to vector<1024x1xi32>
    %eq3A_539 = arith.cmpi eq, %and3A_536, %eq3A_538 : vector<1024x1xi32>
    %broadcast_in_dim3A_540 = vector.shape_cast %eq3A_539 : vector<1024x1xi1> to vector<1024x1xi1>
    %broadcast_in_dim3A_541 = vector.broadcast %broadcast_in_dim3A_540 : vector<1024x1xi1> to vector<1024x128xi1>
    %select_n3A_542 = arith.select %broadcast_in_dim3A_541, %select_n3A_530, %select_n3A_527 : vector<1024x128xi1>, vector<1024x128xbf16>
    %swap3A_543 = arith.constant 5 : index
    %swap3A_544 = arith.constant 0 : index
    %swap3A_545 = arith.constant 0 : index
    %swap3A_546 = vector.load %arg4[%swap3A_543, %swap3A_544, %swap3A_545] : memref<8x1024x128xbf16, #tpu.memory_space<vmem>>, vector<1x1024x128xbf16>
    %swap3A_547 = vector.shape_cast %swap3A_546 : vector<1x1024x128xbf16> to vector<1024x128xbf16>
    %swap3A_548 = vector.shape_cast %select_n3A_542 : vector<1024x128xbf16> to vector<1x1024x128xbf16>
    tpu.vector_store %arg4[%swap3A_543, %swap3A_544, %swap3A_545], %swap3A_548 {strides = array<i32>} : memref<8x1024x128xbf16, #tpu.memory_space<vmem>>, vector<1x1024x128xbf16>,
    %slice3A_549 = vector.extract_strided_slice %get3A_26 {offsets = [0, 6], sizes = [1024, 1], strides = [1, 1]} : vector<1024x16xi32> to vector<1024x1xi32>
    %shift_right_arithmetic3A_550 = arith.constant 0 : i32
    %shift_right_arithmetic3A_551 = vector.broadcast %shift_right_arithmetic3A_550 : i32 to vector<1024x1xi32>
    %shift_right_arithmetic3A_552 = arith.shrsi %slice3A_549, %shift_right_arithmetic3A_551 : vector<1024x1xi32>
    %and3A_553 = arith.constant 1 : i32
    %and3A_554 = vector.broadcast %and3A_553 : i32 to vector<1024x1xi32>
    %and3A_555 = arith.andi %shift_right_arithmetic3A_552, %and3A_554 : vector<1024x1xi32>
    %eq3A_556 = arith.constant 1 : i32
    %eq3A_557 = vector.broadcast %eq3A_556 : i32 to vector<1024x1xi32>
    %eq3A_558 = arith.cmpi eq, %and3A_555, %eq3A_557 : vector<1024x1xi32>
    %broadcast_in_dim3A_559 = vector.shape_cast %eq3A_558 : vector<1024x1xi1> to vector<1024x1xi1>
    %broadcast_in_dim3A_560 = vector.broadcast %broadcast_in_dim3A_559 : vector<1024x1xi1> to vector<1024x128xi1>
    %select_n3A_561 = arith.select %broadcast_in_dim3A_560, %slice3A_9, %slice3A : vector<1024x128xi1>, vector<1024x128xbf16>
    %broadcast_in_dim3A_562 = vector.shape_cast %eq3A_558 : vector<1024x1xi1> to vector<1024x1xi1>
    %broadcast_in_dim3A_563 = vector.broadcast %broadcast_in_dim3A_562 : vector<1024x1xi1> to vector<1024x128xi1>
    %select_n3A_564 = arith.select %broadcast_in_dim3A_563, %slice3A_11, %slice3A_10 : vector<1024x128xi1>, vector<1024x128xbf16>
    %broadcast_in_dim3A_565 = vector.shape_cast %eq3A_558 : vector<1024x1xi1> to vector<1024x1xi1>
    %broadcast_in_dim3A_566 = vector.broadcast %broadcast_in_dim3A_565 : vector<1024x1xi1> to vector<1024x128xi1>
    %select_n3A_567 = arith.select %broadcast_in_dim3A_566, %slice3A_13, %slice3A_12 : vector<1024x128xi1>, vector<1024x128xbf16>
    %broadcast_in_dim3A_568 = vector.shape_cast %eq3A_558 : vector<1024x1xi1> to vector<1024x1xi1>
    %broadcast_in_dim3A_569 = vector.broadcast %broadcast_in_dim3A_568 : vector<1024x1xi1> to vector<1024x128xi1>
    %select_n3A_570 = arith.select %broadcast_in_dim3A_569, %slice3A_15, %slice3A_14 : vector<1024x128xi1>, vector<1024x128xbf16>
    %broadcast_in_dim3A_571 = vector.shape_cast %eq3A_558 : vector<1024x1xi1> to vector<1024x1xi1>
    %broadcast_in_dim3A_572 = vector.broadcast %broadcast_in_dim3A_571 : vector<1024x1xi1> to vector<1024x128xi1>
    %select_n3A_573 = arith.select %broadcast_in_dim3A_572, %slice3A_17, %slice3A_16 : vector<1024x128xi1>, vector<1024x128xbf16>
    %broadcast_in_dim3A_574 = vector.shape_cast %eq3A_558 : vector<1024x1xi1> to vector<1024x1xi1>
    %broadcast_in_dim3A_575 = vector.broadcast %broadcast_in_dim3A_574 : vector<1024x1xi1> to vector<1024x128xi1>
    %select_n3A_576 = arith.select %broadcast_in_dim3A_575, %slice3A_19, %slice3A_18 : vector<1024x128xi1>, vector<1024x128xbf16>
    %broadcast_in_dim3A_577 = vector.shape_cast %eq3A_558 : vector<1024x1xi1> to vector<1024x1xi1>
    %broadcast_in_dim3A_578 = vector.broadcast %broadcast_in_dim3A_577 : vector<1024x1xi1> to vector<1024x128xi1>
    %select_n3A_579 = arith.select %broadcast_in_dim3A_578, %slice3A_21, %slice3A_20 : vector<1024x128xi1>, vector<1024x128xbf16>
    %broadcast_in_dim3A_580 = vector.shape_cast %eq3A_558 : vector<1024x1xi1> to vector<1024x1xi1>
    %broadcast_in_dim3A_581 = vector.broadcast %broadcast_in_dim3A_580 : vector<1024x1xi1> to vector<1024x128xi1>
    %select_n3A_582 = arith.select %broadcast_in_dim3A_581, %slice3A_23, %slice3A_22 : vector<1024x128xi1>, vector<1024x128xbf16>
    %shift_right_arithmetic3A_583 = arith.constant 1 : i32
    %shift_right_arithmetic3A_584 = vector.broadcast %shift_right_arithmetic3A_583 : i32 to vector<1024x1xi32>
    %shift_right_arithmetic3A_585 = arith.shrsi %slice3A_549, %shift_right_arithmetic3A_584 : vector<1024x1xi32>
    %and3A_586 = arith.constant 1 : i32
    %and3A_587 = vector.broadcast %and3A_586 : i32 to vector<1024x1xi32>
    %and3A_588 = arith.andi %shift_right_arithmetic3A_585, %and3A_587 : vector<1024x1xi32>
    %eq3A_589 = arith.constant 1 : i32
    %eq3A_590 = vector.broadcast %eq3A_589 : i32 to vector<1024x1xi32>
    %eq3A_591 = arith.cmpi eq, %and3A_588, %eq3A_590 : vector<1024x1xi32>
    %broadcast_in_dim3A_592 = vector.shape_cast %eq3A_591 : vector<1024x1xi1> to vector<1024x1xi1>
    %broadcast_in_dim3A_593 = vector.broadcast %broadcast_in_dim3A_592 : vector<1024x1xi1> to vector<1024x128xi1>
    %select_n3A_594 = arith.select %broadcast_in_dim3A_593, %select_n3A_564, %select_n3A_561 : vector<1024x128xi1>, vector<1024x128xbf16>
    %broadcast_in_dim3A_595 = vector.shape_cast %eq3A_591 : vector<1024x1xi1> to vector<1024x1xi1>
    %broadcast_in_dim3A_596 = vector.broadcast %broadcast_in_dim3A_595 : vector<1024x1xi1> to vector<1024x128xi1>
    %select_n3A_597 = arith.select %broadcast_in_dim3A_596, %select_n3A_570, %select_n3A_567 : vector<1024x128xi1>, vector<1024x128xbf16>
    %broadcast_in_dim3A_598 = vector.shape_cast %eq3A_591 : vector<1024x1xi1> to vector<1024x1xi1>
    %broadcast_in_dim3A_599 = vector.broadcast %broadcast_in_dim3A_598 : vector<1024x1xi1> to vector<1024x128xi1>
    %select_n3A_600 = arith.select %broadcast_in_dim3A_599, %select_n3A_576, %select_n3A_573 : vector<1024x128xi1>, vector<1024x128xbf16>
    %broadcast_in_dim3A_601 = vector.shape_cast %eq3A_591 : vector<1024x1xi1> to vector<1024x1xi1>
    %broadcast_in_dim3A_602 = vector.broadcast %broadcast_in_dim3A_601 : vector<1024x1xi1> to vector<1024x128xi1>
    %select_n3A_603 = arith.select %broadcast_in_dim3A_602, %select_n3A_582, %select_n3A_579 : vector<1024x128xi1>, vector<1024x128xbf16>
    %shift_right_arithmetic3A_604 = arith.constant 2 : i32
    %shift_right_arithmetic3A_605 = vector.broadcast %shift_right_arithmetic3A_604 : i32 to vector<1024x1xi32>
    %shift_right_arithmetic3A_606 = arith.shrsi %slice3A_549, %shift_right_arithmetic3A_605 : vector<1024x1xi32>
    %and3A_607 = arith.constant 1 : i32
    %and3A_608 = vector.broadcast %and3A_607 : i32 to vector<1024x1xi32>
    %and3A_609 = arith.andi %shift_right_arithmetic3A_606, %and3A_608 : vector<1024x1xi32>
    %eq3A_610 = arith.constant 1 : i32
    %eq3A_611 = vector.broadcast %eq3A_610 : i32 to vector<1024x1xi32>
    %eq3A_612 = arith.cmpi eq, %and3A_609, %eq3A_611 : vector<1024x1xi32>
    %broadcast_in_dim3A_613 = vector.shape_cast %eq3A_612 : vector<1024x1xi1> to vector<1024x1xi1>
    %broadcast_in_dim3A_614 = vector.broadcast %broadcast_in_dim3A_613 : vector<1024x1xi1> to vector<1024x128xi1>
    %select_n3A_615 = arith.select %broadcast_in_dim3A_614, %select_n3A_597, %select_n3A_594 : vector<1024x128xi1>, vector<1024x128xbf16>
    %broadcast_in_dim3A_616 = vector.shape_cast %eq3A_612 : vector<1024x1xi1> to vector<1024x1xi1>
    %broadcast_in_dim3A_617 = vector.broadcast %broadcast_in_dim3A_616 : vector<1024x1xi1> to vector<1024x128xi1>
    %select_n3A_618 = arith.select %broadcast_in_dim3A_617, %select_n3A_603, %select_n3A_600 : vector<1024x128xi1>, vector<1024x128xbf16>
    %shift_right_arithmetic3A_619 = arith.constant 3 : i32
    %shift_right_arithmetic3A_620 = vector.broadcast %shift_right_arithmetic3A_619 : i32 to vector<1024x1xi32>
    %shift_right_arithmetic3A_621 = arith.shrsi %slice3A_549, %shift_right_arithmetic3A_620 : vector<1024x1xi32>
    %and3A_622 = arith.constant 1 : i32
    %and3A_623 = vector.broadcast %and3A_622 : i32 to vector<1024x1xi32>
    %and3A_624 = arith.andi %shift_right_arithmetic3A_621, %and3A_623 : vector<1024x1xi32>
    %eq3A_625 = arith.constant 1 : i32
    %eq3A_626 = vector.broadcast %eq3A_625 : i32 to vector<1024x1xi32>
    %eq3A_627 = arith.cmpi eq, %and3A_624, %eq3A_626 : vector<1024x1xi32>
    %broadcast_in_dim3A_628 = vector.shape_cast %eq3A_627 : vector<1024x1xi1> to vector<1024x1xi1>
    %broadcast_in_dim3A_629 = vector.broadcast %broadcast_in_dim3A_628 : vector<1024x1xi1> to vector<1024x128xi1>
    %select_n3A_630 = arith.select %broadcast_in_dim3A_629, %select_n3A_618, %select_n3A_615 : vector<1024x128xi1>, vector<1024x128xbf16>
    %swap3A_631 = arith.constant 6 : index
    %swap3A_632 = arith.constant 0 : index
    %swap3A_633 = arith.constant 0 : index
    %swap3A_634 = vector.load %arg4[%swap3A_631, %swap3A_632, %swap3A_633] : memref<8x1024x128xbf16, #tpu.memory_space<vmem>>, vector<1x1024x128xbf16>
    %swap3A_635 = vector.shape_cast %swap3A_634 : vector<1x1024x128xbf16> to vector<1024x128xbf16>
    %swap3A_636 = vector.shape_cast %select_n3A_630 : vector<1024x128xbf16> to vector<1x1024x128xbf16>
    tpu.vector_store %arg4[%swap3A_631, %swap3A_632, %swap3A_633], %swap3A_636 {strides = array<i32>} : memref<8x1024x128xbf16, #tpu.memory_space<vmem>>, vector<1x1024x128xbf16>,
    %slice3A_637 = vector.extract_strided_slice %get3A_26 {offsets = [0, 7], sizes = [1024, 1], strides = [1, 1]} : vector<1024x16xi32> to vector<1024x1xi32>
    %shift_right_arithmetic3A_638 = arith.constant 0 : i32
    %shift_right_arithmetic3A_639 = vector.broadcast %shift_right_arithmetic3A_638 : i32 to vector<1024x1xi32>
    %shift_right_arithmetic3A_640 = arith.shrsi %slice3A_637, %shift_right_arithmetic3A_639 : vector<1024x1xi32>
    %and3A_641 = arith.constant 1 : i32
    %and3A_642 = vector.broadcast %and3A_641 : i32 to vector<1024x1xi32>
    %and3A_643 = arith.andi %shift_right_arithmetic3A_640, %and3A_642 : vector<1024x1xi32>
    %eq3A_644 = arith.constant 1 : i32
    %eq3A_645 = vector.broadcast %eq3A_644 : i32 to vector<1024x1xi32>
    %eq3A_646 = arith.cmpi eq, %and3A_643, %eq3A_645 : vector<1024x1xi32>
    %broadcast_in_dim3A_647 = vector.shape_cast %eq3A_646 : vector<1024x1xi1> to vector<1024x1xi1>
    %broadcast_in_dim3A_648 = vector.broadcast %broadcast_in_dim3A_647 : vector<1024x1xi1> to vector<1024x128xi1>
    %select_n3A_649 = arith.select %broadcast_in_dim3A_648, %slice3A_9, %slice3A : vector<1024x128xi1>, vector<1024x128xbf16>
    %broadcast_in_dim3A_650 = vector.shape_cast %eq3A_646 : vector<1024x1xi1> to vector<1024x1xi1>
    %broadcast_in_dim3A_651 = vector.broadcast %broadcast_in_dim3A_650 : vector<1024x1xi1> to vector<1024x128xi1>
    %select_n3A_652 = arith.select %broadcast_in_dim3A_651, %slice3A_11, %slice3A_10 : vector<1024x128xi1>, vector<1024x128xbf16>
    %broadcast_in_dim3A_653 = vector.shape_cast %eq3A_646 : vector<1024x1xi1> to vector<1024x1xi1>
    %broadcast_in_dim3A_654 = vector.broadcast %broadcast_in_dim3A_653 : vector<1024x1xi1> to vector<1024x128xi1>
    %select_n3A_655 = arith.select %broadcast_in_dim3A_654, %slice3A_13, %slice3A_12 : vector<1024x128xi1>, vector<1024x128xbf16>
    %broadcast_in_dim3A_656 = vector.shape_cast %eq3A_646 : vector<1024x1xi1> to vector<1024x1xi1>
    %broadcast_in_dim3A_657 = vector.broadcast %broadcast_in_dim3A_656 : vector<1024x1xi1> to vector<1024x128xi1>
    %select_n3A_658 = arith.select %broadcast_in_dim3A_657, %slice3A_15, %slice3A_14 : vector<1024x128xi1>, vector<1024x128xbf16>
    %broadcast_in_dim3A_659 = vector.shape_cast %eq3A_646 : vector<1024x1xi1> to vector<1024x1xi1>
    %broadcast_in_dim3A_660 = vector.broadcast %broadcast_in_dim3A_659 : vector<1024x1xi1> to vector<1024x128xi1>
    %select_n3A_661 = arith.select %broadcast_in_dim3A_660, %slice3A_17, %slice3A_16 : vector<1024x128xi1>, vector<1024x128xbf16>
    %broadcast_in_dim3A_662 = vector.shape_cast %eq3A_646 : vector<1024x1xi1> to vector<1024x1xi1>
    %broadcast_in_dim3A_663 = vector.broadcast %broadcast_in_dim3A_662 : vector<1024x1xi1> to vector<1024x128xi1>
    %select_n3A_664 = arith.select %broadcast_in_dim3A_663, %slice3A_19, %slice3A_18 : vector<1024x128xi1>, vector<1024x128xbf16>
    %broadcast_in_dim3A_665 = vector.shape_cast %eq3A_646 : vector<1024x1xi1> to vector<1024x1xi1>
    %broadcast_in_dim3A_666 = vector.broadcast %broadcast_in_dim3A_665 : vector<1024x1xi1> to vector<1024x128xi1>
    %select_n3A_667 = arith.select %broadcast_in_dim3A_666, %slice3A_21, %slice3A_20 : vector<1024x128xi1>, vector<1024x128xbf16>
    %broadcast_in_dim3A_668 = vector.shape_cast %eq3A_646 : vector<1024x1xi1> to vector<1024x1xi1>
    %broadcast_in_dim3A_669 = vector.broadcast %broadcast_in_dim3A_668 : vector<1024x1xi1> to vector<1024x128xi1>
    %select_n3A_670 = arith.select %broadcast_in_dim3A_669, %slice3A_23, %slice3A_22 : vector<1024x128xi1>, vector<1024x128xbf16>
    %shift_right_arithmetic3A_671 = arith.constant 1 : i32
    %shift_right_arithmetic3A_672 = vector.broadcast %shift_right_arithmetic3A_671 : i32 to vector<1024x1xi32>
    %shift_right_arithmetic3A_673 = arith.shrsi %slice3A_637, %shift_right_arithmetic3A_672 : vector<1024x1xi32>
    %and3A_674 = arith.constant 1 : i32
    %and3A_675 = vector.broadcast %and3A_674 : i32 to vector<1024x1xi32>
    %and3A_676 = arith.andi %shift_right_arithmetic3A_673, %and3A_675 : vector<1024x1xi32>
    %eq3A_677 = arith.constant 1 : i32
    %eq3A_678 = vector.broadcast %eq3A_677 : i32 to vector<1024x1xi32>
    %eq3A_679 = arith.cmpi eq, %and3A_676, %eq3A_678 : vector<1024x1xi32>
    %broadcast_in_dim3A_680 = vector.shape_cast %eq3A_679 : vector<1024x1xi1> to vector<1024x1xi1>
    %broadcast_in_dim3A_681 = vector.broadcast %broadcast_in_dim3A_680 : vector<1024x1xi1> to vector<1024x128xi1>
    %select_n3A_682 = arith.select %broadcast_in_dim3A_681, %select_n3A_652, %select_n3A_649 : vector<1024x128xi1>, vector<1024x128xbf16>
    %broadcast_in_dim3A_683 = vector.shape_cast %eq3A_679 : vector<1024x1xi1> to vector<1024x1xi1>
    %broadcast_in_dim3A_684 = vector.broadcast %broadcast_in_dim3A_683 : vector<1024x1xi1> to vector<1024x128xi1>
    %select_n3A_685 = arith.select %broadcast_in_dim3A_684, %select_n3A_658, %select_n3A_655 : vector<1024x128xi1>, vector<1024x128xbf16>
    %broadcast_in_dim3A_686 = vector.shape_cast %eq3A_679 : vector<1024x1xi1> to vector<1024x1xi1>
    %broadcast_in_dim3A_687 = vector.broadcast %broadcast_in_dim3A_686 : vector<1024x1xi1> to vector<1024x128xi1>
    %select_n3A_688 = arith.select %broadcast_in_dim3A_687, %select_n3A_664, %select_n3A_661 : vector<1024x128xi1>, vector<1024x128xbf16>
    %broadcast_in_dim3A_689 = vector.shape_cast %eq3A_679 : vector<1024x1xi1> to vector<1024x1xi1>
    %broadcast_in_dim3A_690 = vector.broadcast %broadcast_in_dim3A_689 : vector<1024x1xi1> to vector<1024x128xi1>
    %select_n3A_691 = arith.select %broadcast_in_dim3A_690, %select_n3A_670, %select_n3A_667 : vector<1024x128xi1>, vector<1024x128xbf16>
    %shift_right_arithmetic3A_692 = arith.constant 2 : i32
    %shift_right_arithmetic3A_693 = vector.broadcast %shift_right_arithmetic3A_692 : i32 to vector<1024x1xi32>
    %shift_right_arithmetic3A_694 = arith.shrsi %slice3A_637, %shift_right_arithmetic3A_693 : vector<1024x1xi32>
    %and3A_695 = arith.constant 1 : i32
    %and3A_696 = vector.broadcast %and3A_695 : i32 to vector<1024x1xi32>
    %and3A_697 = arith.andi %shift_right_arithmetic3A_694, %and3A_696 : vector<1024x1xi32>
    %eq3A_698 = arith.constant 1 : i32
    %eq3A_699 = vector.broadcast %eq3A_698 : i32 to vector<1024x1xi32>
    %eq3A_700 = arith.cmpi eq, %and3A_697, %eq3A_699 : vector<1024x1xi32>
    %broadcast_in_dim3A_701 = vector.shape_cast %eq3A_700 : vector<1024x1xi1> to vector<1024x1xi1>
    %broadcast_in_dim3A_702 = vector.broadcast %broadcast_in_dim3A_701 : vector<1024x1xi1> to vector<1024x128xi1>
    %select_n3A_703 = arith.select %broadcast_in_dim3A_702, %select_n3A_685, %select_n3A_682 : vector<1024x128xi1>, vector<1024x128xbf16>
    %broadcast_in_dim3A_704 = vector.shape_cast %eq3A_700 : vector<1024x1xi1> to vector<1024x1xi1>
    %broadcast_in_dim3A_705 = vector.broadcast %broadcast_in_dim3A_704 : vector<1024x1xi1> to vector<1024x128xi1>
    %select_n3A_706 = arith.select %broadcast_in_dim3A_705, %select_n3A_691, %select_n3A_688 : vector<1024x128xi1>, vector<1024x128xbf16>
    %shift_right_arithmetic3A_707 = arith.constant 3 : i32
    %shift_right_arithmetic3A_708 = vector.broadcast %shift_right_arithmetic3A_707 : i32 to vector<1024x1xi32>
    %shift_right_arithmetic3A_709 = arith.shrsi %slice3A_637, %shift_right_arithmetic3A_708 : vector<1024x1xi32>
    %and3A_710 = arith.constant 1 : i32
    %and3A_711 = vector.broadcast %and3A_710 : i32 to vector<1024x1xi32>
    %and3A_712 = arith.andi %shift_right_arithmetic3A_709, %and3A_711 : vector<1024x1xi32>
    %eq3A_713 = arith.constant 1 : i32
    %eq3A_714 = vector.broadcast %eq3A_713 : i32 to vector<1024x1xi32>
    %eq3A_715 = arith.cmpi eq, %and3A_712, %eq3A_714 : vector<1024x1xi32>
    %broadcast_in_dim3A_716 = vector.shape_cast %eq3A_715 : vector<1024x1xi1> to vector<1024x1xi1>
    %broadcast_in_dim3A_717 = vector.broadcast %broadcast_in_dim3A_716 : vector<1024x1xi1> to vector<1024x128xi1>
    %select_n3A_718 = arith.select %broadcast_in_dim3A_717, %select_n3A_706, %select_n3A_703 : vector<1024x128xi1>, vector<1024x128xbf16>
    %swap3A_719 = arith.constant 7 : index
    %swap3A_720 = arith.constant 0 : index
    %swap3A_721 = arith.constant 0 : index
    %swap3A_722 = vector.load %arg4[%swap3A_719, %swap3A_720, %swap3A_721] : memref<8x1024x128xbf16, #tpu.memory_space<vmem>>, vector<1x1024x128xbf16>
    %swap3A_723 = vector.shape_cast %swap3A_722 : vector<1x1024x128xbf16> to vector<1024x128xbf16>
    %swap3A_724 = vector.shape_cast %select_n3A_718 : vector<1024x128xbf16> to vector<1x1024x128xbf16>
    tpu.vector_store %arg4[%swap3A_719, %swap3A_720, %swap3A_721], %swap3A_724 {strides = array<i32>} : memref<8x1024x128xbf16, #tpu.memory_space<vmem>>, vector<1x1024x128xbf16>,
    return
  }
  func.func @transform_0(%arg0: i32) -> (i32, i32) {
    %c0_i32 = arith.constant 0 : i32
    %c0_i32_0 = arith.constant 0 : i32
    return %arg0, %c0_i32 : i32, i32
  }
  func.func @transform_1(%arg0: i32) -> (i32, i32) {
    %c0_i32 = arith.constant 0 : i32
    %c0_i32_0 = arith.constant 0 : i32
    %c0_i32_1 = arith.constant 0 : i32
    return %c0_i32, %c0_i32_0 : i32, i32
  }
  func.func @transform_2(%arg0: i32) -> (i32, i32) {
    %c0_i32 = arith.constant 0 : i32
    %c0_i32_0 = arith.constant 0 : i32
    return %arg0, %c0_i32 : i32, i32
  }
  func.func @transform_3(%arg0: i32) -> (i32, i32, i32) {
    %c0_i32 = arith.constant 0 : i32
    %c0_i32_0 = arith.constant 0 : i32
    %c0_i32_1 = arith.constant 0 : i32
    return %c0_i32, %arg0, %c0_i32_0 : i32, i32, i32
  }
}

module attributes {stable_mosaic.version = 14 : i64} {
  func.func @_attn_combine_kernel(%arg0: i32, %arg1: i32, %arg2: memref<8x512x128xbf16, #tpu.memory_space<vmem>>, %arg3: memref<2048x128xbf16, #tpu.memory_space<vmem>>, %arg4: memref<2048x256xbf16, #tpu.memory_space<vmem>>, %arg5: memref<512x16xf32, #tpu.memory_space<vmem>>, %arg6: memref<512x16xi32, #tpu.memory_space<vmem>>, %arg7: memref<2048x1024xbf16, #tpu.memory_space<vmem>>, %arg8: memref<8x16xf32, #tpu.memory_space<vmem>>, %arg9: memref<32x16xf32, #tpu.memory_space<vmem>>, %arg10: memref<32x16xf32, #tpu.memory_space<vmem>>, %arg11: memref<512x1024xf32, #tpu.memory_space<vmem>>, %arg12: memref<1x1xf32, #tpu.memory_space<vmem>>) attributes {dimension_semantics = [#tpu.dimension_semantics<arbitrary>, #tpu.dimension_semantics<arbitrary>], iteration_bounds = array<i64: 2, 4>, scalar_prefetch = 0 : i64, scratch_operands = 0 : i64, tpu.core_type = #tpu.core_type<tc>, window_params = [{transform_indices = @transform_0, window_bounds = array<i64: 8, 512, 128>}, {transform_indices = @transform_1, window_bounds = array<i64: 2048, 128>}, {transform_indices = @transform_2, window_bounds = array<i64: 2048, 256>}, {transform_indices = @transform_3, window_bounds = array<i64: 512, 16>}, {transform_indices = @transform_4, window_bounds = array<i64: 512, 16>}, {pipeline_mode = #tpu.pipeline_mode<synchronous>, transform_indices = @transform_5, window_bounds = array<i64: 2048, 1024>}, {pipeline_mode = #tpu.pipeline_mode<synchronous>, transform_indices = @transform_6, window_bounds = array<i64: 8, 16>}, {pipeline_mode = #tpu.pipeline_mode<synchronous>, transform_indices = @transform_7, window_bounds = array<i64: 32, 16>}, {pipeline_mode = #tpu.pipeline_mode<synchronous>, transform_indices = @transform_8, window_bounds = array<i64: 32, 16>}, {transform_indices = @transform_9, window_bounds = array<i64: 512, 1024>}, {pipeline_mode = #tpu.pipeline_mode<synchronous>, transform_indices = @transform_10, window_bounds = array<i64: 1, 1>}]} {
    %get3A = arith.constant 0 : index
    %get3A_0 = arith.constant 0 : index
    %get3A_1 = vector.load %arg3[%get3A, %get3A_0] : memref<2048x128xbf16, #tpu.memory_space<vmem>>, vector<2048x128xbf16>
    %get3A_2 = arith.constant 0 : index
    %get3A_3 = arith.constant 0 : index
    %get3A_4 = vector.load %arg4[%get3A_2, %get3A_3] : memref<2048x256xbf16, #tpu.memory_space<vmem>>, vector<2048x256xbf16>
    %get3A_5 = arith.constant 0 : index
    %get3A_6 = arith.constant 0 : index
    %get3A_7 = vector.load %arg5[%get3A_5, %get3A_6] : memref<512x16xf32, #tpu.memory_space<vmem>>, vector<512x16xf32>
    %get3A_8 = arith.constant 0 : index
    %get3A_9 = arith.constant 0 : index
    %get3A_10 = vector.load %arg6[%get3A_8, %get3A_9] : memref<512x16xi32, #tpu.memory_space<vmem>>, vector<512x16xi32>
    %broadcast_in_dim3A = arith.constant 0.000000e+00 : bf16
    %broadcast_in_dim3A_11 = vector.broadcast %broadcast_in_dim3A : bf16 to vector<512x128xbf16>
    %get3A_12 = arith.constant 0 : index
    %get3A_13 = arith.constant 0 : index
    %get3A_14 = arith.constant 0 : index
    %get3A_15 = vector.load %arg2[%get3A_12, %get3A_13, %get3A_14] : memref<8x512x128xbf16, #tpu.memory_space<vmem>>, vector<1x512x128xbf16>
    %get3A_16 = vector.shape_cast %get3A_15 : vector<1x512x128xbf16> to vector<512x128xbf16>
    %dot_general3A = arith.constant dense<0.000000e+00> : vector<512x2048xf32>
    %dot_general3A_17 = tpu.matmul %get3A_16, %get3A_1, %dot_general3A {dimension_numbers = #tpu.dot_dimension_numbers<[1], [1], [0], [0], [0, 0, 1, 0], [], []>, transpose_lhs_hint = false} : vector<512x128xbf16>, vector<2048x128xbf16>, vector<512x2048xf32> -> vector<512x2048xf32>
    %convert_element_type3A = arith.truncf %dot_general3A_17 : vector<512x2048xf32> to vector<512x2048xbf16>
    %exp23A = math.exp2 %convert_element_type3A : vector<512x2048xbf16>
    %dot_general3A_18 = arith.constant dense<0.000000e+00> : vector<512x256xf32>
    %dot_general3A_19 = tpu.matmul %exp23A, %get3A_4, %dot_general3A_18 {dimension_numbers = #tpu.dot_dimension_numbers<[1], [0], [0], [1], [0, 0, 1, 1], [], []>, transpose_lhs_hint = false} : vector<512x2048xbf16>, vector<2048x256xbf16>, vector<512x256xf32> -> vector<512x256xf32>
    %slice3A = vector.extract_strided_slice %dot_general3A_19 {offsets = [0, 0], sizes = [512, 128], strides = [1, 1]} : vector<512x256xf32> to vector<512x128xf32>
    %slice3A_20 = vector.extract_strided_slice %dot_general3A_19 {offsets = [0, 128], sizes = [512, 128], strides = [1, 1]} : vector<512x256xf32> to vector<512x128xf32>
    %div3A = arith.divf %slice3A, %slice3A_20 : vector<512x128xf32>
    %slice3A_21 = vector.extract_strided_slice %get3A_7 {offsets = [0, 0], sizes = [512, 1], strides = [1, 1]} : vector<512x16xf32> to vector<512x1xf32>
    %mul3A = vector.broadcast %slice3A_21 : vector<512x1xf32> to vector<512x128xf32>
    %mul3A_22 = arith.mulf %mul3A, %div3A : vector<512x128xf32>
    %convert_element_type3A_23 = arith.truncf %mul3A_22 : vector<512x128xf32> to vector<512x128xbf16>
    %slice3A_24 = vector.extract_strided_slice %get3A_10 {offsets = [0, 0], sizes = [512, 1], strides = [1, 1]} : vector<512x16xi32> to vector<512x1xi32>
    %eq3A = arith.constant 0 : i32
    %eq3A_25 = vector.broadcast %eq3A : i32 to vector<512x1xi32>
    %eq3A_26 = arith.cmpi eq, %slice3A_24, %eq3A_25 : vector<512x1xi32>
    %broadcast_in_dim3A_27 = vector.shape_cast %eq3A_26 : vector<512x1xi1> to vector<512x1xi1>
    %broadcast_in_dim3A_28 = vector.broadcast %broadcast_in_dim3A_27 : vector<512x1xi1> to vector<512x128xi1>
    %select_n3A = arith.select %broadcast_in_dim3A_28, %convert_element_type3A_23, %broadcast_in_dim3A_11 : vector<512x128xi1>, vector<512x128xbf16>
    %add3A = arith.addf %broadcast_in_dim3A_11, %select_n3A : vector<512x128xbf16>
    %eq3A_29 = arith.constant 1 : i32
    %eq3A_30 = vector.broadcast %eq3A_29 : i32 to vector<512x1xi32>
    %eq3A_31 = arith.cmpi eq, %slice3A_24, %eq3A_30 : vector<512x1xi32>
    %broadcast_in_dim3A_32 = vector.shape_cast %eq3A_31 : vector<512x1xi1> to vector<512x1xi1>
    %broadcast_in_dim3A_33 = vector.broadcast %broadcast_in_dim3A_32 : vector<512x1xi1> to vector<512x128xi1>
    %select_n3A_34 = arith.select %broadcast_in_dim3A_33, %convert_element_type3A_23, %broadcast_in_dim3A_11 : vector<512x128xi1>, vector<512x128xbf16>
    %add3A_35 = arith.addf %broadcast_in_dim3A_11, %select_n3A_34 : vector<512x128xbf16>
    %eq3A_36 = arith.constant 2 : i32
    %eq3A_37 = vector.broadcast %eq3A_36 : i32 to vector<512x1xi32>
    %eq3A_38 = arith.cmpi eq, %slice3A_24, %eq3A_37 : vector<512x1xi32>
    %broadcast_in_dim3A_39 = vector.shape_cast %eq3A_38 : vector<512x1xi1> to vector<512x1xi1>
    %broadcast_in_dim3A_40 = vector.broadcast %broadcast_in_dim3A_39 : vector<512x1xi1> to vector<512x128xi1>
    %select_n3A_41 = arith.select %broadcast_in_dim3A_40, %convert_element_type3A_23, %broadcast_in_dim3A_11 : vector<512x128xi1>, vector<512x128xbf16>
    %add3A_42 = arith.addf %broadcast_in_dim3A_11, %select_n3A_41 : vector<512x128xbf16>
    %eq3A_43 = arith.constant 3 : i32
    %eq3A_44 = vector.broadcast %eq3A_43 : i32 to vector<512x1xi32>
    %eq3A_45 = arith.cmpi eq, %slice3A_24, %eq3A_44 : vector<512x1xi32>
    %broadcast_in_dim3A_46 = vector.shape_cast %eq3A_45 : vector<512x1xi1> to vector<512x1xi1>
    %broadcast_in_dim3A_47 = vector.broadcast %broadcast_in_dim3A_46 : vector<512x1xi1> to vector<512x128xi1>
    %select_n3A_48 = arith.select %broadcast_in_dim3A_47, %convert_element_type3A_23, %broadcast_in_dim3A_11 : vector<512x128xi1>, vector<512x128xbf16>
    %add3A_49 = arith.addf %broadcast_in_dim3A_11, %select_n3A_48 : vector<512x128xbf16>
    %eq3A_50 = arith.constant 4 : i32
    %eq3A_51 = vector.broadcast %eq3A_50 : i32 to vector<512x1xi32>
    %eq3A_52 = arith.cmpi eq, %slice3A_24, %eq3A_51 : vector<512x1xi32>
    %broadcast_in_dim3A_53 = vector.shape_cast %eq3A_52 : vector<512x1xi1> to vector<512x1xi1>
    %broadcast_in_dim3A_54 = vector.broadcast %broadcast_in_dim3A_53 : vector<512x1xi1> to vector<512x128xi1>
    %select_n3A_55 = arith.select %broadcast_in_dim3A_54, %convert_element_type3A_23, %broadcast_in_dim3A_11 : vector<512x128xi1>, vector<512x128xbf16>
    %add3A_56 = arith.addf %broadcast_in_dim3A_11, %select_n3A_55 : vector<512x128xbf16>
    %eq3A_57 = arith.constant 5 : i32
    %eq3A_58 = vector.broadcast %eq3A_57 : i32 to vector<512x1xi32>
    %eq3A_59 = arith.cmpi eq, %slice3A_24, %eq3A_58 : vector<512x1xi32>
    %broadcast_in_dim3A_60 = vector.shape_cast %eq3A_59 : vector<512x1xi1> to vector<512x1xi1>
    %broadcast_in_dim3A_61 = vector.broadcast %broadcast_in_dim3A_60 : vector<512x1xi1> to vector<512x128xi1>
    %select_n3A_62 = arith.select %broadcast_in_dim3A_61, %convert_element_type3A_23, %broadcast_in_dim3A_11 : vector<512x128xi1>, vector<512x128xbf16>
    %add3A_63 = arith.addf %broadcast_in_dim3A_11, %select_n3A_62 : vector<512x128xbf16>
    %eq3A_64 = arith.constant 6 : i32
    %eq3A_65 = vector.broadcast %eq3A_64 : i32 to vector<512x1xi32>
    %eq3A_66 = arith.cmpi eq, %slice3A_24, %eq3A_65 : vector<512x1xi32>
    %broadcast_in_dim3A_67 = vector.shape_cast %eq3A_66 : vector<512x1xi1> to vector<512x1xi1>
    %broadcast_in_dim3A_68 = vector.broadcast %broadcast_in_dim3A_67 : vector<512x1xi1> to vector<512x128xi1>
    %select_n3A_69 = arith.select %broadcast_in_dim3A_68, %convert_element_type3A_23, %broadcast_in_dim3A_11 : vector<512x128xi1>, vector<512x128xbf16>
    %add3A_70 = arith.addf %broadcast_in_dim3A_11, %select_n3A_69 : vector<512x128xbf16>
    %eq3A_71 = arith.constant 7 : i32
    %eq3A_72 = vector.broadcast %eq3A_71 : i32 to vector<512x1xi32>
    %eq3A_73 = arith.cmpi eq, %slice3A_24, %eq3A_72 : vector<512x1xi32>
    %broadcast_in_dim3A_74 = vector.shape_cast %eq3A_73 : vector<512x1xi1> to vector<512x1xi1>
    %broadcast_in_dim3A_75 = vector.broadcast %broadcast_in_dim3A_74 : vector<512x1xi1> to vector<512x128xi1>
    %select_n3A_76 = arith.select %broadcast_in_dim3A_75, %convert_element_type3A_23, %broadcast_in_dim3A_11 : vector<512x128xi1>, vector<512x128xbf16>
    %add3A_77 = arith.addf %broadcast_in_dim3A_11, %select_n3A_76 : vector<512x128xbf16>
    %eq3A_78 = arith.constant 8 : i32
    %eq3A_79 = vector.broadcast %eq3A_78 : i32 to vector<512x1xi32>
    %eq3A_80 = arith.cmpi eq, %slice3A_24, %eq3A_79 : vector<512x1xi32>
    %broadcast_in_dim3A_81 = vector.shape_cast %eq3A_80 : vector<512x1xi1> to vector<512x1xi1>
    %broadcast_in_dim3A_82 = vector.broadcast %broadcast_in_dim3A_81 : vector<512x1xi1> to vector<512x128xi1>
    %select_n3A_83 = arith.select %broadcast_in_dim3A_82, %convert_element_type3A_23, %broadcast_in_dim3A_11 : vector<512x128xi1>, vector<512x128xbf16>
    %add3A_84 = arith.addf %broadcast_in_dim3A_11, %select_n3A_83 : vector<512x128xbf16>
    %eq3A_85 = arith.constant 9 : i32
    %eq3A_86 = vector.broadcast %eq3A_85 : i32 to vector<512x1xi32>
    %eq3A_87 = arith.cmpi eq, %slice3A_24, %eq3A_86 : vector<512x1xi32>
    %broadcast_in_dim3A_88 = vector.shape_cast %eq3A_87 : vector<512x1xi1> to vector<512x1xi1>
    %broadcast_in_dim3A_89 = vector.broadcast %broadcast_in_dim3A_88 : vector<512x1xi1> to vector<512x128xi1>
    %select_n3A_90 = arith.select %broadcast_in_dim3A_89, %convert_element_type3A_23, %broadcast_in_dim3A_11 : vector<512x128xi1>, vector<512x128xbf16>
    %add3A_91 = arith.addf %broadcast_in_dim3A_11, %select_n3A_90 : vector<512x128xbf16>
    %eq3A_92 = arith.constant 10 : i32
    %eq3A_93 = vector.broadcast %eq3A_92 : i32 to vector<512x1xi32>
    %eq3A_94 = arith.cmpi eq, %slice3A_24, %eq3A_93 : vector<512x1xi32>
    %broadcast_in_dim3A_95 = vector.shape_cast %eq3A_94 : vector<512x1xi1> to vector<512x1xi1>
    %broadcast_in_dim3A_96 = vector.broadcast %broadcast_in_dim3A_95 : vector<512x1xi1> to vector<512x128xi1>
    %select_n3A_97 = arith.select %broadcast_in_dim3A_96, %convert_element_type3A_23, %broadcast_in_dim3A_11 : vector<512x128xi1>, vector<512x128xbf16>
    %add3A_98 = arith.addf %broadcast_in_dim3A_11, %select_n3A_97 : vector<512x128xbf16>
    %eq3A_99 = arith.constant 11 : i32
    %eq3A_100 = vector.broadcast %eq3A_99 : i32 to vector<512x1xi32>
    %eq3A_101 = arith.cmpi eq, %slice3A_24, %eq3A_100 : vector<512x1xi32>
    %broadcast_in_dim3A_102 = vector.shape_cast %eq3A_101 : vector<512x1xi1> to vector<512x1xi1>
    %broadcast_in_dim3A_103 = vector.broadcast %broadcast_in_dim3A_102 : vector<512x1xi1> to vector<512x128xi1>
    %select_n3A_104 = arith.select %broadcast_in_dim3A_103, %convert_element_type3A_23, %broadcast_in_dim3A_11 : vector<512x128xi1>, vector<512x128xbf16>
    %add3A_105 = arith.addf %broadcast_in_dim3A_11, %select_n3A_104 : vector<512x128xbf16>
    %eq3A_106 = arith.constant 12 : i32
    %eq3A_107 = vector.broadcast %eq3A_106 : i32 to vector<512x1xi32>
    %eq3A_108 = arith.cmpi eq, %slice3A_24, %eq3A_107 : vector<512x1xi32>
    %broadcast_in_dim3A_109 = vector.shape_cast %eq3A_108 : vector<512x1xi1> to vector<512x1xi1>
    %broadcast_in_dim3A_110 = vector.broadcast %broadcast_in_dim3A_109 : vector<512x1xi1> to vector<512x128xi1>
    %select_n3A_111 = arith.select %broadcast_in_dim3A_110, %convert_element_type3A_23, %broadcast_in_dim3A_11 : vector<512x128xi1>, vector<512x128xbf16>
    %add3A_112 = arith.addf %broadcast_in_dim3A_11, %select_n3A_111 : vector<512x128xbf16>
    %eq3A_113 = arith.constant 13 : i32
    %eq3A_114 = vector.broadcast %eq3A_113 : i32 to vector<512x1xi32>
    %eq3A_115 = arith.cmpi eq, %slice3A_24, %eq3A_114 : vector<512x1xi32>
    %broadcast_in_dim3A_116 = vector.shape_cast %eq3A_115 : vector<512x1xi1> to vector<512x1xi1>
    %broadcast_in_dim3A_117 = vector.broadcast %broadcast_in_dim3A_116 : vector<512x1xi1> to vector<512x128xi1>
    %select_n3A_118 = arith.select %broadcast_in_dim3A_117, %convert_element_type3A_23, %broadcast_in_dim3A_11 : vector<512x128xi1>, vector<512x128xbf16>
    %add3A_119 = arith.addf %broadcast_in_dim3A_11, %select_n3A_118 : vector<512x128xbf16>
    %eq3A_120 = arith.constant 14 : i32
    %eq3A_121 = vector.broadcast %eq3A_120 : i32 to vector<512x1xi32>
    %eq3A_122 = arith.cmpi eq, %slice3A_24, %eq3A_121 : vector<512x1xi32>
    %broadcast_in_dim3A_123 = vector.shape_cast %eq3A_122 : vector<512x1xi1> to vector<512x1xi1>
    %broadcast_in_dim3A_124 = vector.broadcast %broadcast_in_dim3A_123 : vector<512x1xi1> to vector<512x128xi1>
    %select_n3A_125 = arith.select %broadcast_in_dim3A_124, %convert_element_type3A_23, %broadcast_in_dim3A_11 : vector<512x128xi1>, vector<512x128xbf16>
    %add3A_126 = arith.addf %broadcast_in_dim3A_11, %select_n3A_125 : vector<512x128xbf16>
    %eq3A_127 = arith.constant 15 : i32
    %eq3A_128 = vector.broadcast %eq3A_127 : i32 to vector<512x1xi32>
    %eq3A_129 = arith.cmpi eq, %slice3A_24, %eq3A_128 : vector<512x1xi32>
    %broadcast_in_dim3A_130 = vector.shape_cast %eq3A_129 : vector<512x1xi1> to vector<512x1xi1>
    %broadcast_in_dim3A_131 = vector.broadcast %broadcast_in_dim3A_130 : vector<512x1xi1> to vector<512x128xi1>
    %select_n3A_132 = arith.select %broadcast_in_dim3A_131, %convert_element_type3A_23, %broadcast_in_dim3A_11 : vector<512x128xi1>, vector<512x128xbf16>
    %add3A_133 = arith.addf %broadcast_in_dim3A_11, %select_n3A_132 : vector<512x128xbf16>
    %get3A_134 = arith.constant 1 : index
    %get3A_135 = arith.constant 0 : index
    %get3A_136 = arith.constant 0 : index
    %get3A_137 = vector.load %arg2[%get3A_134, %get3A_135, %get3A_136] : memref<8x512x128xbf16, #tpu.memory_space<vmem>>, vector<1x512x128xbf16>
    %get3A_138 = vector.shape_cast %get3A_137 : vector<1x512x128xbf16> to vector<512x128xbf16>
    %dot_general3A_139 = arith.constant dense<0.000000e+00> : vector<512x2048xf32>
    %dot_general3A_140 = tpu.matmul %get3A_138, %get3A_1, %dot_general3A_139 {dimension_numbers = #tpu.dot_dimension_numbers<[1], [1], [0], [0], [0, 0, 1, 0], [], []>, transpose_lhs_hint = false} : vector<512x128xbf16>, vector<2048x128xbf16>, vector<512x2048xf32> -> vector<512x2048xf32>
    %convert_element_type3A_141 = arith.truncf %dot_general3A_140 : vector<512x2048xf32> to vector<512x2048xbf16>
    %exp23A_142 = math.exp2 %convert_element_type3A_141 : vector<512x2048xbf16>
    %dot_general3A_143 = arith.constant dense<0.000000e+00> : vector<512x256xf32>
    %dot_general3A_144 = tpu.matmul %exp23A_142, %get3A_4, %dot_general3A_143 {dimension_numbers = #tpu.dot_dimension_numbers<[1], [0], [0], [1], [0, 0, 1, 1], [], []>, transpose_lhs_hint = false} : vector<512x2048xbf16>, vector<2048x256xbf16>, vector<512x256xf32> -> vector<512x256xf32>
    %slice3A_145 = vector.extract_strided_slice %dot_general3A_144 {offsets = [0, 0], sizes = [512, 128], strides = [1, 1]} : vector<512x256xf32> to vector<512x128xf32>
    %slice3A_146 = vector.extract_strided_slice %dot_general3A_144 {offsets = [0, 128], sizes = [512, 128], strides = [1, 1]} : vector<512x256xf32> to vector<512x128xf32>
    %div3A_147 = arith.divf %slice3A_145, %slice3A_146 : vector<512x128xf32>
    %slice3A_148 = vector.extract_strided_slice %get3A_7 {offsets = [0, 1], sizes = [512, 1], strides = [1, 1]} : vector<512x16xf32> to vector<512x1xf32>
    %mul3A_149 = vector.broadcast %slice3A_148 : vector<512x1xf32> to vector<512x128xf32>
    %mul3A_150 = arith.mulf %mul3A_149, %div3A_147 : vector<512x128xf32>
    %convert_element_type3A_151 = arith.truncf %mul3A_150 : vector<512x128xf32> to vector<512x128xbf16>
    %slice3A_152 = vector.extract_strided_slice %get3A_10 {offsets = [0, 1], sizes = [512, 1], strides = [1, 1]} : vector<512x16xi32> to vector<512x1xi32>
    %eq3A_153 = arith.constant 0 : i32
    %eq3A_154 = vector.broadcast %eq3A_153 : i32 to vector<512x1xi32>
    %eq3A_155 = arith.cmpi eq, %slice3A_152, %eq3A_154 : vector<512x1xi32>
    %broadcast_in_dim3A_156 = vector.shape_cast %eq3A_155 : vector<512x1xi1> to vector<512x1xi1>
    %broadcast_in_dim3A_157 = vector.broadcast %broadcast_in_dim3A_156 : vector<512x1xi1> to vector<512x128xi1>
    %select_n3A_158 = arith.select %broadcast_in_dim3A_157, %convert_element_type3A_151, %broadcast_in_dim3A_11 : vector<512x128xi1>, vector<512x128xbf16>
    %add3A_159 = arith.addf %add3A, %select_n3A_158 : vector<512x128xbf16>
    %eq3A_160 = arith.constant 1 : i32
    %eq3A_161 = vector.broadcast %eq3A_160 : i32 to vector<512x1xi32>
    %eq3A_162 = arith.cmpi eq, %slice3A_152, %eq3A_161 : vector<512x1xi32>
    %broadcast_in_dim3A_163 = vector.shape_cast %eq3A_162 : vector<512x1xi1> to vector<512x1xi1>
    %broadcast_in_dim3A_164 = vector.broadcast %broadcast_in_dim3A_163 : vector<512x1xi1> to vector<512x128xi1>
    %select_n3A_165 = arith.select %broadcast_in_dim3A_164, %convert_element_type3A_151, %broadcast_in_dim3A_11 : vector<512x128xi1>, vector<512x128xbf16>
    %add3A_166 = arith.addf %add3A_35, %select_n3A_165 : vector<512x128xbf16>
    %eq3A_167 = arith.constant 2 : i32
    %eq3A_168 = vector.broadcast %eq3A_167 : i32 to vector<512x1xi32>
    %eq3A_169 = arith.cmpi eq, %slice3A_152, %eq3A_168 : vector<512x1xi32>
    %broadcast_in_dim3A_170 = vector.shape_cast %eq3A_169 : vector<512x1xi1> to vector<512x1xi1>
    %broadcast_in_dim3A_171 = vector.broadcast %broadcast_in_dim3A_170 : vector<512x1xi1> to vector<512x128xi1>
    %select_n3A_172 = arith.select %broadcast_in_dim3A_171, %convert_element_type3A_151, %broadcast_in_dim3A_11 : vector<512x128xi1>, vector<512x128xbf16>
    %add3A_173 = arith.addf %add3A_42, %select_n3A_172 : vector<512x128xbf16>
    %eq3A_174 = arith.constant 3 : i32
    %eq3A_175 = vector.broadcast %eq3A_174 : i32 to vector<512x1xi32>
    %eq3A_176 = arith.cmpi eq, %slice3A_152, %eq3A_175 : vector<512x1xi32>
    %broadcast_in_dim3A_177 = vector.shape_cast %eq3A_176 : vector<512x1xi1> to vector<512x1xi1>
    %broadcast_in_dim3A_178 = vector.broadcast %broadcast_in_dim3A_177 : vector<512x1xi1> to vector<512x128xi1>
    %select_n3A_179 = arith.select %broadcast_in_dim3A_178, %convert_element_type3A_151, %broadcast_in_dim3A_11 : vector<512x128xi1>, vector<512x128xbf16>
    %add3A_180 = arith.addf %add3A_49, %select_n3A_179 : vector<512x128xbf16>
    %eq3A_181 = arith.constant 4 : i32
    %eq3A_182 = vector.broadcast %eq3A_181 : i32 to vector<512x1xi32>
    %eq3A_183 = arith.cmpi eq, %slice3A_152, %eq3A_182 : vector<512x1xi32>
    %broadcast_in_dim3A_184 = vector.shape_cast %eq3A_183 : vector<512x1xi1> to vector<512x1xi1>
    %broadcast_in_dim3A_185 = vector.broadcast %broadcast_in_dim3A_184 : vector<512x1xi1> to vector<512x128xi1>
    %select_n3A_186 = arith.select %broadcast_in_dim3A_185, %convert_element_type3A_151, %broadcast_in_dim3A_11 : vector<512x128xi1>, vector<512x128xbf16>
    %add3A_187 = arith.addf %add3A_56, %select_n3A_186 : vector<512x128xbf16>
    %eq3A_188 = arith.constant 5 : i32
    %eq3A_189 = vector.broadcast %eq3A_188 : i32 to vector<512x1xi32>
    %eq3A_190 = arith.cmpi eq, %slice3A_152, %eq3A_189 : vector<512x1xi32>
    %broadcast_in_dim3A_191 = vector.shape_cast %eq3A_190 : vector<512x1xi1> to vector<512x1xi1>
    %broadcast_in_dim3A_192 = vector.broadcast %broadcast_in_dim3A_191 : vector<512x1xi1> to vector<512x128xi1>
    %select_n3A_193 = arith.select %broadcast_in_dim3A_192, %convert_element_type3A_151, %broadcast_in_dim3A_11 : vector<512x128xi1>, vector<512x128xbf16>
    %add3A_194 = arith.addf %add3A_63, %select_n3A_193 : vector<512x128xbf16>
    %eq3A_195 = arith.constant 6 : i32
    %eq3A_196 = vector.broadcast %eq3A_195 : i32 to vector<512x1xi32>
    %eq3A_197 = arith.cmpi eq, %slice3A_152, %eq3A_196 : vector<512x1xi32>
    %broadcast_in_dim3A_198 = vector.shape_cast %eq3A_197 : vector<512x1xi1> to vector<512x1xi1>
    %broadcast_in_dim3A_199 = vector.broadcast %broadcast_in_dim3A_198 : vector<512x1xi1> to vector<512x128xi1>
    %select_n3A_200 = arith.select %broadcast_in_dim3A_199, %convert_element_type3A_151, %broadcast_in_dim3A_11 : vector<512x128xi1>, vector<512x128xbf16>
    %add3A_201 = arith.addf %add3A_70, %select_n3A_200 : vector<512x128xbf16>
    %eq3A_202 = arith.constant 7 : i32
    %eq3A_203 = vector.broadcast %eq3A_202 : i32 to vector<512x1xi32>
    %eq3A_204 = arith.cmpi eq, %slice3A_152, %eq3A_203 : vector<512x1xi32>
    %broadcast_in_dim3A_205 = vector.shape_cast %eq3A_204 : vector<512x1xi1> to vector<512x1xi1>
    %broadcast_in_dim3A_206 = vector.broadcast %broadcast_in_dim3A_205 : vector<512x1xi1> to vector<512x128xi1>
    %select_n3A_207 = arith.select %broadcast_in_dim3A_206, %convert_element_type3A_151, %broadcast_in_dim3A_11 : vector<512x128xi1>, vector<512x128xbf16>
    %add3A_208 = arith.addf %add3A_77, %select_n3A_207 : vector<512x128xbf16>
    %eq3A_209 = arith.constant 8 : i32
    %eq3A_210 = vector.broadcast %eq3A_209 : i32 to vector<512x1xi32>
    %eq3A_211 = arith.cmpi eq, %slice3A_152, %eq3A_210 : vector<512x1xi32>
    %broadcast_in_dim3A_212 = vector.shape_cast %eq3A_211 : vector<512x1xi1> to vector<512x1xi1>
    %broadcast_in_dim3A_213 = vector.broadcast %broadcast_in_dim3A_212 : vector<512x1xi1> to vector<512x128xi1>
    %select_n3A_214 = arith.select %broadcast_in_dim3A_213, %convert_element_type3A_151, %broadcast_in_dim3A_11 : vector<512x128xi1>, vector<512x128xbf16>
    %add3A_215 = arith.addf %add3A_84, %select_n3A_214 : vector<512x128xbf16>
    %eq3A_216 = arith.constant 9 : i32
    %eq3A_217 = vector.broadcast %eq3A_216 : i32 to vector<512x1xi32>
    %eq3A_218 = arith.cmpi eq, %slice3A_152, %eq3A_217 : vector<512x1xi32>
    %broadcast_in_dim3A_219 = vector.shape_cast %eq3A_218 : vector<512x1xi1> to vector<512x1xi1>
    %broadcast_in_dim3A_220 = vector.broadcast %broadcast_in_dim3A_219 : vector<512x1xi1> to vector<512x128xi1>
    %select_n3A_221 = arith.select %broadcast_in_dim3A_220, %convert_element_type3A_151, %broadcast_in_dim3A_11 : vector<512x128xi1>, vector<512x128xbf16>
    %add3A_222 = arith.addf %add3A_91, %select_n3A_221 : vector<512x128xbf16>
    %eq3A_223 = arith.constant 10 : i32
    %eq3A_224 = vector.broadcast %eq3A_223 : i32 to vector<512x1xi32>
    %eq3A_225 = arith.cmpi eq, %slice3A_152, %eq3A_224 : vector<512x1xi32>
    %broadcast_in_dim3A_226 = vector.shape_cast %eq3A_225 : vector<512x1xi1> to vector<512x1xi1>
    %broadcast_in_dim3A_227 = vector.broadcast %broadcast_in_dim3A_226 : vector<512x1xi1> to vector<512x128xi1>
    %select_n3A_228 = arith.select %broadcast_in_dim3A_227, %convert_element_type3A_151, %broadcast_in_dim3A_11 : vector<512x128xi1>, vector<512x128xbf16>
    %add3A_229 = arith.addf %add3A_98, %select_n3A_228 : vector<512x128xbf16>
    %eq3A_230 = arith.constant 11 : i32
    %eq3A_231 = vector.broadcast %eq3A_230 : i32 to vector<512x1xi32>
    %eq3A_232 = arith.cmpi eq, %slice3A_152, %eq3A_231 : vector<512x1xi32>
    %broadcast_in_dim3A_233 = vector.shape_cast %eq3A_232 : vector<512x1xi1> to vector<512x1xi1>
    %broadcast_in_dim3A_234 = vector.broadcast %broadcast_in_dim3A_233 : vector<512x1xi1> to vector<512x128xi1>
    %select_n3A_235 = arith.select %broadcast_in_dim3A_234, %convert_element_type3A_151, %broadcast_in_dim3A_11 : vector<512x128xi1>, vector<512x128xbf16>
    %add3A_236 = arith.addf %add3A_105, %select_n3A_235 : vector<512x128xbf16>
    %eq3A_237 = arith.constant 12 : i32
    %eq3A_238 = vector.broadcast %eq3A_237 : i32 to vector<512x1xi32>
    %eq3A_239 = arith.cmpi eq, %slice3A_152, %eq3A_238 : vector<512x1xi32>
    %broadcast_in_dim3A_240 = vector.shape_cast %eq3A_239 : vector<512x1xi1> to vector<512x1xi1>
    %broadcast_in_dim3A_241 = vector.broadcast %broadcast_in_dim3A_240 : vector<512x1xi1> to vector<512x128xi1>
    %select_n3A_242 = arith.select %broadcast_in_dim3A_241, %convert_element_type3A_151, %broadcast_in_dim3A_11 : vector<512x128xi1>, vector<512x128xbf16>
    %add3A_243 = arith.addf %add3A_112, %select_n3A_242 : vector<512x128xbf16>
    %eq3A_244 = arith.constant 13 : i32
    %eq3A_245 = vector.broadcast %eq3A_244 : i32 to vector<512x1xi32>
    %eq3A_246 = arith.cmpi eq, %slice3A_152, %eq3A_245 : vector<512x1xi32>
    %broadcast_in_dim3A_247 = vector.shape_cast %eq3A_246 : vector<512x1xi1> to vector<512x1xi1>
    %broadcast_in_dim3A_248 = vector.broadcast %broadcast_in_dim3A_247 : vector<512x1xi1> to vector<512x128xi1>
    %select_n3A_249 = arith.select %broadcast_in_dim3A_248, %convert_element_type3A_151, %broadcast_in_dim3A_11 : vector<512x128xi1>, vector<512x128xbf16>
    %add3A_250 = arith.addf %add3A_119, %select_n3A_249 : vector<512x128xbf16>
    %eq3A_251 = arith.constant 14 : i32
    %eq3A_252 = vector.broadcast %eq3A_251 : i32 to vector<512x1xi32>
    %eq3A_253 = arith.cmpi eq, %slice3A_152, %eq3A_252 : vector<512x1xi32>
    %broadcast_in_dim3A_254 = vector.shape_cast %eq3A_253 : vector<512x1xi1> to vector<512x1xi1>
    %broadcast_in_dim3A_255 = vector.broadcast %broadcast_in_dim3A_254 : vector<512x1xi1> to vector<512x128xi1>
    %select_n3A_256 = arith.select %broadcast_in_dim3A_255, %convert_element_type3A_151, %broadcast_in_dim3A_11 : vector<512x128xi1>, vector<512x128xbf16>
    %add3A_257 = arith.addf %add3A_126, %select_n3A_256 : vector<512x128xbf16>
    %eq3A_258 = arith.constant 15 : i32
    %eq3A_259 = vector.broadcast %eq3A_258 : i32 to vector<512x1xi32>
    %eq3A_260 = arith.cmpi eq, %slice3A_152, %eq3A_259 : vector<512x1xi32>
    %broadcast_in_dim3A_261 = vector.shape_cast %eq3A_260 : vector<512x1xi1> to vector<512x1xi1>
    %broadcast_in_dim3A_262 = vector.broadcast %broadcast_in_dim3A_261 : vector<512x1xi1> to vector<512x128xi1>
    %select_n3A_263 = arith.select %broadcast_in_dim3A_262, %convert_element_type3A_151, %broadcast_in_dim3A_11 : vector<512x128xi1>, vector<512x128xbf16>
    %add3A_264 = arith.addf %add3A_133, %select_n3A_263 : vector<512x128xbf16>
    %get3A_265 = arith.constant 2 : index
    %get3A_266 = arith.constant 0 : index
    %get3A_267 = arith.constant 0 : index
    %get3A_268 = vector.load %arg2[%get3A_265, %get3A_266, %get3A_267] : memref<8x512x128xbf16, #tpu.memory_space<vmem>>, vector<1x512x128xbf16>
    %get3A_269 = vector.shape_cast %get3A_268 : vector<1x512x128xbf16> to vector<512x128xbf16>
    %dot_general3A_270 = arith.constant dense<0.000000e+00> : vector<512x2048xf32>
    %dot_general3A_271 = tpu.matmul %get3A_269, %get3A_1, %dot_general3A_270 {dimension_numbers = #tpu.dot_dimension_numbers<[1], [1], [0], [0], [0, 0, 1, 0], [], []>, transpose_lhs_hint = false} : vector<512x128xbf16>, vector<2048x128xbf16>, vector<512x2048xf32> -> vector<512x2048xf32>
    %convert_element_type3A_272 = arith.truncf %dot_general3A_271 : vector<512x2048xf32> to vector<512x2048xbf16>
    %exp23A_273 = math.exp2 %convert_element_type3A_272 : vector<512x2048xbf16>
    %dot_general3A_274 = arith.constant dense<0.000000e+00> : vector<512x256xf32>
    %dot_general3A_275 = tpu.matmul %exp23A_273, %get3A_4, %dot_general3A_274 {dimension_numbers = #tpu.dot_dimension_numbers<[1], [0], [0], [1], [0, 0, 1, 1], [], []>, transpose_lhs_hint = false} : vector<512x2048xbf16>, vector<2048x256xbf16>, vector<512x256xf32> -> vector<512x256xf32>
    %slice3A_276 = vector.extract_strided_slice %dot_general3A_275 {offsets = [0, 0], sizes = [512, 128], strides = [1, 1]} : vector<512x256xf32> to vector<512x128xf32>
    %slice3A_277 = vector.extract_strided_slice %dot_general3A_275 {offsets = [0, 128], sizes = [512, 128], strides = [1, 1]} : vector<512x256xf32> to vector<512x128xf32>
    %div3A_278 = arith.divf %slice3A_276, %slice3A_277 : vector<512x128xf32>
    %slice3A_279 = vector.extract_strided_slice %get3A_7 {offsets = [0, 2], sizes = [512, 1], strides = [1, 1]} : vector<512x16xf32> to vector<512x1xf32>
    %mul3A_280 = vector.broadcast %slice3A_279 : vector<512x1xf32> to vector<512x128xf32>
    %mul3A_281 = arith.mulf %mul3A_280, %div3A_278 : vector<512x128xf32>
    %convert_element_type3A_282 = arith.truncf %mul3A_281 : vector<512x128xf32> to vector<512x128xbf16>
    %slice3A_283 = vector.extract_strided_slice %get3A_10 {offsets = [0, 2], sizes = [512, 1], strides = [1, 1]} : vector<512x16xi32> to vector<512x1xi32>
    %eq3A_284 = arith.constant 0 : i32
    %eq3A_285 = vector.broadcast %eq3A_284 : i32 to vector<512x1xi32>
    %eq3A_286 = arith.cmpi eq, %slice3A_283, %eq3A_285 : vector<512x1xi32>
    %broadcast_in_dim3A_287 = vector.shape_cast %eq3A_286 : vector<512x1xi1> to vector<512x1xi1>
    %broadcast_in_dim3A_288 = vector.broadcast %broadcast_in_dim3A_287 : vector<512x1xi1> to vector<512x128xi1>
    %select_n3A_289 = arith.select %broadcast_in_dim3A_288, %convert_element_type3A_282, %broadcast_in_dim3A_11 : vector<512x128xi1>, vector<512x128xbf16>
    %add3A_290 = arith.addf %add3A_159, %select_n3A_289 : vector<512x128xbf16>
    %eq3A_291 = arith.constant 1 : i32
    %eq3A_292 = vector.broadcast %eq3A_291 : i32 to vector<512x1xi32>
    %eq3A_293 = arith.cmpi eq, %slice3A_283, %eq3A_292 : vector<512x1xi32>
    %broadcast_in_dim3A_294 = vector.shape_cast %eq3A_293 : vector<512x1xi1> to vector<512x1xi1>
    %broadcast_in_dim3A_295 = vector.broadcast %broadcast_in_dim3A_294 : vector<512x1xi1> to vector<512x128xi1>
    %select_n3A_296 = arith.select %broadcast_in_dim3A_295, %convert_element_type3A_282, %broadcast_in_dim3A_11 : vector<512x128xi1>, vector<512x128xbf16>
    %add3A_297 = arith.addf %add3A_166, %select_n3A_296 : vector<512x128xbf16>
    %eq3A_298 = arith.constant 2 : i32
    %eq3A_299 = vector.broadcast %eq3A_298 : i32 to vector<512x1xi32>
    %eq3A_300 = arith.cmpi eq, %slice3A_283, %eq3A_299 : vector<512x1xi32>
    %broadcast_in_dim3A_301 = vector.shape_cast %eq3A_300 : vector<512x1xi1> to vector<512x1xi1>
    %broadcast_in_dim3A_302 = vector.broadcast %broadcast_in_dim3A_301 : vector<512x1xi1> to vector<512x128xi1>
    %select_n3A_303 = arith.select %broadcast_in_dim3A_302, %convert_element_type3A_282, %broadcast_in_dim3A_11 : vector<512x128xi1>, vector<512x128xbf16>
    %add3A_304 = arith.addf %add3A_173, %select_n3A_303 : vector<512x128xbf16>
    %eq3A_305 = arith.constant 3 : i32
    %eq3A_306 = vector.broadcast %eq3A_305 : i32 to vector<512x1xi32>
    %eq3A_307 = arith.cmpi eq, %slice3A_283, %eq3A_306 : vector<512x1xi32>
    %broadcast_in_dim3A_308 = vector.shape_cast %eq3A_307 : vector<512x1xi1> to vector<512x1xi1>
    %broadcast_in_dim3A_309 = vector.broadcast %broadcast_in_dim3A_308 : vector<512x1xi1> to vector<512x128xi1>
    %select_n3A_310 = arith.select %broadcast_in_dim3A_309, %convert_element_type3A_282, %broadcast_in_dim3A_11 : vector<512x128xi1>, vector<512x128xbf16>
    %add3A_311 = arith.addf %add3A_180, %select_n3A_310 : vector<512x128xbf16>
    %eq3A_312 = arith.constant 4 : i32
    %eq3A_313 = vector.broadcast %eq3A_312 : i32 to vector<512x1xi32>
    %eq3A_314 = arith.cmpi eq, %slice3A_283, %eq3A_313 : vector<512x1xi32>
    %broadcast_in_dim3A_315 = vector.shape_cast %eq3A_314 : vector<512x1xi1> to vector<512x1xi1>
    %broadcast_in_dim3A_316 = vector.broadcast %broadcast_in_dim3A_315 : vector<512x1xi1> to vector<512x128xi1>
    %select_n3A_317 = arith.select %broadcast_in_dim3A_316, %convert_element_type3A_282, %broadcast_in_dim3A_11 : vector<512x128xi1>, vector<512x128xbf16>
    %add3A_318 = arith.addf %add3A_187, %select_n3A_317 : vector<512x128xbf16>
    %eq3A_319 = arith.constant 5 : i32
    %eq3A_320 = vector.broadcast %eq3A_319 : i32 to vector<512x1xi32>
    %eq3A_321 = arith.cmpi eq, %slice3A_283, %eq3A_320 : vector<512x1xi32>
    %broadcast_in_dim3A_322 = vector.shape_cast %eq3A_321 : vector<512x1xi1> to vector<512x1xi1>
    %broadcast_in_dim3A_323 = vector.broadcast %broadcast_in_dim3A_322 : vector<512x1xi1> to vector<512x128xi1>
    %select_n3A_324 = arith.select %broadcast_in_dim3A_323, %convert_element_type3A_282, %broadcast_in_dim3A_11 : vector<512x128xi1>, vector<512x128xbf16>
    %add3A_325 = arith.addf %add3A_194, %select_n3A_324 : vector<512x128xbf16>
    %eq3A_326 = arith.constant 6 : i32
    %eq3A_327 = vector.broadcast %eq3A_326 : i32 to vector<512x1xi32>
    %eq3A_328 = arith.cmpi eq, %slice3A_283, %eq3A_327 : vector<512x1xi32>
    %broadcast_in_dim3A_329 = vector.shape_cast %eq3A_328 : vector<512x1xi1> to vector<512x1xi1>
    %broadcast_in_dim3A_330 = vector.broadcast %broadcast_in_dim3A_329 : vector<512x1xi1> to vector<512x128xi1>
    %select_n3A_331 = arith.select %broadcast_in_dim3A_330, %convert_element_type3A_282, %broadcast_in_dim3A_11 : vector<512x128xi1>, vector<512x128xbf16>
    %add3A_332 = arith.addf %add3A_201, %select_n3A_331 : vector<512x128xbf16>
    %eq3A_333 = arith.constant 7 : i32
    %eq3A_334 = vector.broadcast %eq3A_333 : i32 to vector<512x1xi32>
    %eq3A_335 = arith.cmpi eq, %slice3A_283, %eq3A_334 : vector<512x1xi32>
    %broadcast_in_dim3A_336 = vector.shape_cast %eq3A_335 : vector<512x1xi1> to vector<512x1xi1>
    %broadcast_in_dim3A_337 = vector.broadcast %broadcast_in_dim3A_336 : vector<512x1xi1> to vector<512x128xi1>
    %select_n3A_338 = arith.select %broadcast_in_dim3A_337, %convert_element_type3A_282, %broadcast_in_dim3A_11 : vector<512x128xi1>, vector<512x128xbf16>
    %add3A_339 = arith.addf %add3A_208, %select_n3A_338 : vector<512x128xbf16>
    %eq3A_340 = arith.constant 8 : i32
    %eq3A_341 = vector.broadcast %eq3A_340 : i32 to vector<512x1xi32>
    %eq3A_342 = arith.cmpi eq, %slice3A_283, %eq3A_341 : vector<512x1xi32>
    %broadcast_in_dim3A_343 = vector.shape_cast %eq3A_342 : vector<512x1xi1> to vector<512x1xi1>
    %broadcast_in_dim3A_344 = vector.broadcast %broadcast_in_dim3A_343 : vector<512x1xi1> to vector<512x128xi1>
    %select_n3A_345 = arith.select %broadcast_in_dim3A_344, %convert_element_type3A_282, %broadcast_in_dim3A_11 : vector<512x128xi1>, vector<512x128xbf16>
    %add3A_346 = arith.addf %add3A_215, %select_n3A_345 : vector<512x128xbf16>
    %eq3A_347 = arith.constant 9 : i32
    %eq3A_348 = vector.broadcast %eq3A_347 : i32 to vector<512x1xi32>
    %eq3A_349 = arith.cmpi eq, %slice3A_283, %eq3A_348 : vector<512x1xi32>
    %broadcast_in_dim3A_350 = vector.shape_cast %eq3A_349 : vector<512x1xi1> to vector<512x1xi1>
    %broadcast_in_dim3A_351 = vector.broadcast %broadcast_in_dim3A_350 : vector<512x1xi1> to vector<512x128xi1>
    %select_n3A_352 = arith.select %broadcast_in_dim3A_351, %convert_element_type3A_282, %broadcast_in_dim3A_11 : vector<512x128xi1>, vector<512x128xbf16>
    %add3A_353 = arith.addf %add3A_222, %select_n3A_352 : vector<512x128xbf16>
    %eq3A_354 = arith.constant 10 : i32
    %eq3A_355 = vector.broadcast %eq3A_354 : i32 to vector<512x1xi32>
    %eq3A_356 = arith.cmpi eq, %slice3A_283, %eq3A_355 : vector<512x1xi32>
    %broadcast_in_dim3A_357 = vector.shape_cast %eq3A_356 : vector<512x1xi1> to vector<512x1xi1>
    %broadcast_in_dim3A_358 = vector.broadcast %broadcast_in_dim3A_357 : vector<512x1xi1> to vector<512x128xi1>
    %select_n3A_359 = arith.select %broadcast_in_dim3A_358, %convert_element_type3A_282, %broadcast_in_dim3A_11 : vector<512x128xi1>, vector<512x128xbf16>
    %add3A_360 = arith.addf %add3A_229, %select_n3A_359 : vector<512x128xbf16>
    %eq3A_361 = arith.constant 11 : i32
    %eq3A_362 = vector.broadcast %eq3A_361 : i32 to vector<512x1xi32>
    %eq3A_363 = arith.cmpi eq, %slice3A_283, %eq3A_362 : vector<512x1xi32>
    %broadcast_in_dim3A_364 = vector.shape_cast %eq3A_363 : vector<512x1xi1> to vector<512x1xi1>
    %broadcast_in_dim3A_365 = vector.broadcast %broadcast_in_dim3A_364 : vector<512x1xi1> to vector<512x128xi1>
    %select_n3A_366 = arith.select %broadcast_in_dim3A_365, %convert_element_type3A_282, %broadcast_in_dim3A_11 : vector<512x128xi1>, vector<512x128xbf16>
    %add3A_367 = arith.addf %add3A_236, %select_n3A_366 : vector<512x128xbf16>
    %eq3A_368 = arith.constant 12 : i32
    %eq3A_369 = vector.broadcast %eq3A_368 : i32 to vector<512x1xi32>
    %eq3A_370 = arith.cmpi eq, %slice3A_283, %eq3A_369 : vector<512x1xi32>
    %broadcast_in_dim3A_371 = vector.shape_cast %eq3A_370 : vector<512x1xi1> to vector<512x1xi1>
    %broadcast_in_dim3A_372 = vector.broadcast %broadcast_in_dim3A_371 : vector<512x1xi1> to vector<512x128xi1>
    %select_n3A_373 = arith.select %broadcast_in_dim3A_372, %convert_element_type3A_282, %broadcast_in_dim3A_11 : vector<512x128xi1>, vector<512x128xbf16>
    %add3A_374 = arith.addf %add3A_243, %select_n3A_373 : vector<512x128xbf16>
    %eq3A_375 = arith.constant 13 : i32
    %eq3A_376 = vector.broadcast %eq3A_375 : i32 to vector<512x1xi32>
    %eq3A_377 = arith.cmpi eq, %slice3A_283, %eq3A_376 : vector<512x1xi32>
    %broadcast_in_dim3A_378 = vector.shape_cast %eq3A_377 : vector<512x1xi1> to vector<512x1xi1>
    %broadcast_in_dim3A_379 = vector.broadcast %broadcast_in_dim3A_378 : vector<512x1xi1> to vector<512x128xi1>
    %select_n3A_380 = arith.select %broadcast_in_dim3A_379, %convert_element_type3A_282, %broadcast_in_dim3A_11 : vector<512x128xi1>, vector<512x128xbf16>
    %add3A_381 = arith.addf %add3A_250, %select_n3A_380 : vector<512x128xbf16>
    %eq3A_382 = arith.constant 14 : i32
    %eq3A_383 = vector.broadcast %eq3A_382 : i32 to vector<512x1xi32>
    %eq3A_384 = arith.cmpi eq, %slice3A_283, %eq3A_383 : vector<512x1xi32>
    %broadcast_in_dim3A_385 = vector.shape_cast %eq3A_384 : vector<512x1xi1> to vector<512x1xi1>
    %broadcast_in_dim3A_386 = vector.broadcast %broadcast_in_dim3A_385 : vector<512x1xi1> to vector<512x128xi1>
    %select_n3A_387 = arith.select %broadcast_in_dim3A_386, %convert_element_type3A_282, %broadcast_in_dim3A_11 : vector<512x128xi1>, vector<512x128xbf16>
    %add3A_388 = arith.addf %add3A_257, %select_n3A_387 : vector<512x128xbf16>
    %eq3A_389 = arith.constant 15 : i32
    %eq3A_390 = vector.broadcast %eq3A_389 : i32 to vector<512x1xi32>
    %eq3A_391 = arith.cmpi eq, %slice3A_283, %eq3A_390 : vector<512x1xi32>
    %broadcast_in_dim3A_392 = vector.shape_cast %eq3A_391 : vector<512x1xi1> to vector<512x1xi1>
    %broadcast_in_dim3A_393 = vector.broadcast %broadcast_in_dim3A_392 : vector<512x1xi1> to vector<512x128xi1>
    %select_n3A_394 = arith.select %broadcast_in_dim3A_393, %convert_element_type3A_282, %broadcast_in_dim3A_11 : vector<512x128xi1>, vector<512x128xbf16>
    %add3A_395 = arith.addf %add3A_264, %select_n3A_394 : vector<512x128xbf16>
    %get3A_396 = arith.constant 3 : index
    %get3A_397 = arith.constant 0 : index
    %get3A_398 = arith.constant 0 : index
    %get3A_399 = vector.load %arg2[%get3A_396, %get3A_397, %get3A_398] : memref<8x512x128xbf16, #tpu.memory_space<vmem>>, vector<1x512x128xbf16>
    %get3A_400 = vector.shape_cast %get3A_399 : vector<1x512x128xbf16> to vector<512x128xbf16>
    %dot_general3A_401 = arith.constant dense<0.000000e+00> : vector<512x2048xf32>
    %dot_general3A_402 = tpu.matmul %get3A_400, %get3A_1, %dot_general3A_401 {dimension_numbers = #tpu.dot_dimension_numbers<[1], [1], [0], [0], [0, 0, 1, 0], [], []>, transpose_lhs_hint = false} : vector<512x128xbf16>, vector<2048x128xbf16>, vector<512x2048xf32> -> vector<512x2048xf32>
    %convert_element_type3A_403 = arith.truncf %dot_general3A_402 : vector<512x2048xf32> to vector<512x2048xbf16>
    %exp23A_404 = math.exp2 %convert_element_type3A_403 : vector<512x2048xbf16>
    %dot_general3A_405 = arith.constant dense<0.000000e+00> : vector<512x256xf32>
    %dot_general3A_406 = tpu.matmul %exp23A_404, %get3A_4, %dot_general3A_405 {dimension_numbers = #tpu.dot_dimension_numbers<[1], [0], [0], [1], [0, 0, 1, 1], [], []>, transpose_lhs_hint = false} : vector<512x2048xbf16>, vector<2048x256xbf16>, vector<512x256xf32> -> vector<512x256xf32>
    %slice3A_407 = vector.extract_strided_slice %dot_general3A_406 {offsets = [0, 0], sizes = [512, 128], strides = [1, 1]} : vector<512x256xf32> to vector<512x128xf32>
    %slice3A_408 = vector.extract_strided_slice %dot_general3A_406 {offsets = [0, 128], sizes = [512, 128], strides = [1, 1]} : vector<512x256xf32> to vector<512x128xf32>
    %div3A_409 = arith.divf %slice3A_407, %slice3A_408 : vector<512x128xf32>
    %slice3A_410 = vector.extract_strided_slice %get3A_7 {offsets = [0, 3], sizes = [512, 1], strides = [1, 1]} : vector<512x16xf32> to vector<512x1xf32>
    %mul3A_411 = vector.broadcast %slice3A_410 : vector<512x1xf32> to vector<512x128xf32>
    %mul3A_412 = arith.mulf %mul3A_411, %div3A_409 : vector<512x128xf32>
    %convert_element_type3A_413 = arith.truncf %mul3A_412 : vector<512x128xf32> to vector<512x128xbf16>
    %slice3A_414 = vector.extract_strided_slice %get3A_10 {offsets = [0, 3], sizes = [512, 1], strides = [1, 1]} : vector<512x16xi32> to vector<512x1xi32>
    %eq3A_415 = arith.constant 0 : i32
    %eq3A_416 = vector.broadcast %eq3A_415 : i32 to vector<512x1xi32>
    %eq3A_417 = arith.cmpi eq, %slice3A_414, %eq3A_416 : vector<512x1xi32>
    %broadcast_in_dim3A_418 = vector.shape_cast %eq3A_417 : vector<512x1xi1> to vector<512x1xi1>
    %broadcast_in_dim3A_419 = vector.broadcast %broadcast_in_dim3A_418 : vector<512x1xi1> to vector<512x128xi1>
    %select_n3A_420 = arith.select %broadcast_in_dim3A_419, %convert_element_type3A_413, %broadcast_in_dim3A_11 : vector<512x128xi1>, vector<512x128xbf16>
    %add3A_421 = arith.addf %add3A_290, %select_n3A_420 : vector<512x128xbf16>
    %eq3A_422 = arith.constant 1 : i32
    %eq3A_423 = vector.broadcast %eq3A_422 : i32 to vector<512x1xi32>
    %eq3A_424 = arith.cmpi eq, %slice3A_414, %eq3A_423 : vector<512x1xi32>
    %broadcast_in_dim3A_425 = vector.shape_cast %eq3A_424 : vector<512x1xi1> to vector<512x1xi1>
    %broadcast_in_dim3A_426 = vector.broadcast %broadcast_in_dim3A_425 : vector<512x1xi1> to vector<512x128xi1>
    %select_n3A_427 = arith.select %broadcast_in_dim3A_426, %convert_element_type3A_413, %broadcast_in_dim3A_11 : vector<512x128xi1>, vector<512x128xbf16>
    %add3A_428 = arith.addf %add3A_297, %select_n3A_427 : vector<512x128xbf16>
    %eq3A_429 = arith.constant 2 : i32
    %eq3A_430 = vector.broadcast %eq3A_429 : i32 to vector<512x1xi32>
    %eq3A_431 = arith.cmpi eq, %slice3A_414, %eq3A_430 : vector<512x1xi32>
    %broadcast_in_dim3A_432 = vector.shape_cast %eq3A_431 : vector<512x1xi1> to vector<512x1xi1>
    %broadcast_in_dim3A_433 = vector.broadcast %broadcast_in_dim3A_432 : vector<512x1xi1> to vector<512x128xi1>
    %select_n3A_434 = arith.select %broadcast_in_dim3A_433, %convert_element_type3A_413, %broadcast_in_dim3A_11 : vector<512x128xi1>, vector<512x128xbf16>
    %add3A_435 = arith.addf %add3A_304, %select_n3A_434 : vector<512x128xbf16>
    %eq3A_436 = arith.constant 3 : i32
    %eq3A_437 = vector.broadcast %eq3A_436 : i32 to vector<512x1xi32>
    %eq3A_438 = arith.cmpi eq, %slice3A_414, %eq3A_437 : vector<512x1xi32>
    %broadcast_in_dim3A_439 = vector.shape_cast %eq3A_438 : vector<512x1xi1> to vector<512x1xi1>
    %broadcast_in_dim3A_440 = vector.broadcast %broadcast_in_dim3A_439 : vector<512x1xi1> to vector<512x128xi1>
    %select_n3A_441 = arith.select %broadcast_in_dim3A_440, %convert_element_type3A_413, %broadcast_in_dim3A_11 : vector<512x128xi1>, vector<512x128xbf16>
    %add3A_442 = arith.addf %add3A_311, %select_n3A_441 : vector<512x128xbf16>
    %eq3A_443 = arith.constant 4 : i32
    %eq3A_444 = vector.broadcast %eq3A_443 : i32 to vector<512x1xi32>
    %eq3A_445 = arith.cmpi eq, %slice3A_414, %eq3A_444 : vector<512x1xi32>
    %broadcast_in_dim3A_446 = vector.shape_cast %eq3A_445 : vector<512x1xi1> to vector<512x1xi1>
    %broadcast_in_dim3A_447 = vector.broadcast %broadcast_in_dim3A_446 : vector<512x1xi1> to vector<512x128xi1>
    %select_n3A_448 = arith.select %broadcast_in_dim3A_447, %convert_element_type3A_413, %broadcast_in_dim3A_11 : vector<512x128xi1>, vector<512x128xbf16>
    %add3A_449 = arith.addf %add3A_318, %select_n3A_448 : vector<512x128xbf16>
    %eq3A_450 = arith.constant 5 : i32
    %eq3A_451 = vector.broadcast %eq3A_450 : i32 to vector<512x1xi32>
    %eq3A_452 = arith.cmpi eq, %slice3A_414, %eq3A_451 : vector<512x1xi32>
    %broadcast_in_dim3A_453 = vector.shape_cast %eq3A_452 : vector<512x1xi1> to vector<512x1xi1>
    %broadcast_in_dim3A_454 = vector.broadcast %broadcast_in_dim3A_453 : vector<512x1xi1> to vector<512x128xi1>
    %select_n3A_455 = arith.select %broadcast_in_dim3A_454, %convert_element_type3A_413, %broadcast_in_dim3A_11 : vector<512x128xi1>, vector<512x128xbf16>
    %add3A_456 = arith.addf %add3A_325, %select_n3A_455 : vector<512x128xbf16>
    %eq3A_457 = arith.constant 6 : i32
    %eq3A_458 = vector.broadcast %eq3A_457 : i32 to vector<512x1xi32>
    %eq3A_459 = arith.cmpi eq, %slice3A_414, %eq3A_458 : vector<512x1xi32>
    %broadcast_in_dim3A_460 = vector.shape_cast %eq3A_459 : vector<512x1xi1> to vector<512x1xi1>
    %broadcast_in_dim3A_461 = vector.broadcast %broadcast_in_dim3A_460 : vector<512x1xi1> to vector<512x128xi1>
    %select_n3A_462 = arith.select %broadcast_in_dim3A_461, %convert_element_type3A_413, %broadcast_in_dim3A_11 : vector<512x128xi1>, vector<512x128xbf16>
    %add3A_463 = arith.addf %add3A_332, %select_n3A_462 : vector<512x128xbf16>
    %eq3A_464 = arith.constant 7 : i32
    %eq3A_465 = vector.broadcast %eq3A_464 : i32 to vector<512x1xi32>
    %eq3A_466 = arith.cmpi eq, %slice3A_414, %eq3A_465 : vector<512x1xi32>
    %broadcast_in_dim3A_467 = vector.shape_cast %eq3A_466 : vector<512x1xi1> to vector<512x1xi1>
    %broadcast_in_dim3A_468 = vector.broadcast %broadcast_in_dim3A_467 : vector<512x1xi1> to vector<512x128xi1>
    %select_n3A_469 = arith.select %broadcast_in_dim3A_468, %convert_element_type3A_413, %broadcast_in_dim3A_11 : vector<512x128xi1>, vector<512x128xbf16>
    %add3A_470 = arith.addf %add3A_339, %select_n3A_469 : vector<512x128xbf16>
    %eq3A_471 = arith.constant 8 : i32
    %eq3A_472 = vector.broadcast %eq3A_471 : i32 to vector<512x1xi32>
    %eq3A_473 = arith.cmpi eq, %slice3A_414, %eq3A_472 : vector<512x1xi32>
    %broadcast_in_dim3A_474 = vector.shape_cast %eq3A_473 : vector<512x1xi1> to vector<512x1xi1>
    %broadcast_in_dim3A_475 = vector.broadcast %broadcast_in_dim3A_474 : vector<512x1xi1> to vector<512x128xi1>
    %select_n3A_476 = arith.select %broadcast_in_dim3A_475, %convert_element_type3A_413, %broadcast_in_dim3A_11 : vector<512x128xi1>, vector<512x128xbf16>
    %add3A_477 = arith.addf %add3A_346, %select_n3A_476 : vector<512x128xbf16>
    %eq3A_478 = arith.constant 9 : i32
    %eq3A_479 = vector.broadcast %eq3A_478 : i32 to vector<512x1xi32>
    %eq3A_480 = arith.cmpi eq, %slice3A_414, %eq3A_479 : vector<512x1xi32>
    %broadcast_in_dim3A_481 = vector.shape_cast %eq3A_480 : vector<512x1xi1> to vector<512x1xi1>
    %broadcast_in_dim3A_482 = vector.broadcast %broadcast_in_dim3A_481 : vector<512x1xi1> to vector<512x128xi1>
    %select_n3A_483 = arith.select %broadcast_in_dim3A_482, %convert_element_type3A_413, %broadcast_in_dim3A_11 : vector<512x128xi1>, vector<512x128xbf16>
    %add3A_484 = arith.addf %add3A_353, %select_n3A_483 : vector<512x128xbf16>
    %eq3A_485 = arith.constant 10 : i32
    %eq3A_486 = vector.broadcast %eq3A_485 : i32 to vector<512x1xi32>
    %eq3A_487 = arith.cmpi eq, %slice3A_414, %eq3A_486 : vector<512x1xi32>
    %broadcast_in_dim3A_488 = vector.shape_cast %eq3A_487 : vector<512x1xi1> to vector<512x1xi1>
    %broadcast_in_dim3A_489 = vector.broadcast %broadcast_in_dim3A_488 : vector<512x1xi1> to vector<512x128xi1>
    %select_n3A_490 = arith.select %broadcast_in_dim3A_489, %convert_element_type3A_413, %broadcast_in_dim3A_11 : vector<512x128xi1>, vector<512x128xbf16>
    %add3A_491 = arith.addf %add3A_360, %select_n3A_490 : vector<512x128xbf16>
    %eq3A_492 = arith.constant 11 : i32
    %eq3A_493 = vector.broadcast %eq3A_492 : i32 to vector<512x1xi32>
    %eq3A_494 = arith.cmpi eq, %slice3A_414, %eq3A_493 : vector<512x1xi32>
    %broadcast_in_dim3A_495 = vector.shape_cast %eq3A_494 : vector<512x1xi1> to vector<512x1xi1>
    %broadcast_in_dim3A_496 = vector.broadcast %broadcast_in_dim3A_495 : vector<512x1xi1> to vector<512x128xi1>
    %select_n3A_497 = arith.select %broadcast_in_dim3A_496, %convert_element_type3A_413, %broadcast_in_dim3A_11 : vector<512x128xi1>, vector<512x128xbf16>
    %add3A_498 = arith.addf %add3A_367, %select_n3A_497 : vector<512x128xbf16>
    %eq3A_499 = arith.constant 12 : i32
    %eq3A_500 = vector.broadcast %eq3A_499 : i32 to vector<512x1xi32>
    %eq3A_501 = arith.cmpi eq, %slice3A_414, %eq3A_500 : vector<512x1xi32>
    %broadcast_in_dim3A_502 = vector.shape_cast %eq3A_501 : vector<512x1xi1> to vector<512x1xi1>
    %broadcast_in_dim3A_503 = vector.broadcast %broadcast_in_dim3A_502 : vector<512x1xi1> to vector<512x128xi1>
    %select_n3A_504 = arith.select %broadcast_in_dim3A_503, %convert_element_type3A_413, %broadcast_in_dim3A_11 : vector<512x128xi1>, vector<512x128xbf16>
    %add3A_505 = arith.addf %add3A_374, %select_n3A_504 : vector<512x128xbf16>
    %eq3A_506 = arith.constant 13 : i32
    %eq3A_507 = vector.broadcast %eq3A_506 : i32 to vector<512x1xi32>
    %eq3A_508 = arith.cmpi eq, %slice3A_414, %eq3A_507 : vector<512x1xi32>
    %broadcast_in_dim3A_509 = vector.shape_cast %eq3A_508 : vector<512x1xi1> to vector<512x1xi1>
    %broadcast_in_dim3A_510 = vector.broadcast %broadcast_in_dim3A_509 : vector<512x1xi1> to vector<512x128xi1>
    %select_n3A_511 = arith.select %broadcast_in_dim3A_510, %convert_element_type3A_413, %broadcast_in_dim3A_11 : vector<512x128xi1>, vector<512x128xbf16>
    %add3A_512 = arith.addf %add3A_381, %select_n3A_511 : vector<512x128xbf16>
    %eq3A_513 = arith.constant 14 : i32
    %eq3A_514 = vector.broadcast %eq3A_513 : i32 to vector<512x1xi32>
    %eq3A_515 = arith.cmpi eq, %slice3A_414, %eq3A_514 : vector<512x1xi32>
    %broadcast_in_dim3A_516 = vector.shape_cast %eq3A_515 : vector<512x1xi1> to vector<512x1xi1>
    %broadcast_in_dim3A_517 = vector.broadcast %broadcast_in_dim3A_516 : vector<512x1xi1> to vector<512x128xi1>
    %select_n3A_518 = arith.select %broadcast_in_dim3A_517, %convert_element_type3A_413, %broadcast_in_dim3A_11 : vector<512x128xi1>, vector<512x128xbf16>
    %add3A_519 = arith.addf %add3A_388, %select_n3A_518 : vector<512x128xbf16>
    %eq3A_520 = arith.constant 15 : i32
    %eq3A_521 = vector.broadcast %eq3A_520 : i32 to vector<512x1xi32>
    %eq3A_522 = arith.cmpi eq, %slice3A_414, %eq3A_521 : vector<512x1xi32>
    %broadcast_in_dim3A_523 = vector.shape_cast %eq3A_522 : vector<512x1xi1> to vector<512x1xi1>
    %broadcast_in_dim3A_524 = vector.broadcast %broadcast_in_dim3A_523 : vector<512x1xi1> to vector<512x128xi1>
    %select_n3A_525 = arith.select %broadcast_in_dim3A_524, %convert_element_type3A_413, %broadcast_in_dim3A_11 : vector<512x128xi1>, vector<512x128xbf16>
    %add3A_526 = arith.addf %add3A_395, %select_n3A_525 : vector<512x128xbf16>
    %get3A_527 = arith.constant 4 : index
    %get3A_528 = arith.constant 0 : index
    %get3A_529 = arith.constant 0 : index
    %get3A_530 = vector.load %arg2[%get3A_527, %get3A_528, %get3A_529] : memref<8x512x128xbf16, #tpu.memory_space<vmem>>, vector<1x512x128xbf16>
    %get3A_531 = vector.shape_cast %get3A_530 : vector<1x512x128xbf16> to vector<512x128xbf16>
    %dot_general3A_532 = arith.constant dense<0.000000e+00> : vector<512x2048xf32>
    %dot_general3A_533 = tpu.matmul %get3A_531, %get3A_1, %dot_general3A_532 {dimension_numbers = #tpu.dot_dimension_numbers<[1], [1], [0], [0], [0, 0, 1, 0], [], []>, transpose_lhs_hint = false} : vector<512x128xbf16>, vector<2048x128xbf16>, vector<512x2048xf32> -> vector<512x2048xf32>
    %convert_element_type3A_534 = arith.truncf %dot_general3A_533 : vector<512x2048xf32> to vector<512x2048xbf16>
    %exp23A_535 = math.exp2 %convert_element_type3A_534 : vector<512x2048xbf16>
    %dot_general3A_536 = arith.constant dense<0.000000e+00> : vector<512x256xf32>
    %dot_general3A_537 = tpu.matmul %exp23A_535, %get3A_4, %dot_general3A_536 {dimension_numbers = #tpu.dot_dimension_numbers<[1], [0], [0], [1], [0, 0, 1, 1], [], []>, transpose_lhs_hint = false} : vector<512x2048xbf16>, vector<2048x256xbf16>, vector<512x256xf32> -> vector<512x256xf32>
    %slice3A_538 = vector.extract_strided_slice %dot_general3A_537 {offsets = [0, 0], sizes = [512, 128], strides = [1, 1]} : vector<512x256xf32> to vector<512x128xf32>
    %slice3A_539 = vector.extract_strided_slice %dot_general3A_537 {offsets = [0, 128], sizes = [512, 128], strides = [1, 1]} : vector<512x256xf32> to vector<512x128xf32>
    %div3A_540 = arith.divf %slice3A_538, %slice3A_539 : vector<512x128xf32>
    %slice3A_541 = vector.extract_strided_slice %get3A_7 {offsets = [0, 4], sizes = [512, 1], strides = [1, 1]} : vector<512x16xf32> to vector<512x1xf32>
    %mul3A_542 = vector.broadcast %slice3A_541 : vector<512x1xf32> to vector<512x128xf32>
    %mul3A_543 = arith.mulf %mul3A_542, %div3A_540 : vector<512x128xf32>
    %convert_element_type3A_544 = arith.truncf %mul3A_543 : vector<512x128xf32> to vector<512x128xbf16>
    %slice3A_545 = vector.extract_strided_slice %get3A_10 {offsets = [0, 4], sizes = [512, 1], strides = [1, 1]} : vector<512x16xi32> to vector<512x1xi32>
    %eq3A_546 = arith.constant 0 : i32
    %eq3A_547 = vector.broadcast %eq3A_546 : i32 to vector<512x1xi32>
    %eq3A_548 = arith.cmpi eq, %slice3A_545, %eq3A_547 : vector<512x1xi32>
    %broadcast_in_dim3A_549 = vector.shape_cast %eq3A_548 : vector<512x1xi1> to vector<512x1xi1>
    %broadcast_in_dim3A_550 = vector.broadcast %broadcast_in_dim3A_549 : vector<512x1xi1> to vector<512x128xi1>
    %select_n3A_551 = arith.select %broadcast_in_dim3A_550, %convert_element_type3A_544, %broadcast_in_dim3A_11 : vector<512x128xi1>, vector<512x128xbf16>
    %add3A_552 = arith.addf %add3A_421, %select_n3A_551 : vector<512x128xbf16>
    %eq3A_553 = arith.constant 1 : i32
    %eq3A_554 = vector.broadcast %eq3A_553 : i32 to vector<512x1xi32>
    %eq3A_555 = arith.cmpi eq, %slice3A_545, %eq3A_554 : vector<512x1xi32>
    %broadcast_in_dim3A_556 = vector.shape_cast %eq3A_555 : vector<512x1xi1> to vector<512x1xi1>
    %broadcast_in_dim3A_557 = vector.broadcast %broadcast_in_dim3A_556 : vector<512x1xi1> to vector<512x128xi1>
    %select_n3A_558 = arith.select %broadcast_in_dim3A_557, %convert_element_type3A_544, %broadcast_in_dim3A_11 : vector<512x128xi1>, vector<512x128xbf16>
    %add3A_559 = arith.addf %add3A_428, %select_n3A_558 : vector<512x128xbf16>
    %eq3A_560 = arith.constant 2 : i32
    %eq3A_561 = vector.broadcast %eq3A_560 : i32 to vector<512x1xi32>
    %eq3A_562 = arith.cmpi eq, %slice3A_545, %eq3A_561 : vector<512x1xi32>
    %broadcast_in_dim3A_563 = vector.shape_cast %eq3A_562 : vector<512x1xi1> to vector<512x1xi1>
    %broadcast_in_dim3A_564 = vector.broadcast %broadcast_in_dim3A_563 : vector<512x1xi1> to vector<512x128xi1>
    %select_n3A_565 = arith.select %broadcast_in_dim3A_564, %convert_element_type3A_544, %broadcast_in_dim3A_11 : vector<512x128xi1>, vector<512x128xbf16>
    %add3A_566 = arith.addf %add3A_435, %select_n3A_565 : vector<512x128xbf16>
    %eq3A_567 = arith.constant 3 : i32
    %eq3A_568 = vector.broadcast %eq3A_567 : i32 to vector<512x1xi32>
    %eq3A_569 = arith.cmpi eq, %slice3A_545, %eq3A_568 : vector<512x1xi32>
    %broadcast_in_dim3A_570 = vector.shape_cast %eq3A_569 : vector<512x1xi1> to vector<512x1xi1>
    %broadcast_in_dim3A_571 = vector.broadcast %broadcast_in_dim3A_570 : vector<512x1xi1> to vector<512x128xi1>
    %select_n3A_572 = arith.select %broadcast_in_dim3A_571, %convert_element_type3A_544, %broadcast_in_dim3A_11 : vector<512x128xi1>, vector<512x128xbf16>
    %add3A_573 = arith.addf %add3A_442, %select_n3A_572 : vector<512x128xbf16>
    %eq3A_574 = arith.constant 4 : i32
    %eq3A_575 = vector.broadcast %eq3A_574 : i32 to vector<512x1xi32>
    %eq3A_576 = arith.cmpi eq, %slice3A_545, %eq3A_575 : vector<512x1xi32>
    %broadcast_in_dim3A_577 = vector.shape_cast %eq3A_576 : vector<512x1xi1> to vector<512x1xi1>
    %broadcast_in_dim3A_578 = vector.broadcast %broadcast_in_dim3A_577 : vector<512x1xi1> to vector<512x128xi1>
    %select_n3A_579 = arith.select %broadcast_in_dim3A_578, %convert_element_type3A_544, %broadcast_in_dim3A_11 : vector<512x128xi1>, vector<512x128xbf16>
    %add3A_580 = arith.addf %add3A_449, %select_n3A_579 : vector<512x128xbf16>
    %eq3A_581 = arith.constant 5 : i32
    %eq3A_582 = vector.broadcast %eq3A_581 : i32 to vector<512x1xi32>
    %eq3A_583 = arith.cmpi eq, %slice3A_545, %eq3A_582 : vector<512x1xi32>
    %broadcast_in_dim3A_584 = vector.shape_cast %eq3A_583 : vector<512x1xi1> to vector<512x1xi1>
    %broadcast_in_dim3A_585 = vector.broadcast %broadcast_in_dim3A_584 : vector<512x1xi1> to vector<512x128xi1>
    %select_n3A_586 = arith.select %broadcast_in_dim3A_585, %convert_element_type3A_544, %broadcast_in_dim3A_11 : vector<512x128xi1>, vector<512x128xbf16>
    %add3A_587 = arith.addf %add3A_456, %select_n3A_586 : vector<512x128xbf16>
    %eq3A_588 = arith.constant 6 : i32
    %eq3A_589 = vector.broadcast %eq3A_588 : i32 to vector<512x1xi32>
    %eq3A_590 = arith.cmpi eq, %slice3A_545, %eq3A_589 : vector<512x1xi32>
    %broadcast_in_dim3A_591 = vector.shape_cast %eq3A_590 : vector<512x1xi1> to vector<512x1xi1>
    %broadcast_in_dim3A_592 = vector.broadcast %broadcast_in_dim3A_591 : vector<512x1xi1> to vector<512x128xi1>
    %select_n3A_593 = arith.select %broadcast_in_dim3A_592, %convert_element_type3A_544, %broadcast_in_dim3A_11 : vector<512x128xi1>, vector<512x128xbf16>
    %add3A_594 = arith.addf %add3A_463, %select_n3A_593 : vector<512x128xbf16>
    %eq3A_595 = arith.constant 7 : i32
    %eq3A_596 = vector.broadcast %eq3A_595 : i32 to vector<512x1xi32>
    %eq3A_597 = arith.cmpi eq, %slice3A_545, %eq3A_596 : vector<512x1xi32>
    %broadcast_in_dim3A_598 = vector.shape_cast %eq3A_597 : vector<512x1xi1> to vector<512x1xi1>
    %broadcast_in_dim3A_599 = vector.broadcast %broadcast_in_dim3A_598 : vector<512x1xi1> to vector<512x128xi1>
    %select_n3A_600 = arith.select %broadcast_in_dim3A_599, %convert_element_type3A_544, %broadcast_in_dim3A_11 : vector<512x128xi1>, vector<512x128xbf16>
    %add3A_601 = arith.addf %add3A_470, %select_n3A_600 : vector<512x128xbf16>
    %eq3A_602 = arith.constant 8 : i32
    %eq3A_603 = vector.broadcast %eq3A_602 : i32 to vector<512x1xi32>
    %eq3A_604 = arith.cmpi eq, %slice3A_545, %eq3A_603 : vector<512x1xi32>
    %broadcast_in_dim3A_605 = vector.shape_cast %eq3A_604 : vector<512x1xi1> to vector<512x1xi1>
    %broadcast_in_dim3A_606 = vector.broadcast %broadcast_in_dim3A_605 : vector<512x1xi1> to vector<512x128xi1>
    %select_n3A_607 = arith.select %broadcast_in_dim3A_606, %convert_element_type3A_544, %broadcast_in_dim3A_11 : vector<512x128xi1>, vector<512x128xbf16>
    %add3A_608 = arith.addf %add3A_477, %select_n3A_607 : vector<512x128xbf16>
    %eq3A_609 = arith.constant 9 : i32
    %eq3A_610 = vector.broadcast %eq3A_609 : i32 to vector<512x1xi32>
    %eq3A_611 = arith.cmpi eq, %slice3A_545, %eq3A_610 : vector<512x1xi32>
    %broadcast_in_dim3A_612 = vector.shape_cast %eq3A_611 : vector<512x1xi1> to vector<512x1xi1>
    %broadcast_in_dim3A_613 = vector.broadcast %broadcast_in_dim3A_612 : vector<512x1xi1> to vector<512x128xi1>
    %select_n3A_614 = arith.select %broadcast_in_dim3A_613, %convert_element_type3A_544, %broadcast_in_dim3A_11 : vector<512x128xi1>, vector<512x128xbf16>
    %add3A_615 = arith.addf %add3A_484, %select_n3A_614 : vector<512x128xbf16>
    %eq3A_616 = arith.constant 10 : i32
    %eq3A_617 = vector.broadcast %eq3A_616 : i32 to vector<512x1xi32>
    %eq3A_618 = arith.cmpi eq, %slice3A_545, %eq3A_617 : vector<512x1xi32>
    %broadcast_in_dim3A_619 = vector.shape_cast %eq3A_618 : vector<512x1xi1> to vector<512x1xi1>
    %broadcast_in_dim3A_620 = vector.broadcast %broadcast_in_dim3A_619 : vector<512x1xi1> to vector<512x128xi1>
    %select_n3A_621 = arith.select %broadcast_in_dim3A_620, %convert_element_type3A_544, %broadcast_in_dim3A_11 : vector<512x128xi1>, vector<512x128xbf16>
    %add3A_622 = arith.addf %add3A_491, %select_n3A_621 : vector<512x128xbf16>
    %eq3A_623 = arith.constant 11 : i32
    %eq3A_624 = vector.broadcast %eq3A_623 : i32 to vector<512x1xi32>
    %eq3A_625 = arith.cmpi eq, %slice3A_545, %eq3A_624 : vector<512x1xi32>
    %broadcast_in_dim3A_626 = vector.shape_cast %eq3A_625 : vector<512x1xi1> to vector<512x1xi1>
    %broadcast_in_dim3A_627 = vector.broadcast %broadcast_in_dim3A_626 : vector<512x1xi1> to vector<512x128xi1>
    %select_n3A_628 = arith.select %broadcast_in_dim3A_627, %convert_element_type3A_544, %broadcast_in_dim3A_11 : vector<512x128xi1>, vector<512x128xbf16>
    %add3A_629 = arith.addf %add3A_498, %select_n3A_628 : vector<512x128xbf16>
    %eq3A_630 = arith.constant 12 : i32
    %eq3A_631 = vector.broadcast %eq3A_630 : i32 to vector<512x1xi32>
    %eq3A_632 = arith.cmpi eq, %slice3A_545, %eq3A_631 : vector<512x1xi32>
    %broadcast_in_dim3A_633 = vector.shape_cast %eq3A_632 : vector<512x1xi1> to vector<512x1xi1>
    %broadcast_in_dim3A_634 = vector.broadcast %broadcast_in_dim3A_633 : vector<512x1xi1> to vector<512x128xi1>
    %select_n3A_635 = arith.select %broadcast_in_dim3A_634, %convert_element_type3A_544, %broadcast_in_dim3A_11 : vector<512x128xi1>, vector<512x128xbf16>
    %add3A_636 = arith.addf %add3A_505, %select_n3A_635 : vector<512x128xbf16>
    %eq3A_637 = arith.constant 13 : i32
    %eq3A_638 = vector.broadcast %eq3A_637 : i32 to vector<512x1xi32>
    %eq3A_639 = arith.cmpi eq, %slice3A_545, %eq3A_638 : vector<512x1xi32>
    %broadcast_in_dim3A_640 = vector.shape_cast %eq3A_639 : vector<512x1xi1> to vector<512x1xi1>
    %broadcast_in_dim3A_641 = vector.broadcast %broadcast_in_dim3A_640 : vector<512x1xi1> to vector<512x128xi1>
    %select_n3A_642 = arith.select %broadcast_in_dim3A_641, %convert_element_type3A_544, %broadcast_in_dim3A_11 : vector<512x128xi1>, vector<512x128xbf16>
    %add3A_643 = arith.addf %add3A_512, %select_n3A_642 : vector<512x128xbf16>
    %eq3A_644 = arith.constant 14 : i32
    %eq3A_645 = vector.broadcast %eq3A_644 : i32 to vector<512x1xi32>
    %eq3A_646 = arith.cmpi eq, %slice3A_545, %eq3A_645 : vector<512x1xi32>
    %broadcast_in_dim3A_647 = vector.shape_cast %eq3A_646 : vector<512x1xi1> to vector<512x1xi1>
    %broadcast_in_dim3A_648 = vector.broadcast %broadcast_in_dim3A_647 : vector<512x1xi1> to vector<512x128xi1>
    %select_n3A_649 = arith.select %broadcast_in_dim3A_648, %convert_element_type3A_544, %broadcast_in_dim3A_11 : vector<512x128xi1>, vector<512x128xbf16>
    %add3A_650 = arith.addf %add3A_519, %select_n3A_649 : vector<512x128xbf16>
    %eq3A_651 = arith.constant 15 : i32
    %eq3A_652 = vector.broadcast %eq3A_651 : i32 to vector<512x1xi32>
    %eq3A_653 = arith.cmpi eq, %slice3A_545, %eq3A_652 : vector<512x1xi32>
    %broadcast_in_dim3A_654 = vector.shape_cast %eq3A_653 : vector<512x1xi1> to vector<512x1xi1>
    %broadcast_in_dim3A_655 = vector.broadcast %broadcast_in_dim3A_654 : vector<512x1xi1> to vector<512x128xi1>
    %select_n3A_656 = arith.select %broadcast_in_dim3A_655, %convert_element_type3A_544, %broadcast_in_dim3A_11 : vector<512x128xi1>, vector<512x128xbf16>
    %add3A_657 = arith.addf %add3A_526, %select_n3A_656 : vector<512x128xbf16>
    %get3A_658 = arith.constant 5 : index
    %get3A_659 = arith.constant 0 : index
    %get3A_660 = arith.constant 0 : index
    %get3A_661 = vector.load %arg2[%get3A_658, %get3A_659, %get3A_660] : memref<8x512x128xbf16, #tpu.memory_space<vmem>>, vector<1x512x128xbf16>
    %get3A_662 = vector.shape_cast %get3A_661 : vector<1x512x128xbf16> to vector<512x128xbf16>
    %dot_general3A_663 = arith.constant dense<0.000000e+00> : vector<512x2048xf32>
    %dot_general3A_664 = tpu.matmul %get3A_662, %get3A_1, %dot_general3A_663 {dimension_numbers = #tpu.dot_dimension_numbers<[1], [1], [0], [0], [0, 0, 1, 0], [], []>, transpose_lhs_hint = false} : vector<512x128xbf16>, vector<2048x128xbf16>, vector<512x2048xf32> -> vector<512x2048xf32>
    %convert_element_type3A_665 = arith.truncf %dot_general3A_664 : vector<512x2048xf32> to vector<512x2048xbf16>
    %exp23A_666 = math.exp2 %convert_element_type3A_665 : vector<512x2048xbf16>
    %dot_general3A_667 = arith.constant dense<0.000000e+00> : vector<512x256xf32>
    %dot_general3A_668 = tpu.matmul %exp23A_666, %get3A_4, %dot_general3A_667 {dimension_numbers = #tpu.dot_dimension_numbers<[1], [0], [0], [1], [0, 0, 1, 1], [], []>, transpose_lhs_hint = false} : vector<512x2048xbf16>, vector<2048x256xbf16>, vector<512x256xf32> -> vector<512x256xf32>
    %slice3A_669 = vector.extract_strided_slice %dot_general3A_668 {offsets = [0, 0], sizes = [512, 128], strides = [1, 1]} : vector<512x256xf32> to vector<512x128xf32>
    %slice3A_670 = vector.extract_strided_slice %dot_general3A_668 {offsets = [0, 128], sizes = [512, 128], strides = [1, 1]} : vector<512x256xf32> to vector<512x128xf32>
    %div3A_671 = arith.divf %slice3A_669, %slice3A_670 : vector<512x128xf32>
    %slice3A_672 = vector.extract_strided_slice %get3A_7 {offsets = [0, 5], sizes = [512, 1], strides = [1, 1]} : vector<512x16xf32> to vector<512x1xf32>
    %mul3A_673 = vector.broadcast %slice3A_672 : vector<512x1xf32> to vector<512x128xf32>
    %mul3A_674 = arith.mulf %mul3A_673, %div3A_671 : vector<512x128xf32>
    %convert_element_type3A_675 = arith.truncf %mul3A_674 : vector<512x128xf32> to vector<512x128xbf16>
    %slice3A_676 = vector.extract_strided_slice %get3A_10 {offsets = [0, 5], sizes = [512, 1], strides = [1, 1]} : vector<512x16xi32> to vector<512x1xi32>
    %eq3A_677 = arith.constant 0 : i32
    %eq3A_678 = vector.broadcast %eq3A_677 : i32 to vector<512x1xi32>
    %eq3A_679 = arith.cmpi eq, %slice3A_676, %eq3A_678 : vector<512x1xi32>
    %broadcast_in_dim3A_680 = vector.shape_cast %eq3A_679 : vector<512x1xi1> to vector<512x1xi1>
    %broadcast_in_dim3A_681 = vector.broadcast %broadcast_in_dim3A_680 : vector<512x1xi1> to vector<512x128xi1>
    %select_n3A_682 = arith.select %broadcast_in_dim3A_681, %convert_element_type3A_675, %broadcast_in_dim3A_11 : vector<512x128xi1>, vector<512x128xbf16>
    %add3A_683 = arith.addf %add3A_552, %select_n3A_682 : vector<512x128xbf16>
    %eq3A_684 = arith.constant 1 : i32
    %eq3A_685 = vector.broadcast %eq3A_684 : i32 to vector<512x1xi32>
    %eq3A_686 = arith.cmpi eq, %slice3A_676, %eq3A_685 : vector<512x1xi32>
    %broadcast_in_dim3A_687 = vector.shape_cast %eq3A_686 : vector<512x1xi1> to vector<512x1xi1>
    %broadcast_in_dim3A_688 = vector.broadcast %broadcast_in_dim3A_687 : vector<512x1xi1> to vector<512x128xi1>
    %select_n3A_689 = arith.select %broadcast_in_dim3A_688, %convert_element_type3A_675, %broadcast_in_dim3A_11 : vector<512x128xi1>, vector<512x128xbf16>
    %add3A_690 = arith.addf %add3A_559, %select_n3A_689 : vector<512x128xbf16>
    %eq3A_691 = arith.constant 2 : i32
    %eq3A_692 = vector.broadcast %eq3A_691 : i32 to vector<512x1xi32>
    %eq3A_693 = arith.cmpi eq, %slice3A_676, %eq3A_692 : vector<512x1xi32>
    %broadcast_in_dim3A_694 = vector.shape_cast %eq3A_693 : vector<512x1xi1> to vector<512x1xi1>
    %broadcast_in_dim3A_695 = vector.broadcast %broadcast_in_dim3A_694 : vector<512x1xi1> to vector<512x128xi1>
    %select_n3A_696 = arith.select %broadcast_in_dim3A_695, %convert_element_type3A_675, %broadcast_in_dim3A_11 : vector<512x128xi1>, vector<512x128xbf16>
    %add3A_697 = arith.addf %add3A_566, %select_n3A_696 : vector<512x128xbf16>
    %eq3A_698 = arith.constant 3 : i32
    %eq3A_699 = vector.broadcast %eq3A_698 : i32 to vector<512x1xi32>
    %eq3A_700 = arith.cmpi eq, %slice3A_676, %eq3A_699 : vector<512x1xi32>
    %broadcast_in_dim3A_701 = vector.shape_cast %eq3A_700 : vector<512x1xi1> to vector<512x1xi1>
    %broadcast_in_dim3A_702 = vector.broadcast %broadcast_in_dim3A_701 : vector<512x1xi1> to vector<512x128xi1>
    %select_n3A_703 = arith.select %broadcast_in_dim3A_702, %convert_element_type3A_675, %broadcast_in_dim3A_11 : vector<512x128xi1>, vector<512x128xbf16>
    %add3A_704 = arith.addf %add3A_573, %select_n3A_703 : vector<512x128xbf16>
    %eq3A_705 = arith.constant 4 : i32
    %eq3A_706 = vector.broadcast %eq3A_705 : i32 to vector<512x1xi32>
    %eq3A_707 = arith.cmpi eq, %slice3A_676, %eq3A_706 : vector<512x1xi32>
    %broadcast_in_dim3A_708 = vector.shape_cast %eq3A_707 : vector<512x1xi1> to vector<512x1xi1>
    %broadcast_in_dim3A_709 = vector.broadcast %broadcast_in_dim3A_708 : vector<512x1xi1> to vector<512x128xi1>
    %select_n3A_710 = arith.select %broadcast_in_dim3A_709, %convert_element_type3A_675, %broadcast_in_dim3A_11 : vector<512x128xi1>, vector<512x128xbf16>
    %add3A_711 = arith.addf %add3A_580, %select_n3A_710 : vector<512x128xbf16>
    %eq3A_712 = arith.constant 5 : i32
    %eq3A_713 = vector.broadcast %eq3A_712 : i32 to vector<512x1xi32>
    %eq3A_714 = arith.cmpi eq, %slice3A_676, %eq3A_713 : vector<512x1xi32>
    %broadcast_in_dim3A_715 = vector.shape_cast %eq3A_714 : vector<512x1xi1> to vector<512x1xi1>
    %broadcast_in_dim3A_716 = vector.broadcast %broadcast_in_dim3A_715 : vector<512x1xi1> to vector<512x128xi1>
    %select_n3A_717 = arith.select %broadcast_in_dim3A_716, %convert_element_type3A_675, %broadcast_in_dim3A_11 : vector<512x128xi1>, vector<512x128xbf16>
    %add3A_718 = arith.addf %add3A_587, %select_n3A_717 : vector<512x128xbf16>
    %eq3A_719 = arith.constant 6 : i32
    %eq3A_720 = vector.broadcast %eq3A_719 : i32 to vector<512x1xi32>
    %eq3A_721 = arith.cmpi eq, %slice3A_676, %eq3A_720 : vector<512x1xi32>
    %broadcast_in_dim3A_722 = vector.shape_cast %eq3A_721 : vector<512x1xi1> to vector<512x1xi1>
    %broadcast_in_dim3A_723 = vector.broadcast %broadcast_in_dim3A_722 : vector<512x1xi1> to vector<512x128xi1>
    %select_n3A_724 = arith.select %broadcast_in_dim3A_723, %convert_element_type3A_675, %broadcast_in_dim3A_11 : vector<512x128xi1>, vector<512x128xbf16>
    %add3A_725 = arith.addf %add3A_594, %select_n3A_724 : vector<512x128xbf16>
    %eq3A_726 = arith.constant 7 : i32
    %eq3A_727 = vector.broadcast %eq3A_726 : i32 to vector<512x1xi32>
    %eq3A_728 = arith.cmpi eq, %slice3A_676, %eq3A_727 : vector<512x1xi32>
    %broadcast_in_dim3A_729 = vector.shape_cast %eq3A_728 : vector<512x1xi1> to vector<512x1xi1>
    %broadcast_in_dim3A_730 = vector.broadcast %broadcast_in_dim3A_729 : vector<512x1xi1> to vector<512x128xi1>
    %select_n3A_731 = arith.select %broadcast_in_dim3A_730, %convert_element_type3A_675, %broadcast_in_dim3A_11 : vector<512x128xi1>, vector<512x128xbf16>
    %add3A_732 = arith.addf %add3A_601, %select_n3A_731 : vector<512x128xbf16>
    %eq3A_733 = arith.constant 8 : i32
    %eq3A_734 = vector.broadcast %eq3A_733 : i32 to vector<512x1xi32>
    %eq3A_735 = arith.cmpi eq, %slice3A_676, %eq3A_734 : vector<512x1xi32>
    %broadcast_in_dim3A_736 = vector.shape_cast %eq3A_735 : vector<512x1xi1> to vector<512x1xi1>
    %broadcast_in_dim3A_737 = vector.broadcast %broadcast_in_dim3A_736 : vector<512x1xi1> to vector<512x128xi1>
    %select_n3A_738 = arith.select %broadcast_in_dim3A_737, %convert_element_type3A_675, %broadcast_in_dim3A_11 : vector<512x128xi1>, vector<512x128xbf16>
    %add3A_739 = arith.addf %add3A_608, %select_n3A_738 : vector<512x128xbf16>
    %eq3A_740 = arith.constant 9 : i32
    %eq3A_741 = vector.broadcast %eq3A_740 : i32 to vector<512x1xi32>
    %eq3A_742 = arith.cmpi eq, %slice3A_676, %eq3A_741 : vector<512x1xi32>
    %broadcast_in_dim3A_743 = vector.shape_cast %eq3A_742 : vector<512x1xi1> to vector<512x1xi1>
    %broadcast_in_dim3A_744 = vector.broadcast %broadcast_in_dim3A_743 : vector<512x1xi1> to vector<512x128xi1>
    %select_n3A_745 = arith.select %broadcast_in_dim3A_744, %convert_element_type3A_675, %broadcast_in_dim3A_11 : vector<512x128xi1>, vector<512x128xbf16>
    %add3A_746 = arith.addf %add3A_615, %select_n3A_745 : vector<512x128xbf16>
    %eq3A_747 = arith.constant 10 : i32
    %eq3A_748 = vector.broadcast %eq3A_747 : i32 to vector<512x1xi32>
    %eq3A_749 = arith.cmpi eq, %slice3A_676, %eq3A_748 : vector<512x1xi32>
    %broadcast_in_dim3A_750 = vector.shape_cast %eq3A_749 : vector<512x1xi1> to vector<512x1xi1>
    %broadcast_in_dim3A_751 = vector.broadcast %broadcast_in_dim3A_750 : vector<512x1xi1> to vector<512x128xi1>
    %select_n3A_752 = arith.select %broadcast_in_dim3A_751, %convert_element_type3A_675, %broadcast_in_dim3A_11 : vector<512x128xi1>, vector<512x128xbf16>
    %add3A_753 = arith.addf %add3A_622, %select_n3A_752 : vector<512x128xbf16>
    %eq3A_754 = arith.constant 11 : i32
    %eq3A_755 = vector.broadcast %eq3A_754 : i32 to vector<512x1xi32>
    %eq3A_756 = arith.cmpi eq, %slice3A_676, %eq3A_755 : vector<512x1xi32>
    %broadcast_in_dim3A_757 = vector.shape_cast %eq3A_756 : vector<512x1xi1> to vector<512x1xi1>
    %broadcast_in_dim3A_758 = vector.broadcast %broadcast_in_dim3A_757 : vector<512x1xi1> to vector<512x128xi1>
    %select_n3A_759 = arith.select %broadcast_in_dim3A_758, %convert_element_type3A_675, %broadcast_in_dim3A_11 : vector<512x128xi1>, vector<512x128xbf16>
    %add3A_760 = arith.addf %add3A_629, %select_n3A_759 : vector<512x128xbf16>
    %eq3A_761 = arith.constant 12 : i32
    %eq3A_762 = vector.broadcast %eq3A_761 : i32 to vector<512x1xi32>
    %eq3A_763 = arith.cmpi eq, %slice3A_676, %eq3A_762 : vector<512x1xi32>
    %broadcast_in_dim3A_764 = vector.shape_cast %eq3A_763 : vector<512x1xi1> to vector<512x1xi1>
    %broadcast_in_dim3A_765 = vector.broadcast %broadcast_in_dim3A_764 : vector<512x1xi1> to vector<512x128xi1>
    %select_n3A_766 = arith.select %broadcast_in_dim3A_765, %convert_element_type3A_675, %broadcast_in_dim3A_11 : vector<512x128xi1>, vector<512x128xbf16>
    %add3A_767 = arith.addf %add3A_636, %select_n3A_766 : vector<512x128xbf16>
    %eq3A_768 = arith.constant 13 : i32
    %eq3A_769 = vector.broadcast %eq3A_768 : i32 to vector<512x1xi32>
    %eq3A_770 = arith.cmpi eq, %slice3A_676, %eq3A_769 : vector<512x1xi32>
    %broadcast_in_dim3A_771 = vector.shape_cast %eq3A_770 : vector<512x1xi1> to vector<512x1xi1>
    %broadcast_in_dim3A_772 = vector.broadcast %broadcast_in_dim3A_771 : vector<512x1xi1> to vector<512x128xi1>
    %select_n3A_773 = arith.select %broadcast_in_dim3A_772, %convert_element_type3A_675, %broadcast_in_dim3A_11 : vector<512x128xi1>, vector<512x128xbf16>
    %add3A_774 = arith.addf %add3A_643, %select_n3A_773 : vector<512x128xbf16>
    %eq3A_775 = arith.constant 14 : i32
    %eq3A_776 = vector.broadcast %eq3A_775 : i32 to vector<512x1xi32>
    %eq3A_777 = arith.cmpi eq, %slice3A_676, %eq3A_776 : vector<512x1xi32>
    %broadcast_in_dim3A_778 = vector.shape_cast %eq3A_777 : vector<512x1xi1> to vector<512x1xi1>
    %broadcast_in_dim3A_779 = vector.broadcast %broadcast_in_dim3A_778 : vector<512x1xi1> to vector<512x128xi1>
    %select_n3A_780 = arith.select %broadcast_in_dim3A_779, %convert_element_type3A_675, %broadcast_in_dim3A_11 : vector<512x128xi1>, vector<512x128xbf16>
    %add3A_781 = arith.addf %add3A_650, %select_n3A_780 : vector<512x128xbf16>
    %eq3A_782 = arith.constant 15 : i32
    %eq3A_783 = vector.broadcast %eq3A_782 : i32 to vector<512x1xi32>
    %eq3A_784 = arith.cmpi eq, %slice3A_676, %eq3A_783 : vector<512x1xi32>
    %broadcast_in_dim3A_785 = vector.shape_cast %eq3A_784 : vector<512x1xi1> to vector<512x1xi1>
    %broadcast_in_dim3A_786 = vector.broadcast %broadcast_in_dim3A_785 : vector<512x1xi1> to vector<512x128xi1>
    %select_n3A_787 = arith.select %broadcast_in_dim3A_786, %convert_element_type3A_675, %broadcast_in_dim3A_11 : vector<512x128xi1>, vector<512x128xbf16>
    %add3A_788 = arith.addf %add3A_657, %select_n3A_787 : vector<512x128xbf16>
    %get3A_789 = arith.constant 6 : index
    %get3A_790 = arith.constant 0 : index
    %get3A_791 = arith.constant 0 : index
    %get3A_792 = vector.load %arg2[%get3A_789, %get3A_790, %get3A_791] : memref<8x512x128xbf16, #tpu.memory_space<vmem>>, vector<1x512x128xbf16>
    %get3A_793 = vector.shape_cast %get3A_792 : vector<1x512x128xbf16> to vector<512x128xbf16>
    %dot_general3A_794 = arith.constant dense<0.000000e+00> : vector<512x2048xf32>
    %dot_general3A_795 = tpu.matmul %get3A_793, %get3A_1, %dot_general3A_794 {dimension_numbers = #tpu.dot_dimension_numbers<[1], [1], [0], [0], [0, 0, 1, 0], [], []>, transpose_lhs_hint = false} : vector<512x128xbf16>, vector<2048x128xbf16>, vector<512x2048xf32> -> vector<512x2048xf32>
    %convert_element_type3A_796 = arith.truncf %dot_general3A_795 : vector<512x2048xf32> to vector<512x2048xbf16>
    %exp23A_797 = math.exp2 %convert_element_type3A_796 : vector<512x2048xbf16>
    %dot_general3A_798 = arith.constant dense<0.000000e+00> : vector<512x256xf32>
    %dot_general3A_799 = tpu.matmul %exp23A_797, %get3A_4, %dot_general3A_798 {dimension_numbers = #tpu.dot_dimension_numbers<[1], [0], [0], [1], [0, 0, 1, 1], [], []>, transpose_lhs_hint = false} : vector<512x2048xbf16>, vector<2048x256xbf16>, vector<512x256xf32> -> vector<512x256xf32>
    %slice3A_800 = vector.extract_strided_slice %dot_general3A_799 {offsets = [0, 0], sizes = [512, 128], strides = [1, 1]} : vector<512x256xf32> to vector<512x128xf32>
    %slice3A_801 = vector.extract_strided_slice %dot_general3A_799 {offsets = [0, 128], sizes = [512, 128], strides = [1, 1]} : vector<512x256xf32> to vector<512x128xf32>
    %div3A_802 = arith.divf %slice3A_800, %slice3A_801 : vector<512x128xf32>
    %slice3A_803 = vector.extract_strided_slice %get3A_7 {offsets = [0, 6], sizes = [512, 1], strides = [1, 1]} : vector<512x16xf32> to vector<512x1xf32>
    %mul3A_804 = vector.broadcast %slice3A_803 : vector<512x1xf32> to vector<512x128xf32>
    %mul3A_805 = arith.mulf %mul3A_804, %div3A_802 : vector<512x128xf32>
    %convert_element_type3A_806 = arith.truncf %mul3A_805 : vector<512x128xf32> to vector<512x128xbf16>
    %slice3A_807 = vector.extract_strided_slice %get3A_10 {offsets = [0, 6], sizes = [512, 1], strides = [1, 1]} : vector<512x16xi32> to vector<512x1xi32>
    %eq3A_808 = arith.constant 0 : i32
    %eq3A_809 = vector.broadcast %eq3A_808 : i32 to vector<512x1xi32>
    %eq3A_810 = arith.cmpi eq, %slice3A_807, %eq3A_809 : vector<512x1xi32>
    %broadcast_in_dim3A_811 = vector.shape_cast %eq3A_810 : vector<512x1xi1> to vector<512x1xi1>
    %broadcast_in_dim3A_812 = vector.broadcast %broadcast_in_dim3A_811 : vector<512x1xi1> to vector<512x128xi1>
    %select_n3A_813 = arith.select %broadcast_in_dim3A_812, %convert_element_type3A_806, %broadcast_in_dim3A_11 : vector<512x128xi1>, vector<512x128xbf16>
    %add3A_814 = arith.addf %add3A_683, %select_n3A_813 : vector<512x128xbf16>
    %eq3A_815 = arith.constant 1 : i32
    %eq3A_816 = vector.broadcast %eq3A_815 : i32 to vector<512x1xi32>
    %eq3A_817 = arith.cmpi eq, %slice3A_807, %eq3A_816 : vector<512x1xi32>
    %broadcast_in_dim3A_818 = vector.shape_cast %eq3A_817 : vector<512x1xi1> to vector<512x1xi1>
    %broadcast_in_dim3A_819 = vector.broadcast %broadcast_in_dim3A_818 : vector<512x1xi1> to vector<512x128xi1>
    %select_n3A_820 = arith.select %broadcast_in_dim3A_819, %convert_element_type3A_806, %broadcast_in_dim3A_11 : vector<512x128xi1>, vector<512x128xbf16>
    %add3A_821 = arith.addf %add3A_690, %select_n3A_820 : vector<512x128xbf16>
    %eq3A_822 = arith.constant 2 : i32
    %eq3A_823 = vector.broadcast %eq3A_822 : i32 to vector<512x1xi32>
    %eq3A_824 = arith.cmpi eq, %slice3A_807, %eq3A_823 : vector<512x1xi32>
    %broadcast_in_dim3A_825 = vector.shape_cast %eq3A_824 : vector<512x1xi1> to vector<512x1xi1>
    %broadcast_in_dim3A_826 = vector.broadcast %broadcast_in_dim3A_825 : vector<512x1xi1> to vector<512x128xi1>
    %select_n3A_827 = arith.select %broadcast_in_dim3A_826, %convert_element_type3A_806, %broadcast_in_dim3A_11 : vector<512x128xi1>, vector<512x128xbf16>
    %add3A_828 = arith.addf %add3A_697, %select_n3A_827 : vector<512x128xbf16>
    %eq3A_829 = arith.constant 3 : i32
    %eq3A_830 = vector.broadcast %eq3A_829 : i32 to vector<512x1xi32>
    %eq3A_831 = arith.cmpi eq, %slice3A_807, %eq3A_830 : vector<512x1xi32>
    %broadcast_in_dim3A_832 = vector.shape_cast %eq3A_831 : vector<512x1xi1> to vector<512x1xi1>
    %broadcast_in_dim3A_833 = vector.broadcast %broadcast_in_dim3A_832 : vector<512x1xi1> to vector<512x128xi1>
    %select_n3A_834 = arith.select %broadcast_in_dim3A_833, %convert_element_type3A_806, %broadcast_in_dim3A_11 : vector<512x128xi1>, vector<512x128xbf16>
    %add3A_835 = arith.addf %add3A_704, %select_n3A_834 : vector<512x128xbf16>
    %eq3A_836 = arith.constant 4 : i32
    %eq3A_837 = vector.broadcast %eq3A_836 : i32 to vector<512x1xi32>
    %eq3A_838 = arith.cmpi eq, %slice3A_807, %eq3A_837 : vector<512x1xi32>
    %broadcast_in_dim3A_839 = vector.shape_cast %eq3A_838 : vector<512x1xi1> to vector<512x1xi1>
    %broadcast_in_dim3A_840 = vector.broadcast %broadcast_in_dim3A_839 : vector<512x1xi1> to vector<512x128xi1>
    %select_n3A_841 = arith.select %broadcast_in_dim3A_840, %convert_element_type3A_806, %broadcast_in_dim3A_11 : vector<512x128xi1>, vector<512x128xbf16>
    %add3A_842 = arith.addf %add3A_711, %select_n3A_841 : vector<512x128xbf16>
    %eq3A_843 = arith.constant 5 : i32
    %eq3A_844 = vector.broadcast %eq3A_843 : i32 to vector<512x1xi32>
    %eq3A_845 = arith.cmpi eq, %slice3A_807, %eq3A_844 : vector<512x1xi32>
    %broadcast_in_dim3A_846 = vector.shape_cast %eq3A_845 : vector<512x1xi1> to vector<512x1xi1>
    %broadcast_in_dim3A_847 = vector.broadcast %broadcast_in_dim3A_846 : vector<512x1xi1> to vector<512x128xi1>
    %select_n3A_848 = arith.select %broadcast_in_dim3A_847, %convert_element_type3A_806, %broadcast_in_dim3A_11 : vector<512x128xi1>, vector<512x128xbf16>
    %add3A_849 = arith.addf %add3A_718, %select_n3A_848 : vector<512x128xbf16>
    %eq3A_850 = arith.constant 6 : i32
    %eq3A_851 = vector.broadcast %eq3A_850 : i32 to vector<512x1xi32>
    %eq3A_852 = arith.cmpi eq, %slice3A_807, %eq3A_851 : vector<512x1xi32>
    %broadcast_in_dim3A_853 = vector.shape_cast %eq3A_852 : vector<512x1xi1> to vector<512x1xi1>
    %broadcast_in_dim3A_854 = vector.broadcast %broadcast_in_dim3A_853 : vector<512x1xi1> to vector<512x128xi1>
    %select_n3A_855 = arith.select %broadcast_in_dim3A_854, %convert_element_type3A_806, %broadcast_in_dim3A_11 : vector<512x128xi1>, vector<512x128xbf16>
    %add3A_856 = arith.addf %add3A_725, %select_n3A_855 : vector<512x128xbf16>
    %eq3A_857 = arith.constant 7 : i32
    %eq3A_858 = vector.broadcast %eq3A_857 : i32 to vector<512x1xi32>
    %eq3A_859 = arith.cmpi eq, %slice3A_807, %eq3A_858 : vector<512x1xi32>
    %broadcast_in_dim3A_860 = vector.shape_cast %eq3A_859 : vector<512x1xi1> to vector<512x1xi1>
    %broadcast_in_dim3A_861 = vector.broadcast %broadcast_in_dim3A_860 : vector<512x1xi1> to vector<512x128xi1>
    %select_n3A_862 = arith.select %broadcast_in_dim3A_861, %convert_element_type3A_806, %broadcast_in_dim3A_11 : vector<512x128xi1>, vector<512x128xbf16>
    %add3A_863 = arith.addf %add3A_732, %select_n3A_862 : vector<512x128xbf16>
    %eq3A_864 = arith.constant 8 : i32
    %eq3A_865 = vector.broadcast %eq3A_864 : i32 to vector<512x1xi32>
    %eq3A_866 = arith.cmpi eq, %slice3A_807, %eq3A_865 : vector<512x1xi32>
    %broadcast_in_dim3A_867 = vector.shape_cast %eq3A_866 : vector<512x1xi1> to vector<512x1xi1>
    %broadcast_in_dim3A_868 = vector.broadcast %broadcast_in_dim3A_867 : vector<512x1xi1> to vector<512x128xi1>
    %select_n3A_869 = arith.select %broadcast_in_dim3A_868, %convert_element_type3A_806, %broadcast_in_dim3A_11 : vector<512x128xi1>, vector<512x128xbf16>
    %add3A_870 = arith.addf %add3A_739, %select_n3A_869 : vector<512x128xbf16>
    %eq3A_871 = arith.constant 9 : i32
    %eq3A_872 = vector.broadcast %eq3A_871 : i32 to vector<512x1xi32>
    %eq3A_873 = arith.cmpi eq, %slice3A_807, %eq3A_872 : vector<512x1xi32>
    %broadcast_in_dim3A_874 = vector.shape_cast %eq3A_873 : vector<512x1xi1> to vector<512x1xi1>
    %broadcast_in_dim3A_875 = vector.broadcast %broadcast_in_dim3A_874 : vector<512x1xi1> to vector<512x128xi1>
    %select_n3A_876 = arith.select %broadcast_in_dim3A_875, %convert_element_type3A_806, %broadcast_in_dim3A_11 : vector<512x128xi1>, vector<512x128xbf16>
    %add3A_877 = arith.addf %add3A_746, %select_n3A_876 : vector<512x128xbf16>
    %eq3A_878 = arith.constant 10 : i32
    %eq3A_879 = vector.broadcast %eq3A_878 : i32 to vector<512x1xi32>
    %eq3A_880 = arith.cmpi eq, %slice3A_807, %eq3A_879 : vector<512x1xi32>
    %broadcast_in_dim3A_881 = vector.shape_cast %eq3A_880 : vector<512x1xi1> to vector<512x1xi1>
    %broadcast_in_dim3A_882 = vector.broadcast %broadcast_in_dim3A_881 : vector<512x1xi1> to vector<512x128xi1>
    %select_n3A_883 = arith.select %broadcast_in_dim3A_882, %convert_element_type3A_806, %broadcast_in_dim3A_11 : vector<512x128xi1>, vector<512x128xbf16>
    %add3A_884 = arith.addf %add3A_753, %select_n3A_883 : vector<512x128xbf16>
    %eq3A_885 = arith.constant 11 : i32
    %eq3A_886 = vector.broadcast %eq3A_885 : i32 to vector<512x1xi32>
    %eq3A_887 = arith.cmpi eq, %slice3A_807, %eq3A_886 : vector<512x1xi32>
    %broadcast_in_dim3A_888 = vector.shape_cast %eq3A_887 : vector<512x1xi1> to vector<512x1xi1>
    %broadcast_in_dim3A_889 = vector.broadcast %broadcast_in_dim3A_888 : vector<512x1xi1> to vector<512x128xi1>
    %select_n3A_890 = arith.select %broadcast_in_dim3A_889, %convert_element_type3A_806, %broadcast_in_dim3A_11 : vector<512x128xi1>, vector<512x128xbf16>
    %add3A_891 = arith.addf %add3A_760, %select_n3A_890 : vector<512x128xbf16>
    %eq3A_892 = arith.constant 12 : i32
    %eq3A_893 = vector.broadcast %eq3A_892 : i32 to vector<512x1xi32>
    %eq3A_894 = arith.cmpi eq, %slice3A_807, %eq3A_893 : vector<512x1xi32>
    %broadcast_in_dim3A_895 = vector.shape_cast %eq3A_894 : vector<512x1xi1> to vector<512x1xi1>
    %broadcast_in_dim3A_896 = vector.broadcast %broadcast_in_dim3A_895 : vector<512x1xi1> to vector<512x128xi1>
    %select_n3A_897 = arith.select %broadcast_in_dim3A_896, %convert_element_type3A_806, %broadcast_in_dim3A_11 : vector<512x128xi1>, vector<512x128xbf16>
    %add3A_898 = arith.addf %add3A_767, %select_n3A_897 : vector<512x128xbf16>
    %eq3A_899 = arith.constant 13 : i32
    %eq3A_900 = vector.broadcast %eq3A_899 : i32 to vector<512x1xi32>
    %eq3A_901 = arith.cmpi eq, %slice3A_807, %eq3A_900 : vector<512x1xi32>
    %broadcast_in_dim3A_902 = vector.shape_cast %eq3A_901 : vector<512x1xi1> to vector<512x1xi1>
    %broadcast_in_dim3A_903 = vector.broadcast %broadcast_in_dim3A_902 : vector<512x1xi1> to vector<512x128xi1>
    %select_n3A_904 = arith.select %broadcast_in_dim3A_903, %convert_element_type3A_806, %broadcast_in_dim3A_11 : vector<512x128xi1>, vector<512x128xbf16>
    %add3A_905 = arith.addf %add3A_774, %select_n3A_904 : vector<512x128xbf16>
    %eq3A_906 = arith.constant 14 : i32
    %eq3A_907 = vector.broadcast %eq3A_906 : i32 to vector<512x1xi32>
    %eq3A_908 = arith.cmpi eq, %slice3A_807, %eq3A_907 : vector<512x1xi32>
    %broadcast_in_dim3A_909 = vector.shape_cast %eq3A_908 : vector<512x1xi1> to vector<512x1xi1>
    %broadcast_in_dim3A_910 = vector.broadcast %broadcast_in_dim3A_909 : vector<512x1xi1> to vector<512x128xi1>
    %select_n3A_911 = arith.select %broadcast_in_dim3A_910, %convert_element_type3A_806, %broadcast_in_dim3A_11 : vector<512x128xi1>, vector<512x128xbf16>
    %add3A_912 = arith.addf %add3A_781, %select_n3A_911 : vector<512x128xbf16>
    %eq3A_913 = arith.constant 15 : i32
    %eq3A_914 = vector.broadcast %eq3A_913 : i32 to vector<512x1xi32>
    %eq3A_915 = arith.cmpi eq, %slice3A_807, %eq3A_914 : vector<512x1xi32>
    %broadcast_in_dim3A_916 = vector.shape_cast %eq3A_915 : vector<512x1xi1> to vector<512x1xi1>
    %broadcast_in_dim3A_917 = vector.broadcast %broadcast_in_dim3A_916 : vector<512x1xi1> to vector<512x128xi1>
    %select_n3A_918 = arith.select %broadcast_in_dim3A_917, %convert_element_type3A_806, %broadcast_in_dim3A_11 : vector<512x128xi1>, vector<512x128xbf16>
    %add3A_919 = arith.addf %add3A_788, %select_n3A_918 : vector<512x128xbf16>
    %get3A_920 = arith.constant 7 : index
    %get3A_921 = arith.constant 0 : index
    %get3A_922 = arith.constant 0 : index
    %get3A_923 = vector.load %arg2[%get3A_920, %get3A_921, %get3A_922] : memref<8x512x128xbf16, #tpu.memory_space<vmem>>, vector<1x512x128xbf16>
    %get3A_924 = vector.shape_cast %get3A_923 : vector<1x512x128xbf16> to vector<512x128xbf16>
    %dot_general3A_925 = arith.constant dense<0.000000e+00> : vector<512x2048xf32>
    %dot_general3A_926 = tpu.matmul %get3A_924, %get3A_1, %dot_general3A_925 {dimension_numbers = #tpu.dot_dimension_numbers<[1], [1], [0], [0], [0, 0, 1, 0], [], []>, transpose_lhs_hint = false} : vector<512x128xbf16>, vector<2048x128xbf16>, vector<512x2048xf32> -> vector<512x2048xf32>
    %convert_element_type3A_927 = arith.truncf %dot_general3A_926 : vector<512x2048xf32> to vector<512x2048xbf16>
    %exp23A_928 = math.exp2 %convert_element_type3A_927 : vector<512x2048xbf16>
    %dot_general3A_929 = arith.constant dense<0.000000e+00> : vector<512x256xf32>
    %dot_general3A_930 = tpu.matmul %exp23A_928, %get3A_4, %dot_general3A_929 {dimension_numbers = #tpu.dot_dimension_numbers<[1], [0], [0], [1], [0, 0, 1, 1], [], []>, transpose_lhs_hint = false} : vector<512x2048xbf16>, vector<2048x256xbf16>, vector<512x256xf32> -> vector<512x256xf32>
    %slice3A_931 = vector.extract_strided_slice %dot_general3A_930 {offsets = [0, 0], sizes = [512, 128], strides = [1, 1]} : vector<512x256xf32> to vector<512x128xf32>
    %slice3A_932 = vector.extract_strided_slice %dot_general3A_930 {offsets = [0, 128], sizes = [512, 128], strides = [1, 1]} : vector<512x256xf32> to vector<512x128xf32>
    %div3A_933 = arith.divf %slice3A_931, %slice3A_932 : vector<512x128xf32>
    %slice3A_934 = vector.extract_strided_slice %get3A_7 {offsets = [0, 7], sizes = [512, 1], strides = [1, 1]} : vector<512x16xf32> to vector<512x1xf32>
    %mul3A_935 = vector.broadcast %slice3A_934 : vector<512x1xf32> to vector<512x128xf32>
    %mul3A_936 = arith.mulf %mul3A_935, %div3A_933 : vector<512x128xf32>
    %convert_element_type3A_937 = arith.truncf %mul3A_936 : vector<512x128xf32> to vector<512x128xbf16>
    %slice3A_938 = vector.extract_strided_slice %get3A_10 {offsets = [0, 7], sizes = [512, 1], strides = [1, 1]} : vector<512x16xi32> to vector<512x1xi32>
    %eq3A_939 = arith.constant 0 : i32
    %eq3A_940 = vector.broadcast %eq3A_939 : i32 to vector<512x1xi32>
    %eq3A_941 = arith.cmpi eq, %slice3A_938, %eq3A_940 : vector<512x1xi32>
    %broadcast_in_dim3A_942 = vector.shape_cast %eq3A_941 : vector<512x1xi1> to vector<512x1xi1>
    %broadcast_in_dim3A_943 = vector.broadcast %broadcast_in_dim3A_942 : vector<512x1xi1> to vector<512x128xi1>
    %select_n3A_944 = arith.select %broadcast_in_dim3A_943, %convert_element_type3A_937, %broadcast_in_dim3A_11 : vector<512x128xi1>, vector<512x128xbf16>
    %add3A_945 = arith.addf %add3A_814, %select_n3A_944 : vector<512x128xbf16>
    %eq3A_946 = arith.constant 1 : i32
    %eq3A_947 = vector.broadcast %eq3A_946 : i32 to vector<512x1xi32>
    %eq3A_948 = arith.cmpi eq, %slice3A_938, %eq3A_947 : vector<512x1xi32>
    %broadcast_in_dim3A_949 = vector.shape_cast %eq3A_948 : vector<512x1xi1> to vector<512x1xi1>
    %broadcast_in_dim3A_950 = vector.broadcast %broadcast_in_dim3A_949 : vector<512x1xi1> to vector<512x128xi1>
    %select_n3A_951 = arith.select %broadcast_in_dim3A_950, %convert_element_type3A_937, %broadcast_in_dim3A_11 : vector<512x128xi1>, vector<512x128xbf16>
    %add3A_952 = arith.addf %add3A_821, %select_n3A_951 : vector<512x128xbf16>
    %eq3A_953 = arith.constant 2 : i32
    %eq3A_954 = vector.broadcast %eq3A_953 : i32 to vector<512x1xi32>
    %eq3A_955 = arith.cmpi eq, %slice3A_938, %eq3A_954 : vector<512x1xi32>
    %broadcast_in_dim3A_956 = vector.shape_cast %eq3A_955 : vector<512x1xi1> to vector<512x1xi1>
    %broadcast_in_dim3A_957 = vector.broadcast %broadcast_in_dim3A_956 : vector<512x1xi1> to vector<512x128xi1>
    %select_n3A_958 = arith.select %broadcast_in_dim3A_957, %convert_element_type3A_937, %broadcast_in_dim3A_11 : vector<512x128xi1>, vector<512x128xbf16>
    %add3A_959 = arith.addf %add3A_828, %select_n3A_958 : vector<512x128xbf16>
    %eq3A_960 = arith.constant 3 : i32
    %eq3A_961 = vector.broadcast %eq3A_960 : i32 to vector<512x1xi32>
    %eq3A_962 = arith.cmpi eq, %slice3A_938, %eq3A_961 : vector<512x1xi32>
    %broadcast_in_dim3A_963 = vector.shape_cast %eq3A_962 : vector<512x1xi1> to vector<512x1xi1>
    %broadcast_in_dim3A_964 = vector.broadcast %broadcast_in_dim3A_963 : vector<512x1xi1> to vector<512x128xi1>
    %select_n3A_965 = arith.select %broadcast_in_dim3A_964, %convert_element_type3A_937, %broadcast_in_dim3A_11 : vector<512x128xi1>, vector<512x128xbf16>
    %add3A_966 = arith.addf %add3A_835, %select_n3A_965 : vector<512x128xbf16>
    %eq3A_967 = arith.constant 4 : i32
    %eq3A_968 = vector.broadcast %eq3A_967 : i32 to vector<512x1xi32>
    %eq3A_969 = arith.cmpi eq, %slice3A_938, %eq3A_968 : vector<512x1xi32>
    %broadcast_in_dim3A_970 = vector.shape_cast %eq3A_969 : vector<512x1xi1> to vector<512x1xi1>
    %broadcast_in_dim3A_971 = vector.broadcast %broadcast_in_dim3A_970 : vector<512x1xi1> to vector<512x128xi1>
    %select_n3A_972 = arith.select %broadcast_in_dim3A_971, %convert_element_type3A_937, %broadcast_in_dim3A_11 : vector<512x128xi1>, vector<512x128xbf16>
    %add3A_973 = arith.addf %add3A_842, %select_n3A_972 : vector<512x128xbf16>
    %eq3A_974 = arith.constant 5 : i32
    %eq3A_975 = vector.broadcast %eq3A_974 : i32 to vector<512x1xi32>
    %eq3A_976 = arith.cmpi eq, %slice3A_938, %eq3A_975 : vector<512x1xi32>
    %broadcast_in_dim3A_977 = vector.shape_cast %eq3A_976 : vector<512x1xi1> to vector<512x1xi1>
    %broadcast_in_dim3A_978 = vector.broadcast %broadcast_in_dim3A_977 : vector<512x1xi1> to vector<512x128xi1>
    %select_n3A_979 = arith.select %broadcast_in_dim3A_978, %convert_element_type3A_937, %broadcast_in_dim3A_11 : vector<512x128xi1>, vector<512x128xbf16>
    %add3A_980 = arith.addf %add3A_849, %select_n3A_979 : vector<512x128xbf16>
    %eq3A_981 = arith.constant 6 : i32
    %eq3A_982 = vector.broadcast %eq3A_981 : i32 to vector<512x1xi32>
    %eq3A_983 = arith.cmpi eq, %slice3A_938, %eq3A_982 : vector<512x1xi32>
    %broadcast_in_dim3A_984 = vector.shape_cast %eq3A_983 : vector<512x1xi1> to vector<512x1xi1>
    %broadcast_in_dim3A_985 = vector.broadcast %broadcast_in_dim3A_984 : vector<512x1xi1> to vector<512x128xi1>
    %select_n3A_986 = arith.select %broadcast_in_dim3A_985, %convert_element_type3A_937, %broadcast_in_dim3A_11 : vector<512x128xi1>, vector<512x128xbf16>
    %add3A_987 = arith.addf %add3A_856, %select_n3A_986 : vector<512x128xbf16>
    %eq3A_988 = arith.constant 7 : i32
    %eq3A_989 = vector.broadcast %eq3A_988 : i32 to vector<512x1xi32>
    %eq3A_990 = arith.cmpi eq, %slice3A_938, %eq3A_989 : vector<512x1xi32>
    %broadcast_in_dim3A_991 = vector.shape_cast %eq3A_990 : vector<512x1xi1> to vector<512x1xi1>
    %broadcast_in_dim3A_992 = vector.broadcast %broadcast_in_dim3A_991 : vector<512x1xi1> to vector<512x128xi1>
    %select_n3A_993 = arith.select %broadcast_in_dim3A_992, %convert_element_type3A_937, %broadcast_in_dim3A_11 : vector<512x128xi1>, vector<512x128xbf16>
    %add3A_994 = arith.addf %add3A_863, %select_n3A_993 : vector<512x128xbf16>
    %eq3A_995 = arith.constant 8 : i32
    %eq3A_996 = vector.broadcast %eq3A_995 : i32 to vector<512x1xi32>
    %eq3A_997 = arith.cmpi eq, %slice3A_938, %eq3A_996 : vector<512x1xi32>
    %broadcast_in_dim3A_998 = vector.shape_cast %eq3A_997 : vector<512x1xi1> to vector<512x1xi1>
    %broadcast_in_dim3A_999 = vector.broadcast %broadcast_in_dim3A_998 : vector<512x1xi1> to vector<512x128xi1>
    %select_n3A_1000 = arith.select %broadcast_in_dim3A_999, %convert_element_type3A_937, %broadcast_in_dim3A_11 : vector<512x128xi1>, vector<512x128xbf16>
    %add3A_1001 = arith.addf %add3A_870, %select_n3A_1000 : vector<512x128xbf16>
    %eq3A_1002 = arith.constant 9 : i32
    %eq3A_1003 = vector.broadcast %eq3A_1002 : i32 to vector<512x1xi32>
    %eq3A_1004 = arith.cmpi eq, %slice3A_938, %eq3A_1003 : vector<512x1xi32>
    %broadcast_in_dim3A_1005 = vector.shape_cast %eq3A_1004 : vector<512x1xi1> to vector<512x1xi1>
    %broadcast_in_dim3A_1006 = vector.broadcast %broadcast_in_dim3A_1005 : vector<512x1xi1> to vector<512x128xi1>
    %select_n3A_1007 = arith.select %broadcast_in_dim3A_1006, %convert_element_type3A_937, %broadcast_in_dim3A_11 : vector<512x128xi1>, vector<512x128xbf16>
    %add3A_1008 = arith.addf %add3A_877, %select_n3A_1007 : vector<512x128xbf16>
    %eq3A_1009 = arith.constant 10 : i32
    %eq3A_1010 = vector.broadcast %eq3A_1009 : i32 to vector<512x1xi32>
    %eq3A_1011 = arith.cmpi eq, %slice3A_938, %eq3A_1010 : vector<512x1xi32>
    %broadcast_in_dim3A_1012 = vector.shape_cast %eq3A_1011 : vector<512x1xi1> to vector<512x1xi1>
    %broadcast_in_dim3A_1013 = vector.broadcast %broadcast_in_dim3A_1012 : vector<512x1xi1> to vector<512x128xi1>
    %select_n3A_1014 = arith.select %broadcast_in_dim3A_1013, %convert_element_type3A_937, %broadcast_in_dim3A_11 : vector<512x128xi1>, vector<512x128xbf16>
    %add3A_1015 = arith.addf %add3A_884, %select_n3A_1014 : vector<512x128xbf16>
    %eq3A_1016 = arith.constant 11 : i32
    %eq3A_1017 = vector.broadcast %eq3A_1016 : i32 to vector<512x1xi32>
    %eq3A_1018 = arith.cmpi eq, %slice3A_938, %eq3A_1017 : vector<512x1xi32>
    %broadcast_in_dim3A_1019 = vector.shape_cast %eq3A_1018 : vector<512x1xi1> to vector<512x1xi1>
    %broadcast_in_dim3A_1020 = vector.broadcast %broadcast_in_dim3A_1019 : vector<512x1xi1> to vector<512x128xi1>
    %select_n3A_1021 = arith.select %broadcast_in_dim3A_1020, %convert_element_type3A_937, %broadcast_in_dim3A_11 : vector<512x128xi1>, vector<512x128xbf16>
    %add3A_1022 = arith.addf %add3A_891, %select_n3A_1021 : vector<512x128xbf16>
    %eq3A_1023 = arith.constant 12 : i32
    %eq3A_1024 = vector.broadcast %eq3A_1023 : i32 to vector<512x1xi32>
    %eq3A_1025 = arith.cmpi eq, %slice3A_938, %eq3A_1024 : vector<512x1xi32>
    %broadcast_in_dim3A_1026 = vector.shape_cast %eq3A_1025 : vector<512x1xi1> to vector<512x1xi1>
    %broadcast_in_dim3A_1027 = vector.broadcast %broadcast_in_dim3A_1026 : vector<512x1xi1> to vector<512x128xi1>
    %select_n3A_1028 = arith.select %broadcast_in_dim3A_1027, %convert_element_type3A_937, %broadcast_in_dim3A_11 : vector<512x128xi1>, vector<512x128xbf16>
    %add3A_1029 = arith.addf %add3A_898, %select_n3A_1028 : vector<512x128xbf16>
    %eq3A_1030 = arith.constant 13 : i32
    %eq3A_1031 = vector.broadcast %eq3A_1030 : i32 to vector<512x1xi32>
    %eq3A_1032 = arith.cmpi eq, %slice3A_938, %eq3A_1031 : vector<512x1xi32>
    %broadcast_in_dim3A_1033 = vector.shape_cast %eq3A_1032 : vector<512x1xi1> to vector<512x1xi1>
    %broadcast_in_dim3A_1034 = vector.broadcast %broadcast_in_dim3A_1033 : vector<512x1xi1> to vector<512x128xi1>
    %select_n3A_1035 = arith.select %broadcast_in_dim3A_1034, %convert_element_type3A_937, %broadcast_in_dim3A_11 : vector<512x128xi1>, vector<512x128xbf16>
    %add3A_1036 = arith.addf %add3A_905, %select_n3A_1035 : vector<512x128xbf16>
    %eq3A_1037 = arith.constant 14 : i32
    %eq3A_1038 = vector.broadcast %eq3A_1037 : i32 to vector<512x1xi32>
    %eq3A_1039 = arith.cmpi eq, %slice3A_938, %eq3A_1038 : vector<512x1xi32>
    %broadcast_in_dim3A_1040 = vector.shape_cast %eq3A_1039 : vector<512x1xi1> to vector<512x1xi1>
    %broadcast_in_dim3A_1041 = vector.broadcast %broadcast_in_dim3A_1040 : vector<512x1xi1> to vector<512x128xi1>
    %select_n3A_1042 = arith.select %broadcast_in_dim3A_1041, %convert_element_type3A_937, %broadcast_in_dim3A_11 : vector<512x128xi1>, vector<512x128xbf16>
    %add3A_1043 = arith.addf %add3A_912, %select_n3A_1042 : vector<512x128xbf16>
    %eq3A_1044 = arith.constant 15 : i32
    %eq3A_1045 = vector.broadcast %eq3A_1044 : i32 to vector<512x1xi32>
    %eq3A_1046 = arith.cmpi eq, %slice3A_938, %eq3A_1045 : vector<512x1xi32>
    %broadcast_in_dim3A_1047 = vector.shape_cast %eq3A_1046 : vector<512x1xi1> to vector<512x1xi1>
    %broadcast_in_dim3A_1048 = vector.broadcast %broadcast_in_dim3A_1047 : vector<512x1xi1> to vector<512x128xi1>
    %select_n3A_1049 = arith.select %broadcast_in_dim3A_1048, %convert_element_type3A_937, %broadcast_in_dim3A_11 : vector<512x128xi1>, vector<512x128xbf16>
    %add3A_1050 = arith.addf %add3A_919, %select_n3A_1049 : vector<512x128xbf16>
    %concatenate3A = tpu.concatenate %add3A_945, %add3A_952, %add3A_959, %add3A_966, %add3A_973, %add3A_980, %add3A_987, %add3A_994, %add3A_1001, %add3A_1008, %add3A_1015, %add3A_1022, %add3A_1029, %add3A_1036, %add3A_1043, %add3A_1050 in 1 : vector<512x128xbf16>, vector<512x128xbf16>, vector<512x128xbf16>, vector<512x128xbf16>, vector<512x128xbf16>, vector<512x128xbf16>, vector<512x128xbf16>, vector<512x128xbf16>, vector<512x128xbf16>, vector<512x128xbf16>, vector<512x128xbf16>, vector<512x128xbf16>, vector<512x128xbf16>, vector<512x128xbf16>, vector<512x128xbf16>, vector<512x128xbf16> -> vector<512x2048xbf16>
    %get3A_1051 = arith.constant 0 : index
    %get3A_1052 = arith.constant 0 : index
    %get3A_1053 = vector.load %arg7[%get3A_1051, %get3A_1052] : memref<2048x1024xbf16, #tpu.memory_space<vmem>>, vector<2048x1024xbf16>
    %dot_general3A_1054 = arith.constant dense<0.000000e+00> : vector<512x1024xf32>
    %dot_general3A_1055 = tpu.matmul %concatenate3A, %get3A_1053, %dot_general3A_1054 {dimension_numbers = #tpu.dot_dimension_numbers<[1], [0], [0], [1], [0, 0, 1, 1], [], []>, transpose_lhs_hint = false} : vector<512x2048xbf16>, vector<2048x1024xbf16>, vector<512x1024xf32> -> vector<512x1024xf32>
    %swap3A = arith.constant 0 : index
    %swap3A_1056 = arith.constant 0 : index
    %swap3A_1057 = vector.load %arg11[%swap3A, %swap3A_1056] : memref<512x1024xf32, #tpu.memory_space<vmem>>, vector<512x1024xf32>
    tpu.vector_store %arg11[%swap3A, %swap3A_1056], %dot_general3A_1055 {strides = array<i32>} : memref<512x1024xf32, #tpu.memory_space<vmem>>, vector<512x1024xf32>,
    %eq3A_1058 = arith.constant 0 : i32
    %eq3A_1059 = arith.cmpi eq, %arg0, %eq3A_1058 : i32
    %eq3A_1060 = arith.constant 0 : i32
    %eq3A_1061 = arith.cmpi eq, %arg1, %eq3A_1060 : i32
    %and3A = arith.andi %eq3A_1059, %eq3A_1061 : i1
    %convert_element_type3A_1062 = arith.extui %and3A : i1 to i32
    %cond3A = arith.constant 0 : i32
    %cond3A_1063 = arith.cmpi ne, %convert_element_type3A_1062, %cond3A : i32
    scf.if %cond3A_1063 {
      %get3A_1064 = arith.constant 0 : index
      %get3A_1065 = arith.constant 0 : index
      %get3A_1066 = vector.load %arg9[%get3A_1064, %get3A_1065] : memref<32x16xf32, #tpu.memory_space<vmem>>, vector<32x16xf32>
      %reduce_sum3A = arith.constant dense<0.000000e+00> : vector<16xf32>
      %reduce_sum3A_1067 = vector.multi_reduction <add>, %get3A_1066, %reduce_sum3A [0] : vector<32x16xf32> to vector<16xf32>
      %broadcast_in_dim3A_1068 = vector.shape_cast %reduce_sum3A_1067 : vector<16xf32> to vector<1x16xf32>
      %get3A_1069 = arith.constant 0 : index
      %get3A_1070 = arith.constant 0 : index
      %get3A_1071 = vector.load %arg10[%get3A_1069, %get3A_1070] : memref<32x16xf32, #tpu.memory_space<vmem>>, vector<32x16xf32>
      %reduce_sum3A_1072 = arith.constant dense<0.000000e+00> : vector<16xf32>
      %reduce_sum3A_1073 = vector.multi_reduction <add>, %get3A_1071, %reduce_sum3A_1072 [0] : vector<32x16xf32> to vector<16xf32>
      %broadcast_in_dim3A_1074 = vector.shape_cast %reduce_sum3A_1073 : vector<16xf32> to vector<1x16xf32>
      %get3A_1075 = arith.constant 0 : index
      %get3A_1076 = arith.constant 0 : index
      %get3A_1077 = vector.load %arg8[%get3A_1075, %get3A_1076] : memref<8x16xf32, #tpu.memory_space<vmem>>, vector<1x1xf32>
      %reduce_sum3A_1078 = vector.shape_cast %get3A_1077 : vector<1x1xf32> to vector<1x1x1xf32>
      %reduce_sum3A_1079 = arith.constant dense<0.000000e+00> : vector<1xf32>
      %reduce_sum3A_1080 = vector.multi_reduction <add>, %reduce_sum3A_1078, %reduce_sum3A_1079 [1, 2] : vector<1x1x1xf32> to vector<1xf32>
      %reduce_sum3A_1081 = vector.shape_cast %reduce_sum3A_1080 : vector<1xf32> to vector<1x1x1xf32>
      %reduce_sum3A_1082 = vector.extract %reduce_sum3A_1081[0, 0, 0] : f32 from vector<1x1x1xf32>
      %abs3A = math.absf %broadcast_in_dim3A_1074 : vector<1x16xf32>
      %reduce_sum3A_1083 = vector.shape_cast %abs3A : vector<1x16xf32> to vector<1x1x16xf32>
      %reduce_sum3A_1084 = arith.constant dense<0.000000e+00> : vector<1xf32>
      %reduce_sum3A_1085 = vector.multi_reduction <add>, %reduce_sum3A_1083, %reduce_sum3A_1084 [1, 2] : vector<1x1x16xf32> to vector<1xf32>
      %reduce_sum3A_1086 = vector.shape_cast %reduce_sum3A_1085 : vector<1xf32> to vector<1x1x1xf32>
      %reduce_sum3A_1087 = vector.extract %reduce_sum3A_1086[0, 0, 0] : f32 from vector<1x1x1xf32>
      %add3A_1088 = arith.constant 9.99999996E-13 : f32
      %add3A_1089 = arith.addf %reduce_sum3A_1087, %add3A_1088 : f32
      %div3A_1090 = vector.broadcast %add3A_1089 : f32 to vector<1x16xf32>
      %div3A_1091 = arith.divf %broadcast_in_dim3A_1074, %div3A_1090 : vector<1x16xf32>
      %abs3A_1092 = math.absf %broadcast_in_dim3A_1068 : vector<1x16xf32>
      %reduce_sum3A_1093 = vector.shape_cast %abs3A_1092 : vector<1x16xf32> to vector<1x1x16xf32>
      %reduce_sum3A_1094 = arith.constant dense<0.000000e+00> : vector<1xf32>
      %reduce_sum3A_1095 = vector.multi_reduction <add>, %reduce_sum3A_1093, %reduce_sum3A_1094 [1, 2] : vector<1x1x16xf32> to vector<1xf32>
      %reduce_sum3A_1096 = vector.shape_cast %reduce_sum3A_1095 : vector<1xf32> to vector<1x1x1xf32>
      %reduce_sum3A_1097 = vector.extract %reduce_sum3A_1096[0, 0, 0] : f32 from vector<1x1x1xf32>
      %add3A_1098 = arith.constant 9.99999996E-13 : f32
      %add3A_1099 = arith.addf %reduce_sum3A_1097, %add3A_1098 : f32
      %div3A_1100 = vector.broadcast %add3A_1099 : f32 to vector<1x16xf32>
      %div3A_1101 = arith.divf %broadcast_in_dim3A_1068, %div3A_1100 : vector<1x16xf32>
      %mul3A_1102 = arith.mulf %div3A_1091, %div3A_1101 : vector<1x16xf32>
      %reduce_sum3A_1103 = vector.shape_cast %mul3A_1102 : vector<1x16xf32> to vector<1x1x16xf32>
      %reduce_sum3A_1104 = arith.constant dense<0.000000e+00> : vector<1xf32>
      %reduce_sum3A_1105 = vector.multi_reduction <add>, %reduce_sum3A_1103, %reduce_sum3A_1104 [1, 2] : vector<1x1x16xf32> to vector<1xf32>
      %reduce_sum3A_1106 = vector.shape_cast %reduce_sum3A_1105 : vector<1xf32> to vector<1x1x1xf32>
      %reduce_sum3A_1107 = vector.extract %reduce_sum3A_1106[0, 0, 0] : f32 from vector<1x1x1xf32>
      %mul3A_1108 = arith.constant 1.600000e+01 : f32
      %mul3A_1109 = arith.mulf %mul3A_1108, %reduce_sum3A_1107 : f32
      %div3A_1110 = arith.constant 4.096000e+03 : f32
      %div3A_1111 = arith.divf %reduce_sum3A_1082, %div3A_1110 : f32
      %mul3A_1112 = arith.constant 1.000000e-01 : f32
      %mul3A_1113 = arith.mulf %mul3A_1112, %mul3A_1109 : f32
      %mul3A_1114 = arith.constant 1.000000e-03 : f32
      %mul3A_1115 = arith.mulf %mul3A_1114, %div3A_1111 : f32
      %add3A_1116 = arith.addf %mul3A_1113, %mul3A_1115 : f32
      %broadcast_in_dim3A_1117 = vector.broadcast %add3A_1116 : f32 to vector<1x1xf32>
      %swap3A_1118 = arith.constant 0 : index
      %swap3A_1119 = arith.constant 0 : index
      %swap3A_1120 = vector.load %arg12[%swap3A_1118, %swap3A_1119] : memref<1x1xf32, #tpu.memory_space<vmem>>, vector<1x1xf32>
      tpu.vector_store %arg12[%swap3A_1118, %swap3A_1119], %broadcast_in_dim3A_1117 {strides = array<i32>} : memref<1x1xf32, #tpu.memory_space<vmem>>, vector<1x1xf32>,
    } else {
    }
    return
  }
  func.func @transform_0(%arg0: i32, %arg1: i32) -> (i32, i32, i32) {
    %mul3A = arith.constant 4 : i32
    %mul3A_0 = arith.muli %arg0, %mul3A : i32
    %add3A = arith.addi %mul3A_0, %arg1 : i32
    %c0_i32 = arith.constant 0 : i32
    %c0_i32_1 = arith.constant 0 : i32
    %c0_i32_2 = arith.constant 0 : i32
    return %c0_i32, %add3A, %c0_i32_1 : i32, i32, i32
  }
  func.func @transform_1(%arg0: i32, %arg1: i32) -> (i32, i32) {
    %c0_i32 = arith.constant 0 : i32
    %c0_i32_0 = arith.constant 0 : i32
    return %arg0, %c0_i32 : i32, i32
  }
  func.func @transform_2(%arg0: i32, %arg1: i32) -> (i32, i32) {
    %c0_i32 = arith.constant 0 : i32
    %c0_i32_0 = arith.constant 0 : i32
    return %arg0, %c0_i32 : i32, i32
  }
  func.func @transform_3(%arg0: i32, %arg1: i32) -> (i32, i32) {
    %mul3A = arith.constant 4 : i32
    %mul3A_0 = arith.muli %arg0, %mul3A : i32
    %add3A = arith.addi %mul3A_0, %arg1 : i32
    %c0_i32 = arith.constant 0 : i32
    %c0_i32_1 = arith.constant 0 : i32
    return %add3A, %c0_i32 : i32, i32
  }
  func.func @transform_4(%arg0: i32, %arg1: i32) -> (i32, i32) {
    %mul3A = arith.constant 4 : i32
    %mul3A_0 = arith.muli %arg0, %mul3A : i32
    %add3A = arith.addi %mul3A_0, %arg1 : i32
    %c0_i32 = arith.constant 0 : i32
    %c0_i32_1 = arith.constant 0 : i32
    return %add3A, %c0_i32 : i32, i32
  }
  func.func @transform_5(%arg0: i32, %arg1: i32) -> (i32, i32) {
    %c0_i32 = arith.constant 0 : i32
    %c0_i32_0 = arith.constant 0 : i32
    %c0_i32_1 = arith.constant 0 : i32
    return %c0_i32, %c0_i32_0 : i32, i32
  }
  func.func @transform_6(%arg0: i32, %arg1: i32) -> (i32, i32) {
    %c0_i32 = arith.constant 0 : i32
    %c0_i32_0 = arith.constant 0 : i32
    %c0_i32_1 = arith.constant 0 : i32
    return %c0_i32, %c0_i32_0 : i32, i32
  }
  func.func @transform_7(%arg0: i32, %arg1: i32) -> (i32, i32) {
    %c0_i32 = arith.constant 0 : i32
    %c0_i32_0 = arith.constant 0 : i32
    %c0_i32_1 = arith.constant 0 : i32
    return %c0_i32, %c0_i32_0 : i32, i32
  }
  func.func @transform_8(%arg0: i32, %arg1: i32) -> (i32, i32) {
    %c0_i32 = arith.constant 0 : i32
    %c0_i32_0 = arith.constant 0 : i32
    %c0_i32_1 = arith.constant 0 : i32
    return %c0_i32, %c0_i32_0 : i32, i32
  }
  func.func @transform_9(%arg0: i32, %arg1: i32) -> (i32, i32) {
    %mul3A = arith.constant 4 : i32
    %mul3A_0 = arith.muli %arg0, %mul3A : i32
    %add3A = arith.addi %mul3A_0, %arg1 : i32
    %c0_i32 = arith.constant 0 : i32
    %c0_i32_1 = arith.constant 0 : i32
    return %add3A, %c0_i32 : i32, i32
  }
  func.func @transform_10(%arg0: i32, %arg1: i32) -> (i32, i32) {
    %c0_i32 = arith.constant 0 : i32
    %c0_i32_0 = arith.constant 0 : i32
    %c0_i32_1 = arith.constant 0 : i32
    return %c0_i32, %c0_i32_0 : i32, i32
  }
}

</mosaic_0001>

<sc_bundles>
// kernel: kernel.6.cloned.1.call-start
scs
__scs_entry_jumppad:
0x0: {  	(pc) =	sbr.rel $0x88, $3  }
0x1: {  	(tag) =	ssettag $0x0;
	lr =	simm.s32 $0x1  }
0x2: {  	[smem:$0x3F9B] =	sst lr;
	_ =	strace $0xD0000000  }
0x3: {  	_ = 	snop  }
0x4: {  	_ = 	snop  }
0x5: {  	_ = 	snop  }
0x6: {  	_ = 	snop  }
0x7: {  	_ = 	snop  }
__scs_overlays_trampoline_lowered:
0x8: {  	[smem:$0x3FAA] =	sst s0  }
0x9: {  	[smem:$0x3FAB] =	sst s1  }
0xa: {  	[smem:$0x3FAC] =	sst s2  }
0xb: {  	[smem:$0x3FAD] =	sst s3  }
0xc: {  	[smem:$0x3FAE] =	sst s4  }
0xd: {  	[smem:$0x3FAF] =	sst s5  }
0xe: {  	[smem:$0x3FB0] =	sst s6  }
0xf: {  	[smem:$0x3FB1] =	sst s7  }
0x10: {  	[smem:$0x3FB2] =	sst s8  }
0x11: {  	[smem:$0x3FB3] =	sst s9;
	s0 =	simm.s32 @!p0 $0x0  }
0x12: {  	s1 =	sld [smem:$0x3F99];
	s0 =	simm.s32 @p0 $0x1  }
0x13: {  	[smem:$0x3FB4] =	sst s0;
	s0 =	simm.s32 @!p1 $0x0  }
0x14: {  	s2 =	sld [smem:$0x3F98];
	s0 =	simm.s32 @p1 $0x1  }
0x15: {  	[smem:$0x3FB5] =	sst s0;
	s0 =	simm.s32 @!p2 $0x0  }
0x16: {  	s3 =	sld [smem:$0x3FDB];
	s0 =	simm.s32 @p2 $0x1  }
0x17: {  	s4 =	simm.s32 $0x1BF5;
	[smem:$0x3FB7] =	sst s0  }
0x18: {  	s0 =	sld [smem:$0x3F9A];
	_ =	swait.ge [sflag:s4], $0x0  }
0x19: {  	s7 =	sld [smem:$0x3F9B]  }
0x1a: {  	s8 =	sadd.s32 $0xFFFFE003, lr  }
0x1b: {  	s9 =	sadd.s32 $0xFFFFFEF7, lr;
	s5 =	simm.s32 $0xFFFFFFFF;
	p2 =	slt.u32 s8, $0xFFFFF086  }
0x1c: {  	p1 =	slt.u32 s9, $0xF7A;
	s5 =	simm.s32 @!p2 $0x0  }
0x1d: {  	s5 =	simm.s32 @p1 $0x1;
	p0 =	seq.s32 s7, s2  }
0x1e: {  	s7 =	smul.u32 @!p0 $0xF7A, s2;
	p2 =	seq.s32 @!p0 s5, $0x0  }
0x1f: {  	s9 =	smul.u32 $0xF7A, s1;
	s8 =	simm.s32 @!p0 $0x1BF5;
	p2 =	por !p2, p0  }
0x20: {  	[sflag:s8] =	ssyncset.s32 @!p0 $0xFFFFF086;
	s6 =	sadd.s32 @!p0 s3, s7;
	s7 =	simm.s32 @!p0 $0x108  }
0x21: {  	s3 =	sadd.s32 s3, s9;
	s6 =	sadd.s32 @!p0 $0x88, s6;
	s7 =	simm.s32 @p2 $0x1082  }
0x22: {  	[simem:s7], [sflag:s8] =	dma.local @!p0 [hbm:s6], $0xF7A  }
0x23: {  	s9 =	sor.u32 $0xD0000000, s2;
	s6 =	simm.s32 $0x108;
	_ =	swait.ge @!p0 [sflag:s8], $0x0  }
0x24: {  	s3 =	sadd.s32 $0x88, s3;
	s6 =	simm.s32 @!p1 $0x1082;
	[sflag:s4] =	ssyncset.s32 $0xFFFFF086  }
0x25: {  	[simem:s6], [sflag:s4] =	dma.local [hbm:s3], $0xF7A  }
0x26: {  	[smem:$0x3F9B] =	sst s1;
	(tag) =	ssettag s2;
	_ =	strace s9  }
0x27: {  	s1 =	sld [smem:$0x3FAB]  }
0x28: {  	s2 =	sld [smem:$0x3FAC]  }
0x29: {  	s4 =	sld [smem:$0x3FAE]  }
0x2a: {  	p0 =	seq.s32 s5, $0x0;
	s5 =	sld [smem:$0x3FAF]  }
0x2b: {  	s6 =	sld [smem:$0x3FB0]  }
0x2c: {  	s7 =	sld [smem:$0x3FB1]  }
0x2d: {  	s3 =	simm.s32 $0x108;
	s8 =	sld [smem:$0x3FB2]  }
0x2e: {  	s3 =	simm.s32 @!p0 $0x1082;
	s9 =	sld [smem:$0x3FB3]  }
0x2f: {  	lr =	sadd.s32 s0, s3;
	s0 =	sld [smem:$0x3FAA]  }
0x30: {  	s3 =	sld [smem:$0x3FAD]  }
0x31: {  	[smem:$0x3FB6] =	sst s10  }
0x32: {  	s10 =	sld [smem:$0x3FB4];
	_ =	sdelay $0x3  }
0x33: {  	p0 =	seq.s32 s10, $0x1;
	s10 =	sld [smem:$0x3FB6];
	_ =	sdelay $0x3  }
0x34: {  	[smem:$0x3FB6] =	sst s10  }
0x35: {  	s10 =	sld [smem:$0x3FB5];
	_ =	sdelay $0x3  }
0x36: {  	p1 =	seq.s32 s10, $0x1;
	s10 =	sld [smem:$0x3FB6];
	_ =	sdelay $0x3  }
0x37: {  	[smem:$0x3FB6] =	sst s10  }
0x38: {  	s10 =	sld [smem:$0x3FB7]  }
0x39: {  	_ = 	snop;
	(pc) =	sbr.ind lr, $3  }
0x3a: {  	_ = 	snop  }
0x3b: {  	_ = 	snop  }
0x3c: {  	p2 =	seq.s32 s10, $0x1;
	s10 =	sld [smem:$0x3FB6]  }
0x3d: {  	_ =	shalt  }
0x3e: {  	_ =	shalt  }
0x3f: {  	_ =	shalt  }
0x40: {  	_ =	shalt  }
0x41: {  	_ =	shalt  }
0x42: {  	_ =	shalt  }
0x43: {  	_ =	shalt  }
0x44: {  	_ =	shalt  }
0x45: {  	_ =	shalt  }
0x46: {  	_ =	shalt  }
0x47: {  	_ =	shalt  }
0x48: {  	_ =	shalt  }
0x49: {  	_ =	shalt  }
0x4a: {  	_ =	shalt  }
0x4b: {  	_ =	shalt  }
0x4c: {  	_ =	shalt  }
0x4d: {  	_ =	shalt  }
0x4e: {  	_ =	shalt  }
0x4f: {  	_ =	shalt  }
0x50: {  	_ =	shalt  }
0x51: {  	_ =	shalt  }
0x52: {  	_ =	shalt  }
0x53: {  	_ =	shalt  }
0x54: {  	_ =	shalt  }
0x55: {  	_ =	shalt  }
0x56: {  	_ =	shalt  }
0x57: {  	_ =	shalt  }
0x58: {  	_ =	shalt  }
0x59: {  	_ =	shalt  }
0x5a: {  	_ =	shalt  }
0x5b: {  	_ =	shalt  }
0x5c: {  	_ =	shalt  }
0x5d: {  	_ =	shalt  }
0x5e: {  	_ =	shalt  }
0x5f: {  	_ =	shalt  }
0x60: {  	_ =	shalt  }
0x61: {  	_ =	shalt  }
0x62: {  	_ =	shalt  }
0x63: {  	_ =	shalt  }
0x64: {  	_ =	shalt  }
0x65: {  	_ =	shalt  }
0x66: {  	_ =	shalt  }
0x67: {  	_ =	shalt  }
0x68: {  	_ =	shalt  }
0x69: {  	_ =	shalt  }
0x6a: {  	_ =	shalt  }
0x6b: {  	_ =	shalt  }
0x6c: {  	_ =	shalt  }
0x6d: {  	_ =	shalt  }
0x6e: {  	_ =	shalt  }
0x6f: {  	_ =	shalt  }
0x70: {  	_ =	shalt  }
0x71: {  	_ =	shalt  }
0x72: {  	_ =	shalt  }
0x73: {  	_ =	shalt  }
0x74: {  	_ =	shalt  }
0x75: {  	_ =	shalt  }
0x76: {  	_ =	shalt  }
0x77: {  	_ =	shalt  }
0x78: {  	_ =	shalt  }
0x79: {  	_ =	shalt  }
0x7a: {  	_ =	shalt  }
0x7b: {  	_ =	shalt  }
0x7c: {  	_ =	shalt  }
0x7d: {  	_ =	shalt  }
0x7e: {  	_ =	shalt  }
0x7f: {  	_ =	shalt  }
0x80: {  	_ =	shalt  }
0x81: {  	_ =	shalt  }
0x82: {  	_ =	shalt  }
0x83: {  	_ =	shalt  }
0x84: {  	_ =	shalt  }
0x85: {  	_ =	shalt  }
0x86: {  	_ =	shalt  }
0x87: {  	_ =	shalt  }
.Lfunc_end0:
.L_simem_size_0:
called_computation_lowered:
.L_overlay_start_0:
0x88: {  	s2 =	sld [smem:$0x3FD9]  }
0x89: {  	s3 =	sld [smem:$0x3FFE];
	_ =	sdelay $0x1  }
0x8a: {  	s1 =	srdreg.scid  }
0x8b: {  	s0 =	sand.u32 $0x1, s1  }
0x8c: {  	s14 =	sshll.u32 s0, $0xA;
	s2 =	sadd.s32 s3, s2  }
0x8d: {  	s2 =	sadd.s32 s2, s14  }
0x8e: {  	[smem:$0x3FC2] =	sst s2  }
0x8f: {  	_ = 	snop  }
0x90: {  	s2 =	sld [smem:$0x3FD0];
	_ =	sdelay $0x2  }
0x91: {  	s15 =	simm.s32 $0xA;
	s4 =	simm.s32 $0x10  }
0x92: {  	[smem:s4], [sflag:s15] =	dma.local [hbm:s2], $0x1  }
0x93: {  	_ =	swait.eq [sflag:s15], $0x1  }
0x94: {  	[sflag:s15] =	ssyncset.done $0x0  }
0x95: {  	[sflag:s15] =	ssyncadd.s32 $0xFFFFFFFF  }
0x96: {  	s16 =	sld [smem:$0x10];
	(tm) =	ssettm $0x1  }
0x97: {  	s17 =	sld [smem:$0x3FFB];
	_ =	sdelay $0x3  }
0x98: {  	_ =	strace s17  }
0x99: {  	s3 =	sld [smem:$0x3FFC];
	_ =	sdelay $0x3  }
0x9a: {  	_ =	strace s3  }
0x9b: {  	s3 =	sld [smem:$0x3FFD];
	_ =	sdelay $0x3  }
0x9c: {  	_ =	strace s3  }
0x9d: {  	_ =	strace $0x8FFFFFFF  }
0x9e: {  	s18 =	sld [smem:$0x3FDB];
	_ =	sdelay $0x1  }
0x9f: {  	s19 =	simm.s32 $_scs_section_size  }
0xa0: {  	s5 =	simm.s32 $_size__tile_overlayer_lowered;
	s6 =	simm.s32 $_tile_overlayer_lowered  }
0xa1: {  	s22 =	simm.s32 $0x1BFF;
	s21 =	sshll.u32 s6, $0x1;
	s3 =	sadd.s32 s19, s18  }
0xa2: {  	s7 =	simm.s32 $0x0;
	s20 =	sshll.u32 s5, $0x1;
	s5 =	sadd.s32 s21, s3  }
0xa3: {  	[timem:s7], [sflag:s22] =	dma.local [hbm:s5], s20  }
0xa4: {  	_ =	swait.ge [sflag:s22], s20  }
0xa5: {  	s4 =	ssub.s32 $0x0, s20;
	[sflag:s22] =	ssyncset.done $0x0  }
0xa6: {  	[sflag:s22] =	ssyncadd.s32 s4;
	_ =	sdelay $0x1  }
0xa7: {  	s23 =	simm.s32 $0x1B8B  }
0xa8: {  	_ =	swait.ge [sflag:s23], $0x1  }
0xa9: {  	[sflag:s23] =	ssyncset.done $0x0  }
0xaa: {  	s25 =	simm.s32 $0x1B8E;
	s24 =	sld [smem:$0x3FFE];
	[sflag:s23] =	ssyncadd.s32 $0xFFFFFFFF  }
0xab: {  	s26 =	simm.s32 $execute0_lowered;
	[smem:$0x3FD2] =	sst s25  }
0xac: {  	s5 =	sshll.u32 s26, $0x1;
	_ =	strace $0x80000046;
	[dreg:$0x1] =	wrdreg $0xFFFFFFFF  }
0xad: {  	s28 =	simm.s32 $_size_execute0_lowered;
	s3 =	sadd.s32 s3, s5;
	[dreg:$0x0] =	wrdreg $0x0  }
0xae: {  	s5 =	sshll.u32 s28, $0x1;
	[dreg:$0x2] =	wrdreg s3  }
0xaf: {  	[dreg:$0x3] =	wrdreg s5  }
0xb0: {  	[dreg:$0x4] =	wrdreg $0xC0  }
0xb1: {  	_ =	task [dreg:s7], $0x5FFFF  }
0xb2: {  	[dreg:$0x1] =	wrdreg $0xFFFFFFFF  }
0xb3: {  	[dreg:$0x0] =	wrdreg $0x60  }
0xb4: {  	[dreg:$0x2] =	wrdreg s16  }
0xb5: {  	[dreg:$0x3] =	wrdreg s24  }
0xb6: {  	[dreg:$0x4] =	wrdreg $0x9  }
0xb7: {  	_ =	task.clear_ibuf [dreg:s7], $0x5FFFF;
	_ =	strace $0x90000046  }
0xb8: {  	s29 =	simm.s32 $0x9;
	_ =	strace $0x80000048  }
0xb9: {  	_ =	swait.ge [sflag:s29], $0x1  }
0xba: {  	[sflag:s29] =	ssyncadd.s32 $0xFFFFFFFF  }
0xbb: {  	_ =	strace $0x90000048  }
0xbc: {  	_ =	sfence  }
0xbd: {  	s30 =	sld [smem:$0x0];
	_ =	sdelay $0x2  }
0xbe: {  	s31 =	sshll.u32 s1, $0xD;
	s1 =	sshrl.u32 s1, $0x2  }
0xbf: {  	s3 =	sand.u32 $0x4000, s31;
	s1 =	sadd.s32 s1, s30  }
0xc0: {  	s0 =	sor.u32 s3, s0;
	s1 =	sshll.u32 s1, $0x11  }
0xc1: {  	s0 =	sor.u32 s1, s0  }
0xc2: {  	s0 =	sadd.s32 $0x8F2B, s0  }
0xc3: {  	[sflag:s0] =	ssyncadd.remote.s32 $0x1  }
0xc4: {  	_ =	sfence.sel $0xFFFF  }
0xc5: {  	[dreg:$0x0] =	wrdreg $0xFFFFFFFF;
	(pc) =	sbr.abs _section_cstart, $3  }
0xc6: {  	[dreg:$0x1] =	wrdreg $0xFFFFFFFF  }
0xc7: {  	_ =	task.clear_ibuf [dreg:s7], $0x2FFFF;
	_ =	strace $0x9FFFFFFF  }
0xc8: {  	(tm) =	ssettm $0x7FFFFFFF  }
0xc9: {  	_ =	shalt  }
tec
execute0_lowered:
.L_overlay_start_1:
0x0: {  	(tag) =	ssettag $0x1  }
0x1: {  	s3 =	rddreg [dreg:$0x0]  }
0x2: {  	s4 =	rddreg [dreg:$0x1]  }
0x3: {  	s0 =	rddreg [dreg:$0x2]  }
0x4: {  	s2 =	simm.s32 $0x0;
	s5 =	srdreg.scid;
	s1 =	stileid.u32  }
0x5: {  	s11 =	simm.s32 $0x4000;
	s12 =	simm.s32 $0x8000;
	s13 =	simm.s32 $0xC080  }
0x6: {  	[smem:$0x7FF] =	sst s2;
	s5 =	sand.u32 $0x1, s5;
	s6 =	sshll.u32 s1, $0x1  }
0x7: {  	s14 =	simm.s32 $0x0;
	_ =	strace $0x80000047;
	s6 =	sor.u32 s5, s6  }
0x8: {  	s5 =	ssub.s32 $0x2, s5;
	s7 =	sshll.u32 s6, $0xB;
	s6 =	sshll.u32 s6, $0x4  }
0x9: {  	s8 =	sshrl.u32 s5, $0x1;
	s9 =	sadd.s32 s7, s4;
	s10 =	sadd.s32 s6, s4  }
0xa: {  	s8 =	ssub.s32 s5, s8;
	s3 =	sadd.s32 s3, s7;
	s4 =	sadd.s32 $0x12400, s9  }
0xb: {  	s5 =	sadd.s32 $0x2400, s9;
	s6 =	sadd.s32 $0x22400, s10;
	s7 =	sadd.s32 $0x22600, s10  }
0xc: {  	v0 =	vlaneseq.u32;
	vm0 =	vmmov $0xff;
	v1 =	vimm.f32 $1.000000000e+00;
	s8 =	smax.u32 s8, $0x1;
	s9 =	simm.s32 $0x1;
	s10 =	simm.s32 $0xC000  }
.LBB2_1:
0xd: {  	[tilespmem:s2], [sflag:$0x1] =	stream.linear.gather [hbm4b:s3+s2], $0x4000, $0x38;
	[tilespmem:$0xC100] =	vst v63  }
0xe: {  	_ =	swait.ge [sflag:s9], $0x4000  }
0xf: {  	[sflag:s9] =	ssyncset.done $0x0  }
0x10: {  	v2 =	vimm.f32 $0.0e+00;
	[sflag:s9] =	ssyncadd.s32 $0xFFFFC000  }
0x11: {  	s15 =	simm.s32 $0x0;
	[tilespmem:$0xC000] =	vst v2  }
0x12: {  	s16 =	simm.s32 $0x200;
	v3 =	vld [tilespmem:s15+$0x0]  }
.LBB2_2:
0x13: {  	p0 =	sne.s32 s16, $0xFE00;
	_ =	sdelay $0x3  }
0x14: {  	(xrf0) =	vmax.scan.msk.f32 $0xffff, v3;
	_ =	sdelay $0x5  }
0x15: {  	v4, _, _ =	vpop (xrf0)  }
0x16: {  	v4 =	vbroadcast v4, $0xF;
	_ =	sdelay $0x1  }
0x17: {  	v3 =	vsub.f32 v3, v4;
	_ =	sdelay $0x1  }
0x18: {  	v3 =	vmul.f32 $1.442695020e+00, v3;
	_ =	sdelay $0x1  }
0x19: {  	(erf) = vpow2.f32 v3;
	_ =	sdelay $0x8  }
0x1a: {  	v3 =	vpop (erf)  }
0x1b: {  	(xrf2) =	vadd.scan.msk.f32 $0xffff, v3;
	_ =	sdelay $0x9  }
0x1c: {  	v4, _, _ =	vpop (xrf2)  }
0x1d: {  	v4 =	vbroadcast v4, $0xF;
	_ =	sdelay $0x1  }
0x1e: {  	(erf) = vrcp.f32 v4;
	_ =	sdelay $0x8  }
0x1f: {  	v4 =	vpop (erf)  }
0x20: {  	v3 =	vmul.f32 v4, v3;
	_ =	sdelay $0x1  }
0x21: {  	v2 =	vadd.f32 v3, v2;
	(xrf1) =	vsort.dscd.msk.f32 $0xffff, v3, v0;
	_ =	sdelay $0xd  }
0x22: {  	v3, v4, _ =	vpop (xrf1)  }
0x23: {  	v3 =	vnsel vm0, $0x0, v3  }
0x24: {  	(xrf2) =	vadd.scan.msk.f32 $0xffff, v3;
	_ =	sdelay $0x9  }
0x25: {  	v5, _, _ =	vpop (xrf2)  }
0x26: {  	(v2sf) =	vpush v5, $0xF;
	_ =	sdelay $0xe  }
0x27: {  	s17 =	spop (v2sf)  }
0x28: {  	s17 =	sadd.f32 $9.999999970e-07, s17;
	_ =	sdelay $0x1  }
0x29: {  	v5 =	vmov s17  }
0x2a: {  	(erf) = vrcp.f32 v5;
	_ =	sdelay $0x8  }
0x2b: {  	v5 =	vpop (erf)  }
.Ltmp0:
0x2c: {  	v3 =	vmul.f32 v5, v3;
	(pc) =	sbr.rel @p0 .LBB2_2-.Ltmp0, $4  }
0x2d: {  	[tilespmem:s15+$0x8000] =	vst v4  }
0x2e: {  	[tilespmem:s15+$0x4000] =	vst v3  }
0x2f: {  	s15 =	sshra.s32 s16, $0x2;
	[tilespmem:v4+s10+$0x0] =	vst.idx.add.f32.msk $0xff, v1  }
0x30: {  	s16 =	sadd.s32 $0x200, s16;
	v3 =	vld [tilespmem:s15+$0x0]  }
0x31: {  	_ =	sdelay $0x3  }
0x32: {  	(xrf0) =	vmax.scan.msk.f32 $0xffff, v3;
	_ =	sdelay $0x5  }
0x33: {  	v4, _, _ =	vpop (xrf0)  }
0x34: {  	v4 =	vbroadcast v4, $0xF;
	_ =	sdelay $0x1  }
0x35: {  	v3 =	vsub.f32 v3, v4;
	_ =	sdelay $0x1  }
0x36: {  	v3 =	vmul.f32 $1.442695020e+00, v3;
	_ =	sdelay $0x1  }
0x37: {  	(erf) = vpow2.f32 v3;
	_ =	sdelay $0x8  }
0x38: {  	v3 =	vpop (erf)  }
0x39: {  	(xrf2) =	vadd.scan.msk.f32 $0xffff, v3;
	_ =	sdelay $0x9  }
0x3a: {  	v61, _, _ =	vpop (xrf2)  }
0x3b: {  	v4 =	vbroadcast v61, $0xF;
	_ =	sdelay $0x1  }
0x3c: {  	(erf) = vrcp.f32 v4;
	_ =	sdelay $0x8  }
0x3d: {  	v4 =	vpop (erf)  }
0x3e: {  	v3 =	vmul.f32 v4, v3;
	_ =	sdelay $0x1  }
0x3f: {  	(xrf1) =	vsort.dscd.msk.f32 $0xffff, v3, v0;
	_ =	sdelay $0xd  }
0x40: {  	v62, v5, _ =	vpop (xrf1)  }
0x41: {  	v4 =	vnsel vm0, $0x0, v62  }
0x42: {  	(xrf2) =	vadd.scan.msk.f32 $0xffff, v4;
	_ =	sdelay $0x9  }
0x43: {  	v6, _, _ =	vpop (xrf2)  }
0x44: {  	(v2sf) =	vpush v6, $0xF;
	_ =	sdelay $0xe  }
0x45: {  	s16 =	spop (v2sf)  }
0x46: {  	s16 =	sadd.f32 $9.999999970e-07, s16;
	_ =	sdelay $0x1  }
0x47: {  	v63 =	vmov s16  }
0x48: {  	(erf) = vrcp.f32 v63;
	_ =	sdelay $0x8  }
0x49: {  	v6 =	vpop (erf)  }
0x4a: {  	v4 =	vmul.f32 v6, v4  }
0x4b: {  	[tilespmem:s15+$0x8000] =	vst v5  }
0x4c: {  	v2 =	vadd.f32 v3, v2;
	[tilespmem:s15+$0x4000] =	vst v4  }
0x4d: {  	[tilespmem:v5+s10+$0x0] =	vst.idx.add.f32.msk $0xff, v1  }
0x4e: {  	[tilespmem:$0xC080] =	vst v2  }
0x4f: {  	[hbm4b:s4+s2] =	stream.linear.scatter [tilespmem:s11], [sflag:$0x1], $0x4000, $0x38;
	[tilespmem:$0xC100] =	vst v63  }
0x50: {  	_ =	swait.ge [sflag:s9], $0x4000  }
0x51: {  	[sflag:s9] =	ssyncset.done $0x0  }
0x52: {  	[sflag:s9] =	ssyncadd.s32 $0xFFFFC000  }
0x53: {  	[hbm4b:s5+s2] =	stream.linear.scatter [tilespmem:s12], [sflag:$0x1], $0x4000, $0x38;
	[tilespmem:$0xC100] =	vst v63  }
0x54: {  	_ =	swait.ge [sflag:s9], $0x4000  }
0x55: {  	[sflag:s9] =	ssyncset.done $0x0  }
0x56: {  	[sflag:s9] =	ssyncadd.s32 $0xFFFFC000  }
0x57: {  	[hbm4b:s6+s2] =	stream.linear.scatter [tilespmem:s10], [sflag:$0x1], $0x80, $0x38;
	[tilespmem:$0xC100] =	vst v63  }
0x58: {  	s14 =	sadd.s32 $0x1, s14;
	_ =	swait.ge [sflag:s9], $0x80  }
0x59: {  	p0 =	sne.s32 s14, s8;
	[sflag:s9] =	ssyncset.done $0x0  }
.Ltmp1:
0x5a: {  	[sflag:s9] =	ssyncadd.s32 $0xFFFFFF80;
	(pc) =	sbr.rel @p0 .LBB2_1-.Ltmp1, $4  }
0x5b: {  	[hbm4b:s7+s2] =	stream.linear.scatter [tilespmem:s13], [sflag:$0x1], $0x80, $0x38;
	[tilespmem:$0xC100] =	vst v63  }
0x5c: {  	_ =	swait.ge [sflag:s9], $0x80  }
0x5d: {  	[sflag:s9] =	ssyncset.done $0x0  }
0x5e: {  	[sflag:s9] =	ssyncadd.s32 $0xFFFFFF80  }
0x5f: {  	_ =	sfence.sel $0x180000  }
0x60: {  	[bflag:$0x0] =	sbarrier.arrive $0xFFFF  }
0x61: {  	p0 =	sne.s32 s1, $0x0;
	_ =	strace $0x90000047  }
0x62: {  	s0 =	sadd.s32 @!p0 $0x100000, s0;
	[bflag:$0x2] =	sbarrier.arrive $0xFFFF  }
0x63: {  	[sflag:s0] =	ssyncadd.tile.s32 @!p0 $0x1;
	_ =	shalt  }
.Lfunc_end2:
_tile_overlayer_lowered:
.L_overlay_start_2:
0x64: {  	(tag) =	ssettag $0x2  }
0x65: {  	s0 =	rddreg [dreg:$0x0];
	s2 =	stileid.u32  }
0x66: {  	s1 =	rddreg [dreg:$0x1];
	p0 =	sne.s32 s2, $0x0  }
0x67: {  	s3 =	rddreg [dreg:$0x2];
	[bflag:$0x3] =	sbarrier.arrive $0xFFFF;
	s2 =	simm.s32 @!p0 $0x1C01  }
0x68: {  	[timem:s3], [sflag:s2] =	dma.local @!p0 [hbm:s0], s1  }
0x69: {  	s0 =	simm.s32 @!p0 $0x1  }
0x6a: {  	_ =	swait.ge @!p0 [sflag:s0], s1  }
0x6b: {  	s1 =	ssub.s32 @!p0 $0x0, s1;
	[sflag:s0] =	ssyncset.done @!p0 $0x0  }
0x6c: {  	[sflag:s0] =	ssyncadd.s32 @!p0 s1  }
0x6d: {  	[bflag:$0x3] =	sbarrier.arrive $0xFFFF  }
0x6e: {  	_ =	shalt  }

</sc_bundles>
